<compile_context>
chip_gen: v7x
topology: tpu7x:2x2x1
jax: 0.10.2.dev20260603
libtpu: 0.0.44.dev20260713+nightly
codegen_flags: <defaults>
</compile_context>

<pallas_src>
import functools

import jax
import jax.numpy as jnp
from jax import lax
from jax.experimental import pallas as pl
from jax.experimental.pallas import tpu as pltpu
from jax.experimental.pallas import tpu_sc as plsc

NC, NS = 2, 16
WC = 128
K = 80
NSPLIT = 2
NG = 64


def _leaky(v):
    return jnp.where(v >= 0, v, 0.15 * v)



def _edge_mlp_body(ea_ref, w_ref, b_ref, ei_ref, out_ref, deg_ref, dst_ref,
                   deg_acc):
    i = pl.program_id(0)
    nb = pl.num_programs(0)
    f32 = jnp.float32
    v = lax.dot_general(ea_ref[...], w_ref[...], (((0,), (0,)), ((), ())),
                        preferred_element_type=f32)
    v = _leaky(v + b_ref[...])
    out_ref[0, :, :] = v[:, :WC]
    out_ref[1, :, :] = v[:, WC:]

    d = ei_ref[1, :]
    dst_ref[0, 0, :] = d
    be = d.shape[0]
    nh = deg_acc.shape[0]
    hi = d >> 7
    lo = d & 127
    bf = jnp.bfloat16
    oh_hi = (hi[:, None] == lax.broadcasted_iota(jnp.int32, (be, nh), 1)).astype(bf)
    oh_lo = (lo[:, None] == lax.broadcasted_iota(jnp.int32, (be, 128), 1)).astype(bf)

    @pl.when(i == 0)
    def _():
        deg_acc[...] = jnp.zeros_like(deg_acc)

    deg_acc[...] += lax.dot_general(
        oh_hi, oh_lo, (((0,), (0,)), ((), ())), preferred_element_type=f32)

    @pl.when(i == nb - 1)
    def _():
        deg_ref[...] = deg_acc[...]


def _edge_mlp(ea_t, Wcat, bcat, edge_index, nh, p, nsplit, block_e):
    ED, E = ea_t.shape
    Eh = E // nsplit
    W = Wcat.shape[1]
    nb = Eh // block_e
    off = p * nb
    return pl.pallas_call(
        _edge_mlp_body,
        grid=(nb,),
        in_specs=[
            pl.BlockSpec((ED, block_e), lambda i: (0, i + off)),
            pl.BlockSpec((ED, W), lambda i: (0, 0)),
            pl.BlockSpec((1, W), lambda i: (0, 0)),
            pl.BlockSpec((2, block_e), lambda i: (0, i + off)),
        ],
        out_specs=[
            pl.BlockSpec((NC, block_e, WC), lambda i: (0, i, 0)),
            pl.BlockSpec((nh, 128), lambda i: (0, 0)),
            pl.BlockSpec((1, 1, block_e), lambda i: (i, 0, 0)),
        ],
        out_shape=[
            jax.ShapeDtypeStruct((NC, Eh, WC), jnp.float32),
            jax.ShapeDtypeStruct((nh, 128), jnp.float32),
            jax.ShapeDtypeStruct((nb, 1, block_e), jnp.int32),
        ],
        scratch_shapes=[pltpu.VMEM((nh, 128), jnp.float32)],
    )(ea_t, Wcat, bcat, edge_index)



def _sc_segsum(h1p, dst, zeros_init, eoff):
    Eh = h1p.shape[1]
    Np = zeros_init.shape[0]
    ept = Eh // NS
    npt = Np // NS
    nchunks = ept // K
    nbuf = 4
    mesh = plsc.VectorSubcoreMesh(
        core_axis_name="c", subcore_axis_name="s",
        num_cores=NC, num_subcores=NS)

    @functools.partial(
        pl.kernel,
        out_type=[jax.ShapeDtypeStruct((Np, WC), jnp.float32),
                  jax.ShapeDtypeStruct((Np, WC), jnp.float32)],
        mesh=mesh,
        scratch_types=[
            pltpu.VMEM((nbuf, K), jnp.int32),
            pltpu.VMEM((nbuf, K, WC), jnp.float32),
            pltpu.VMEM_SHARED((Np, WC), jnp.float32),
            pltpu.SemaphoreType.DMA((nbuf,)),
            pltpu.SemaphoreType.DMA((nbuf,)),
        ],
    )
    def body(h1_hbm, dst_hbm, zero_hbm, out0_hbm, out1_hbm, idx_v, rows_v,
             acc, isem, rsem):
        c = lax.axis_index("c")
        s = lax.axis_index("s")
        r0 = s * npt
        pltpu.sync_copy(zero_hbm.at[pl.ds(r0, npt), :], acc.at[pl.ds(r0, npt), :])
        plsc.subcore_barrier()
        t0 = s * ept

        def load(e0, b):
            pltpu.async_copy(dst_hbm.at[pl.ds(eoff + e0, K)], idx_v.at[b],
                             isem.at[b])
            pltpu.async_copy(h1_hbm.at[c, pl.ds(e0, K), :], rows_v.at[b],
                             rsem.at[b])

        def consume(i, e0, b):
            pltpu.make_async_copy(dst_hbm.at[pl.ds(0, K)], idx_v.at[b],
                                  isem.at[b]).wait()
            pltpu.make_async_copy(h1_hbm.at[0, pl.ds(0, K), :],
                                  rows_v.at[b], rsem.at[b]).wait()
            pltpu.sync_copy(rows_v.at[b], acc.at[idx_v.at[b]], add=True)

            @pl.when(i + nbuf < nchunks)
            def _():
                load(e0 + nbuf * K, b)

        for b in range(min(nbuf, nchunks)):
            load(t0 + b * K, b)

        def outer(g, carry):
            for b in range(nbuf):
                i = g * nbuf + b
                consume(i, t0 + i * K, b)
            return carry

        lax.fori_loop(0, nchunks // nbuf, outer, 0)
        for b in range(nchunks % nbuf):
            i = (nchunks // nbuf) * nbuf + b
            consume(i, t0 + i * K, b)

        plsc.subcore_barrier()

        @pl.when(c == 0)
        def _():
            pltpu.sync_copy(acc.at[pl.ds(r0, npt), :],
                            out0_hbm.at[pl.ds(r0, npt), :])

        @pl.when(c == 1)
        def _():
            pltpu.sync_copy(acc.at[pl.ds(r0, npt), :],
                            out1_hbm.at[pl.ds(r0, npt), :])

    return body(h1p, dst, zeros_init)



def _node_body(x_ref, s0_refs, s1_refs, deg_refs, batch_ref,
               c1nmW_ref, c1nmb_ref, c1e2W_ref, c1e2b_ref,
               c2nmW_ref, c2nmb_ref, c2e2W_ref, c2e2b_ref,
               muW_ref, mub_ref, lvW_ref, lvb_ref, clsW_ref, clsb_ref,
               z_ref, mu_ref, lv_ref, logit_ref, pooled_acc, cnt_acc):
    i = pl.program_id(0)
    nb = pl.num_programs(0)
    x = x_ref[...]
    H = c1nmb_ref.shape[1]
    D = x.shape[1]
    S1 = s0_refs[0][...]
    for r in s0_refs[1:]:
        S1 = S1 + r[...]
    S2 = s1_refs[0][...]
    for r in s1_refs[1:]:
        S2 = S2 + r[...]
    deg = deg_refs[0][...]
    for r in deg_refs[1:]:
        deg = deg + r[...]

    f32 = jnp.float32
    w1 = c1nmW_ref[...]
    A1, Be1 = w1[:D], w1[D:]
    W2_1 = jnp.dot(c1e2W_ref[...], Be1, preferred_element_type=f32)
    u1 = jnp.dot(c1e2b_ref[...], Be1, preferred_element_type=f32) + c1nmb_ref[...]
    h = _leaky(deg * (jnp.dot(x, A1, preferred_element_type=f32) + u1)
               + jnp.dot(S1, W2_1, preferred_element_type=f32))

    w2 = c2nmW_ref[...]
    A2, Be2 = w2[:H], w2[H:]
    W2_2 = jnp.dot(c2e2W_ref[...], Be2, preferred_element_type=f32)
    u2 = jnp.dot(c2e2b_ref[...], Be2, preferred_element_type=f32) + c2nmb_ref[...]
    h2 = _leaky(deg * (jnp.dot(h, A2, preferred_element_type=f32) + u2)
                + jnp.dot(S2, W2_2, preferred_element_type=f32))

    mu = jnp.dot(h2, muW_ref[...], preferred_element_type=f32) + mub_ref[...]
    lv = jnp.dot(h2, lvW_ref[...], preferred_element_type=f32) + lvb_ref[...]
    z_ref[...] = mu
    mu_ref[...] = mu
    lv_ref[...] = lv

    G = pooled_acc.shape[1]
    rb = x.shape[0]
    b = batch_ref[0, 0, :]
    gids = lax.broadcasted_iota(jnp.int32, (rb, G), 1)
    oh = (b[:, None] == gids).astype(f32)

    @pl.when(i == 0)
    def _():
        pooled_acc[...] = jnp.zeros_like(pooled_acc)
        cnt_acc[...] = jnp.zeros_like(cnt_acc)

    pooled_acc[...] += lax.dot_general(
        mu, oh, (((0,), (0,)), ((), ())), preferred_element_type=f32)
    cnt_acc[...] += lax.dot_general(
        jnp.ones((rb, 8), f32), oh, (((0,), (0,)), ((), ())),
        preferred_element_type=f32)

    @pl.when(i == nb - 1)
    def _():
        cnt = jnp.maximum(cnt_acc[0:1, :], 1.0)
        pooledT = pooled_acc[...] / cnt
        logit_ref[...] = (lax.dot_general(
            clsW_ref[...], pooledT, (((0,), (0,)), ((), ())),
            preferred_element_type=f32) + clsb_ref[...])


def _node_stage(x, S0s, S1s, degs, batch,
                c1nmW, c1nmb, c1e2W, c1e2b, c2nmW, c2nmb, c2e2W, c2e2b,
                muW, mub, lvW, lvb, clsW, clsb, block_n=2000):
    N, D = x.shape
    L = muW.shape[1]
    C = clsW.shape[1]
    G = NG
    nb = N // block_n
    batch_r = batch.reshape(nb, 1, block_n)
    row = lambda i: (i, 0)
    cst = lambda i: (0, 0)
    full = lambda a: pl.BlockSpec(a.shape, cst)
    srow = pl.BlockSpec((block_n, WC), row)

    def wrapped(x_ref, *rest):
        np_ = len(S0s)
        s0r = rest[:np_]
        s1r = rest[np_:2 * np_]
        degr = rest[2 * np_:3 * np_]
        _node_body(x_ref, s0r, s1r, degr, *rest[3 * np_:])

    out = pl.pallas_call(
        wrapped,
        grid=(nb,),
        in_specs=[pl.BlockSpec((block_n, D), row)]
        + [srow] * len(S0s) + [srow] * len(S1s)
        + [pl.BlockSpec((block_n, 1), row)] * len(degs)
        + [pl.BlockSpec((1, 1, block_n), lambda i: (i, 0, 0)),
           full(c1nmW), full(c1nmb), full(c1e2W), full(c1e2b),
           full(c2nmW), full(c2nmb), full(c2e2W), full(c2e2b),
           full(muW), full(mub), full(lvW), full(lvb),
           full(clsW), full(clsb)],
        out_specs=[
            pl.BlockSpec((block_n, L), row),
            pl.BlockSpec((block_n, L), row),
            pl.BlockSpec((block_n, L), row),
            pl.BlockSpec((C, G), cst),
        ],
        out_shape=[
            jax.ShapeDtypeStruct((N, L), jnp.float32),
            jax.ShapeDtypeStruct((N, L), jnp.float32),
            jax.ShapeDtypeStruct((N, L), jnp.float32),
            jax.ShapeDtypeStruct((C, G), jnp.float32),
        ],
        scratch_shapes=[
            pltpu.VMEM((L, G), jnp.float32),
            pltpu.VMEM((8, G), jnp.float32),
        ],
    )(x, *S0s, *S1s, *degs, batch_r,
      c1nmW, c1nmb, c1e2W, c1e2b, c2nmW, c2nmb, c2e2W, c2e2b,
      muW, mub, lvW, lvb, clsW, clsb)
    return out


def kernel(x, edge_index, edge_attr, batch, eps,
           c1e1W, c1e1b, c1e2W, c1e2b, c1nmW, c1nmb,
           c2e1W, c2e1b, c2e2W, c2e2b, c2nmW, c2nmb,
           muW, mub, lvW, lvb, clsW, clsb):
    N, D = x.shape
    E, ED = edge_attr.shape
    H = c1e1W.shape[1]

    Wcat = jnp.concatenate([c1e1W, c2e1W], axis=1).astype(jnp.float32)
    bcat = jnp.concatenate([c1e1b, c2e1b]).reshape(1, 2 * H).astype(jnp.float32)

    nh = (N + 127) // 128
    npad = 16 * NS
    Np = (N + npad - 1) // npad * npad
    zeros_init = jnp.zeros((Np, WC), jnp.float32)

    Eh = E // NSPLIT
    block_e = 6400
    ea_t = edge_attr.T

    S0s, S1s, degs = [], [], []
    for p in range(NSPLIT):
        h1p, deg80, dst_p = _edge_mlp(ea_t, Wcat, bcat, edge_index, nh, p,
                                      NSPLIT, block_e)
        Sa, Sb = _sc_segsum(h1p, dst_p.reshape(Eh), zeros_init, 0)
        S0s.append(Sa)
        S1s.append(Sb)
        degs.append(deg80.reshape(-1)[:N].reshape(N, 1))

    z, mu, lv, logitsT = _node_stage(
        x, S0s, S1s, degs, batch,
        c1nmW, c1nmb.reshape(1, H), c1e2W, c1e2b.reshape(1, H),
        c2nmW, c2nmb.reshape(1, H), c2e2W, c2e2b.reshape(1, H),
        muW, mub.reshape(1, -1), lvW, lvb.reshape(1, -1),
        clsW, clsb.reshape(-1, 1))
    return (z, mu, lv, logitsT.T)

# --- scband reference (transcript-rebuilt; emitter-appended) ---
"""Pipeline reference for scband-edge-vgae-22110491640016 (READ-ONLY COPY).

The authoritative reference and input builder live on the scoring server;
editing this copy changes nothing except your own understanding.
"""

import jax, jax.numpy as jnp
import numpy as np

N, E, D, ED, H, L, C, G = 10000, 320000, 128, 16, 128, 64, 10, 64

def _leaky(v):
    return jnp.where(v >= 0, v, 0.15 * v)

def setup_inputs(seed: int = 0):
    key = jax.random.key(seed)
    ks = jax.random.split(key, 24)
    s = 0.05
    inp = {}
    inp["x"] = jax.random.normal(ks[0], (N, D), dtype=jnp.float32)
    inp["edge_index"] = jax.random.randint(ks[1], (2, E), 0, N, dtype=jnp.int32)
    inp["edge_attr"] = jax.random.normal(ks[2], (E, ED), dtype=jnp.float32)
    inp["batch"] = jnp.sort(jax.random.randint(ks[3], (N,), 0, G, dtype=jnp.int32))
    inp["eps"] = 0
    inp["c1e1W"] = jax.random.normal(ks[4], (ED, H)) * s
    inp["c1e1b"] = jnp.zeros((H,))
    inp["c1e2W"] = jax.random.normal(ks[5], (H, H)) * s
    inp["c1e2b"] = jnp.zeros((H,))
    inp["c1nmW"] = jax.random.normal(ks[6], (D + H, H)) * s
    inp["c1nmb"] = jnp.zeros((H,))
    inp["c2e1W"] = jax.random.normal(ks[7], (ED, H)) * s
    inp["c2e1b"] = jnp.zeros((H,))
    inp["c2e2W"] = jax.random.normal(ks[8], (H, H)) * s
    inp["c2e2b"] = jnp.zeros((H,))
    inp["c2nmW"] = jax.random.normal(ks[9], (H + H, H)) * s
    inp["c2nmb"] = jnp.zeros((H,))
    inp["muW"] = jax.random.normal(ks[10], (H, L)) * s
    inp["mub"] = jnp.zeros((L,))
    inp["lvW"] = jax.random.normal(ks[11], (H, L)) * s
    inp["lvb"] = jnp.zeros((L,))
    inp["clsW"] = jax.random.normal(ks[12], (L, C)) * s
    inp["clsb"] = jnp.zeros((C,))
    return inp

def _conv(x, edge_index, edge_attr, e1W, e1b, e2W, e2b, nmW, nmb):
    # edge_mlp: Linear -> LeakyReLU(0.15) -> Linear
    h = _leaky(edge_attr @ e1W + e1b)
    emb = h @ e2W + e2b
    # PyG MessagePassing flow source_to_target: i = edge_index[1] (dst)
    x_i = x[edge_index[1]]
    msg = jnp.concatenate([x_i, emb], axis=1) @ nmW + nmb
    # aggr='add' scatter to dst nodes
    return jax.ops.segment_sum(msg, edge_index[1], num_segments=N)

def reference(x, edge_index, edge_attr, batch, eps, c1e1W, c1e1b, c1e2W, c1e2b, c1nmW, c1nmb, c2e1W, c2e1b, c2e2W, c2e2b, c2nmW, c2nmb, muW, mub, lvW, lvb, clsW, clsb):
    # dropout is identity in eval mode
    h = _leaky(_conv(x, edge_index, edge_attr, c1e1W, c1e1b, c1e2W, c1e2b, c1nmW, c1nmb))
    h = _leaky(_conv(h, edge_index, edge_attr, c2e1W, c2e1b, c2e2W, c2e2b, c2nmW, c2nmb))
    mu = h @ muW + mub
    logvar = h @ lvW + lvb
    # eps == 0.0 -> z = mu (deterministic path)
    z = mu
    ones = jnp.ones((x.shape[0],), dtype=x.dtype)
    cnt = jax.ops.segment_sum(ones, batch, num_segments=G)
    pooled = jax.ops.segment_sum(z, batch, num_segments=G) / jnp.maximum(cnt, 1.0)[:, None]
    logits = pooled @ clsW + clsb
    return (z, mu, logvar, logits)

if __name__ == "__main__":
    import jax
    _d = setup_inputs()
    print(jax.jit(kernel)(*tuple(_d.values())))

</pallas_src>

<mosaic_0001>
#map = affine_map<(d0, d1) -> (0, 0, 0)>
#map1 = affine_map<(d0, d1) -> (0)>
#map2 = affine_map<(d0, d1) -> (0, 0)>
module attributes {stable_mosaic.version = 14 : i64} {
  func.func @body(%arg0: i32, %arg1: i32, %arg2: memref<2x160000x128xf32, #tpu.memory_space<hbm>>, %arg3: memref<160000xi32, #tpu.memory_space<hbm>>, %arg4: memref<10240x128xf32, #tpu.memory_space<hbm>>, %arg5: memref<10240x128xf32, #tpu.memory_space<hbm>>, %arg6: memref<10240x128xf32, #tpu.memory_space<hbm>>, %arg7: memref<4x80xi32, #tpu.memory_space<vmem>>, %arg8: memref<4x80x128xf32, #tpu.memory_space<vmem>>, %arg9: memref<10240x128xf32, #tpu.memory_space<vmem_shared>>, %arg10: memref<4x!tpu.dma_semaphore, #tpu.memory_space<semaphore_mem>>, %arg11: memref<4x!tpu.dma_semaphore, #tpu.memory_space<semaphore_mem>>) attributes {dimension_semantics = [#tpu.dimension_semantics<core_parallel>, #tpu.dimension_semantics<subcore_parallel>], iteration_bounds = array<i64: 2, 16>, scalar_prefetch = 0 : i64, scratch_operands = 5 : i64, tpu.core_type = #tpu.core_type<sc_vector_subcore>, window_params = [{transform_indices = #map}, {transform_indices = #map1}, {transform_indices = #map2}, {transform_indices = #map2}, {transform_indices = #map2}]} {
    %mul3A = arith.constant 640 : i32
    %mul3A_0 = arith.muli %arg1, %mul3A : i32
    "tpu.region"() ({
      %run_scoped3A_187 = tpu.sem_alloc : memref<!tpu.dma_semaphore, #tpu.memory_space<semaphore_mem>>
      %dma_start3A_188 = arith.constant 0 : i32
      %dma_start3A_189 = tpu.memref_slice %arg9[%mul3A_0, %dma_start3A_188] : memref<10240x128xf32, #tpu.memory_space<vmem_shared>> -> memref<640x128xf32, #tpu.memory_space<vmem_shared>>
      %dma_start3A_190 = arith.constant 0 : i32
      %dma_start3A_191 = tpu.memref_slice %arg4[%mul3A_0, %dma_start3A_190] : memref<10240x128xf32, #tpu.memory_space<hbm>> -> memref<640x128xf32, #tpu.memory_space<hbm>>
      tpu.enqueue_dma source(%dma_start3A_191 : memref<640x128xf32, #tpu.memory_space<hbm>>) target(%dma_start3A_189 : memref<640x128xf32, #tpu.memory_space<vmem_shared>>) target_semaphore(%run_scoped3A_187 : memref<!tpu.dma_semaphore, #tpu.memory_space<semaphore_mem>>)
      %dma_wait3A_192 = arith.constant 0 : i32
      %dma_wait3A_193 = tpu.memref_slice %arg9[%mul3A_0, %dma_wait3A_192] : memref<10240x128xf32, #tpu.memory_space<vmem_shared>> -> memref<640x128xf32, #tpu.memory_space<vmem_shared>>
      %dma_wait3A_194 = arith.constant 0 : i32
      %dma_wait3A_195 = tpu.memref_slice %arg4[%mul3A_0, %dma_wait3A_194] : memref<10240x128xf32, #tpu.memory_space<hbm>> -> memref<640x128xf32, #tpu.memory_space<hbm>>
      tpu.wait_dma2 semaphore(%run_scoped3A_187 : memref<!tpu.dma_semaphore, #tpu.memory_space<semaphore_mem>>) src(%dma_wait3A_195 : memref<640x128xf32, #tpu.memory_space<hbm>>) dst(%dma_wait3A_193 : memref<640x128xf32, #tpu.memory_space<vmem_shared>>)
      tpu.yield
    }) : () -> ()
    %barrier3A = arith.constant 0 : index
    tpu.barrier barrier_id(%barrier3A)
    %mul3A_1 = arith.constant 10000 : i32
    %mul3A_2 = arith.muli %arg1, %mul3A_1 : i32
    %add3A = arith.constant 0 : i32
    %add3A_3 = arith.addi %mul3A_2, %add3A : i32
    %add3A_4 = arith.constant 0 : i32
    %add3A_5 = arith.addi %add3A_4, %add3A_3 : i32
    %dma_start3A = arith.constant 0 : i32
    %dma_start3A_6 = arith.constant 0 : i32
    %dma_start3A_7 = arith.constant 0 : i32
    %dma_start3A_8 = tpu.memref_slice %arg7[%dma_start3A, %dma_start3A_7] : memref<4x80xi32, #tpu.memory_space<vmem>> -> memref<1x80xi32, #tpu.memory_space<vmem>>
    %dma_start3A_9 = tpu.memref_squeeze %dma_start3A_8 : memref<1x80xi32, #tpu.memory_space<vmem>> -> memref<80xi32, #tpu.memory_space<vmem>>
    %dma_start3A_10 = tpu.memref_slice %arg3[%add3A_5] : memref<160000xi32, #tpu.memory_space<hbm>> -> memref<80xi32, #tpu.memory_space<hbm>>
    %dma_start3A_11 = tpu.memref_slice %arg10[%dma_start3A_6] : memref<4x!tpu.dma_semaphore, #tpu.memory_space<semaphore_mem>> -> memref<1x!tpu.dma_semaphore, #tpu.memory_space<semaphore_mem>>
    %dma_start3A_12 = tpu.memref_squeeze %dma_start3A_11 : memref<1x!tpu.dma_semaphore, #tpu.memory_space<semaphore_mem>> -> memref<!tpu.dma_semaphore, #tpu.memory_space<semaphore_mem>>
    %dma_start3A_13 = arith.constant 0 : i32
    %dma_start3A_14 = tpu.memref_slice %arg7[%dma_start3A, %dma_start3A_13] : memref<4x80xi32, #tpu.memory_space<vmem>> -> memref<1x80xi32, #tpu.memory_space<vmem>>
    %dma_start3A_15 = tpu.memref_squeeze %dma_start3A_14 : memref<1x80xi32, #tpu.memory_space<vmem>> -> memref<80xi32, #tpu.memory_space<vmem>>
    %dma_start3A_16 = tpu.memref_slice %arg3[%add3A_5] : memref<160000xi32, #tpu.memory_space<hbm>> -> memref<80xi32, #tpu.memory_space<hbm>>
    tpu.enqueue_dma source(%dma_start3A_16 : memref<80xi32, #tpu.memory_space<hbm>>) target(%dma_start3A_15 : memref<80xi32, #tpu.memory_space<vmem>>) target_semaphore(%dma_start3A_12 : memref<!tpu.dma_semaphore, #tpu.memory_space<semaphore_mem>>)
    %dma_start3A_17 = arith.constant 0 : i32
    %dma_start3A_18 = arith.constant 0 : i32
    %dma_start3A_19 = arith.constant 0 : i32
    %dma_start3A_20 = arith.constant 0 : i32
    %dma_start3A_21 = tpu.memref_slice %arg8[%dma_start3A_17, %dma_start3A_19, %dma_start3A_20] : memref<4x80x128xf32, #tpu.memory_space<vmem>> -> memref<1x80x128xf32, #tpu.memory_space<vmem>>
    %dma_start3A_22 = tpu.memref_squeeze %dma_start3A_21 : memref<1x80x128xf32, #tpu.memory_space<vmem>> -> memref<80x128xf32, #tpu.memory_space<vmem>>
    %dma_start3A_23 = arith.constant 0 : i32
    %dma_start3A_24 = tpu.memref_slice %arg2[%arg0, %add3A_3, %dma_start3A_23] : memref<2x160000x128xf32, #tpu.memory_space<hbm>> -> memref<1x80x128xf32, #tpu.memory_space<hbm>>
    %dma_start3A_25 = tpu.memref_squeeze %dma_start3A_24 : memref<1x80x128xf32, #tpu.memory_space<hbm>> -> memref<80x128xf32, #tpu.memory_space<hbm>>
    %dma_start3A_26 = tpu.memref_slice %arg11[%dma_start3A_18] : memref<4x!tpu.dma_semaphore, #tpu.memory_space<semaphore_mem>> -> memref<1x!tpu.dma_semaphore, #tpu.memory_space<semaphore_mem>>
    %dma_start3A_27 = tpu.memref_squeeze %dma_start3A_26 : memref<1x!tpu.dma_semaphore, #tpu.memory_space<semaphore_mem>> -> memref<!tpu.dma_semaphore, #tpu.memory_space<semaphore_mem>>
    %dma_start3A_28 = arith.constant 0 : i32
    %dma_start3A_29 = arith.constant 0 : i32
    %dma_start3A_30 = tpu.memref_slice %arg8[%dma_start3A_17, %dma_start3A_28, %dma_start3A_29] : memref<4x80x128xf32, #tpu.memory_space<vmem>> -> memref<1x80x128xf32, #tpu.memory_space<vmem>>
    %dma_start3A_31 = tpu.memref_squeeze %dma_start3A_30 : memref<1x80x128xf32, #tpu.memory_space<vmem>> -> memref<80x128xf32, #tpu.memory_space<vmem>>
    %dma_start3A_32 = arith.constant 0 : i32
    %dma_start3A_33 = tpu.memref_slice %arg2[%arg0, %add3A_3, %dma_start3A_32] : memref<2x160000x128xf32, #tpu.memory_space<hbm>> -> memref<1x80x128xf32, #tpu.memory_space<hbm>>
    %dma_start3A_34 = tpu.memref_squeeze %dma_start3A_33 : memref<1x80x128xf32, #tpu.memory_space<hbm>> -> memref<80x128xf32, #tpu.memory_space<hbm>>
    tpu.enqueue_dma source(%dma_start3A_34 : memref<80x128xf32, #tpu.memory_space<hbm>>) target(%dma_start3A_31 : memref<80x128xf32, #tpu.memory_space<vmem>>) target_semaphore(%dma_start3A_27 : memref<!tpu.dma_semaphore, #tpu.memory_space<semaphore_mem>>)
    %add3A_35 = arith.constant 80 : i32
    %add3A_36 = arith.addi %mul3A_2, %add3A_35 : i32
    %add3A_37 = arith.constant 0 : i32
    %add3A_38 = arith.addi %add3A_37, %add3A_36 : i32
    %dma_start3A_39 = arith.constant 1 : i32
    %dma_start3A_40 = arith.constant 1 : i32
    %dma_start3A_41 = arith.constant 0 : i32
    %dma_start3A_42 = tpu.memref_slice %arg7[%dma_start3A_39, %dma_start3A_41] : memref<4x80xi32, #tpu.memory_space<vmem>> -> memref<1x80xi32, #tpu.memory_space<vmem>>
    %dma_start3A_43 = tpu.memref_squeeze %dma_start3A_42 : memref<1x80xi32, #tpu.memory_space<vmem>> -> memref<80xi32, #tpu.memory_space<vmem>>
    %dma_start3A_44 = tpu.memref_slice %arg3[%add3A_38] : memref<160000xi32, #tpu.memory_space<hbm>> -> memref<80xi32, #tpu.memory_space<hbm>>
    %dma_start3A_45 = tpu.memref_slice %arg10[%dma_start3A_40] : memref<4x!tpu.dma_semaphore, #tpu.memory_space<semaphore_mem>> -> memref<1x!tpu.dma_semaphore, #tpu.memory_space<semaphore_mem>>
    %dma_start3A_46 = tpu.memref_squeeze %dma_start3A_45 : memref<1x!tpu.dma_semaphore, #tpu.memory_space<semaphore_mem>> -> memref<!tpu.dma_semaphore, #tpu.memory_space<semaphore_mem>>
    %dma_start3A_47 = arith.constant 0 : i32
    %dma_start3A_48 = tpu.memref_slice %arg7[%dma_start3A_39, %dma_start3A_47] : memref<4x80xi32, #tpu.memory_space<vmem>> -> memref<1x80xi32, #tpu.memory_space<vmem>>
    %dma_start3A_49 = tpu.memref_squeeze %dma_start3A_48 : memref<1x80xi32, #tpu.memory_space<vmem>> -> memref<80xi32, #tpu.memory_space<vmem>>
    %dma_start3A_50 = tpu.memref_slice %arg3[%add3A_38] : memref<160000xi32, #tpu.memory_space<hbm>> -> memref<80xi32, #tpu.memory_space<hbm>>
    tpu.enqueue_dma source(%dma_start3A_50 : memref<80xi32, #tpu.memory_space<hbm>>) target(%dma_start3A_49 : memref<80xi32, #tpu.memory_space<vmem>>) target_semaphore(%dma_start3A_46 : memref<!tpu.dma_semaphore, #tpu.memory_space<semaphore_mem>>)
    %dma_start3A_51 = arith.constant 1 : i32
    %dma_start3A_52 = arith.constant 1 : i32
    %dma_start3A_53 = arith.constant 0 : i32
    %dma_start3A_54 = arith.constant 0 : i32
    %dma_start3A_55 = tpu.memref_slice %arg8[%dma_start3A_51, %dma_start3A_53, %dma_start3A_54] : memref<4x80x128xf32, #tpu.memory_space<vmem>> -> memref<1x80x128xf32, #tpu.memory_space<vmem>>
    %dma_start3A_56 = tpu.memref_squeeze %dma_start3A_55 : memref<1x80x128xf32, #tpu.memory_space<vmem>> -> memref<80x128xf32, #tpu.memory_space<vmem>>
    %dma_start3A_57 = arith.constant 0 : i32
    %dma_start3A_58 = tpu.memref_slice %arg2[%arg0, %add3A_36, %dma_start3A_57] : memref<2x160000x128xf32, #tpu.memory_space<hbm>> -> memref<1x80x128xf32, #tpu.memory_space<hbm>>
    %dma_start3A_59 = tpu.memref_squeeze %dma_start3A_58 : memref<1x80x128xf32, #tpu.memory_space<hbm>> -> memref<80x128xf32, #tpu.memory_space<hbm>>
    %dma_start3A_60 = tpu.memref_slice %arg11[%dma_start3A_52] : memref<4x!tpu.dma_semaphore, #tpu.memory_space<semaphore_mem>> -> memref<1x!tpu.dma_semaphore, #tpu.memory_space<semaphore_mem>>
    %dma_start3A_61 = tpu.memref_squeeze %dma_start3A_60 : memref<1x!tpu.dma_semaphore, #tpu.memory_space<semaphore_mem>> -> memref<!tpu.dma_semaphore, #tpu.memory_space<semaphore_mem>>
    %dma_start3A_62 = arith.constant 0 : i32
    %dma_start3A_63 = arith.constant 0 : i32
    %dma_start3A_64 = tpu.memref_slice %arg8[%dma_start3A_51, %dma_start3A_62, %dma_start3A_63] : memref<4x80x128xf32, #tpu.memory_space<vmem>> -> memref<1x80x128xf32, #tpu.memory_space<vmem>>
    %dma_start3A_65 = tpu.memref_squeeze %dma_start3A_64 : memref<1x80x128xf32, #tpu.memory_space<vmem>> -> memref<80x128xf32, #tpu.memory_space<vmem>>
    %dma_start3A_66 = arith.constant 0 : i32
    %dma_start3A_67 = tpu.memref_slice %arg2[%arg0, %add3A_36, %dma_start3A_66] : memref<2x160000x128xf32, #tpu.memory_space<hbm>> -> memref<1x80x128xf32, #tpu.memory_space<hbm>>
    %dma_start3A_68 = tpu.memref_squeeze %dma_start3A_67 : memref<1x80x128xf32, #tpu.memory_space<hbm>> -> memref<80x128xf32, #tpu.memory_space<hbm>>
    tpu.enqueue_dma source(%dma_start3A_68 : memref<80x128xf32, #tpu.memory_space<hbm>>) target(%dma_start3A_65 : memref<80x128xf32, #tpu.memory_space<vmem>>) target_semaphore(%dma_start3A_61 : memref<!tpu.dma_semaphore, #tpu.memory_space<semaphore_mem>>)
    %add3A_69 = arith.constant 160 : i32
    %add3A_70 = arith.addi %mul3A_2, %add3A_69 : i32
    %add3A_71 = arith.constant 0 : i32
    %add3A_72 = arith.addi %add3A_71, %add3A_70 : i32
    %dma_start3A_73 = arith.constant 2 : i32
    %dma_start3A_74 = arith.constant 2 : i32
    %dma_start3A_75 = arith.constant 0 : i32
    %dma_start3A_76 = tpu.memref_slice %arg7[%dma_start3A_73, %dma_start3A_75] : memref<4x80xi32, #tpu.memory_space<vmem>> -> memref<1x80xi32, #tpu.memory_space<vmem>>
    %dma_start3A_77 = tpu.memref_squeeze %dma_start3A_76 : memref<1x80xi32, #tpu.memory_space<vmem>> -> memref<80xi32, #tpu.memory_space<vmem>>
    %dma_start3A_78 = tpu.memref_slice %arg3[%add3A_72] : memref<160000xi32, #tpu.memory_space<hbm>> -> memref<80xi32, #tpu.memory_space<hbm>>
    %dma_start3A_79 = tpu.memref_slice %arg10[%dma_start3A_74] : memref<4x!tpu.dma_semaphore, #tpu.memory_space<semaphore_mem>> -> memref<1x!tpu.dma_semaphore, #tpu.memory_space<semaphore_mem>>
    %dma_start3A_80 = tpu.memref_squeeze %dma_start3A_79 : memref<1x!tpu.dma_semaphore, #tpu.memory_space<semaphore_mem>> -> memref<!tpu.dma_semaphore, #tpu.memory_space<semaphore_mem>>
    %dma_start3A_81 = arith.constant 0 : i32
    %dma_start3A_82 = tpu.memref_slice %arg7[%dma_start3A_73, %dma_start3A_81] : memref<4x80xi32, #tpu.memory_space<vmem>> -> memref<1x80xi32, #tpu.memory_space<vmem>>
    %dma_start3A_83 = tpu.memref_squeeze %dma_start3A_82 : memref<1x80xi32, #tpu.memory_space<vmem>> -> memref<80xi32, #tpu.memory_space<vmem>>
    %dma_start3A_84 = tpu.memref_slice %arg3[%add3A_72] : memref<160000xi32, #tpu.memory_space<hbm>> -> memref<80xi32, #tpu.memory_space<hbm>>
    tpu.enqueue_dma source(%dma_start3A_84 : memref<80xi32, #tpu.memory_space<hbm>>) target(%dma_start3A_83 : memref<80xi32, #tpu.memory_space<vmem>>) target_semaphore(%dma_start3A_80 : memref<!tpu.dma_semaphore, #tpu.memory_space<semaphore_mem>>)
    %dma_start3A_85 = arith.constant 2 : i32
    %dma_start3A_86 = arith.constant 2 : i32
    %dma_start3A_87 = arith.constant 0 : i32
    %dma_start3A_88 = arith.constant 0 : i32
    %dma_start3A_89 = tpu.memref_slice %arg8[%dma_start3A_85, %dma_start3A_87, %dma_start3A_88] : memref<4x80x128xf32, #tpu.memory_space<vmem>> -> memref<1x80x128xf32, #tpu.memory_space<vmem>>
    %dma_start3A_90 = tpu.memref_squeeze %dma_start3A_89 : memref<1x80x128xf32, #tpu.memory_space<vmem>> -> memref<80x128xf32, #tpu.memory_space<vmem>>
    %dma_start3A_91 = arith.constant 0 : i32
    %dma_start3A_92 = tpu.memref_slice %arg2[%arg0, %add3A_70, %dma_start3A_91] : memref<2x160000x128xf32, #tpu.memory_space<hbm>> -> memref<1x80x128xf32, #tpu.memory_space<hbm>>
    %dma_start3A_93 = tpu.memref_squeeze %dma_start3A_92 : memref<1x80x128xf32, #tpu.memory_space<hbm>> -> memref<80x128xf32, #tpu.memory_space<hbm>>
    %dma_start3A_94 = tpu.memref_slice %arg11[%dma_start3A_86] : memref<4x!tpu.dma_semaphore, #tpu.memory_space<semaphore_mem>> -> memref<1x!tpu.dma_semaphore, #tpu.memory_space<semaphore_mem>>
    %dma_start3A_95 = tpu.memref_squeeze %dma_start3A_94 : memref<1x!tpu.dma_semaphore, #tpu.memory_space<semaphore_mem>> -> memref<!tpu.dma_semaphore, #tpu.memory_space<semaphore_mem>>
    %dma_start3A_96 = arith.constant 0 : i32
    %dma_start3A_97 = arith.constant 0 : i32
    %dma_start3A_98 = tpu.memref_slice %arg8[%dma_start3A_85, %dma_start3A_96, %dma_start3A_97] : memref<4x80x128xf32, #tpu.memory_space<vmem>> -> memref<1x80x128xf32, #tpu.memory_space<vmem>>
    %dma_start3A_99 = tpu.memref_squeeze %dma_start3A_98 : memref<1x80x128xf32, #tpu.memory_space<vmem>> -> memref<80x128xf32, #tpu.memory_space<vmem>>
    %dma_start3A_100 = arith.constant 0 : i32
    %dma_start3A_101 = tpu.memref_slice %arg2[%arg0, %add3A_70, %dma_start3A_100] : memref<2x160000x128xf32, #tpu.memory_space<hbm>> -> memref<1x80x128xf32, #tpu.memory_space<hbm>>
    %dma_start3A_102 = tpu.memref_squeeze %dma_start3A_101 : memref<1x80x128xf32, #tpu.memory_space<hbm>> -> memref<80x128xf32, #tpu.memory_space<hbm>>
    tpu.enqueue_dma source(%dma_start3A_102 : memref<80x128xf32, #tpu.memory_space<hbm>>) target(%dma_start3A_99 : memref<80x128xf32, #tpu.memory_space<vmem>>) target_semaphore(%dma_start3A_95 : memref<!tpu.dma_semaphore, #tpu.memory_space<semaphore_mem>>)
    %add3A_103 = arith.constant 240 : i32
    %add3A_104 = arith.addi %mul3A_2, %add3A_103 : i32
    %add3A_105 = arith.constant 0 : i32
    %add3A_106 = arith.addi %add3A_105, %add3A_104 : i32
    %dma_start3A_107 = arith.constant 3 : i32
    %dma_start3A_108 = arith.constant 3 : i32
    %dma_start3A_109 = arith.constant 0 : i32
    %dma_start3A_110 = tpu.memref_slice %arg7[%dma_start3A_107, %dma_start3A_109] : memref<4x80xi32, #tpu.memory_space<vmem>> -> memref<1x80xi32, #tpu.memory_space<vmem>>
    %dma_start3A_111 = tpu.memref_squeeze %dma_start3A_110 : memref<1x80xi32, #tpu.memory_space<vmem>> -> memref<80xi32, #tpu.memory_space<vmem>>
    %dma_start3A_112 = tpu.memref_slice %arg3[%add3A_106] : memref<160000xi32, #tpu.memory_space<hbm>> -> memref<80xi32, #tpu.memory_space<hbm>>
    %dma_start3A_113 = tpu.memref_slice %arg10[%dma_start3A_108] : memref<4x!tpu.dma_semaphore, #tpu.memory_space<semaphore_mem>> -> memref<1x!tpu.dma_semaphore, #tpu.memory_space<semaphore_mem>>
    %dma_start3A_114 = tpu.memref_squeeze %dma_start3A_113 : memref<1x!tpu.dma_semaphore, #tpu.memory_space<semaphore_mem>> -> memref<!tpu.dma_semaphore, #tpu.memory_space<semaphore_mem>>
    %dma_start3A_115 = arith.constant 0 : i32
    %dma_start3A_116 = tpu.memref_slice %arg7[%dma_start3A_107, %dma_start3A_115] : memref<4x80xi32, #tpu.memory_space<vmem>> -> memref<1x80xi32, #tpu.memory_space<vmem>>
    %dma_start3A_117 = tpu.memref_squeeze %dma_start3A_116 : memref<1x80xi32, #tpu.memory_space<vmem>> -> memref<80xi32, #tpu.memory_space<vmem>>
    %dma_start3A_118 = tpu.memref_slice %arg3[%add3A_106] : memref<160000xi32, #tpu.memory_space<hbm>> -> memref<80xi32, #tpu.memory_space<hbm>>
    tpu.enqueue_dma source(%dma_start3A_118 : memref<80xi32, #tpu.memory_space<hbm>>) target(%dma_start3A_117 : memref<80xi32, #tpu.memory_space<vmem>>) target_semaphore(%dma_start3A_114 : memref<!tpu.dma_semaphore, #tpu.memory_space<semaphore_mem>>)
    %dma_start3A_119 = arith.constant 3 : i32
    %dma_start3A_120 = arith.constant 3 : i32
    %dma_start3A_121 = arith.constant 0 : i32
    %dma_start3A_122 = arith.constant 0 : i32
    %dma_start3A_123 = tpu.memref_slice %arg8[%dma_start3A_119, %dma_start3A_121, %dma_start3A_122] : memref<4x80x128xf32, #tpu.memory_space<vmem>> -> memref<1x80x128xf32, #tpu.memory_space<vmem>>
    %dma_start3A_124 = tpu.memref_squeeze %dma_start3A_123 : memref<1x80x128xf32, #tpu.memory_space<vmem>> -> memref<80x128xf32, #tpu.memory_space<vmem>>
    %dma_start3A_125 = arith.constant 0 : i32
    %dma_start3A_126 = tpu.memref_slice %arg2[%arg0, %add3A_104, %dma_start3A_125] : memref<2x160000x128xf32, #tpu.memory_space<hbm>> -> memref<1x80x128xf32, #tpu.memory_space<hbm>>
    %dma_start3A_127 = tpu.memref_squeeze %dma_start3A_126 : memref<1x80x128xf32, #tpu.memory_space<hbm>> -> memref<80x128xf32, #tpu.memory_space<hbm>>
    %dma_start3A_128 = tpu.memref_slice %arg11[%dma_start3A_120] : memref<4x!tpu.dma_semaphore, #tpu.memory_space<semaphore_mem>> -> memref<1x!tpu.dma_semaphore, #tpu.memory_space<semaphore_mem>>
    %dma_start3A_129 = tpu.memref_squeeze %dma_start3A_128 : memref<1x!tpu.dma_semaphore, #tpu.memory_space<semaphore_mem>> -> memref<!tpu.dma_semaphore, #tpu.memory_space<semaphore_mem>>
    %dma_start3A_130 = arith.constant 0 : i32
    %dma_start3A_131 = arith.constant 0 : i32
    %dma_start3A_132 = tpu.memref_slice %arg8[%dma_start3A_119, %dma_start3A_130, %dma_start3A_131] : memref<4x80x128xf32, #tpu.memory_space<vmem>> -> memref<1x80x128xf32, #tpu.memory_space<vmem>>
    %dma_start3A_133 = tpu.memref_squeeze %dma_start3A_132 : memref<1x80x128xf32, #tpu.memory_space<vmem>> -> memref<80x128xf32, #tpu.memory_space<vmem>>
    %dma_start3A_134 = arith.constant 0 : i32
    %dma_start3A_135 = tpu.memref_slice %arg2[%arg0, %add3A_104, %dma_start3A_134] : memref<2x160000x128xf32, #tpu.memory_space<hbm>> -> memref<1x80x128xf32, #tpu.memory_space<hbm>>
    %dma_start3A_136 = tpu.memref_squeeze %dma_start3A_135 : memref<1x80x128xf32, #tpu.memory_space<hbm>> -> memref<80x128xf32, #tpu.memory_space<hbm>>
    tpu.enqueue_dma source(%dma_start3A_136 : memref<80x128xf32, #tpu.memory_space<hbm>>) target(%dma_start3A_133 : memref<80x128xf32, #tpu.memory_space<vmem>>) target_semaphore(%dma_start3A_129 : memref<!tpu.dma_semaphore, #tpu.memory_space<semaphore_mem>>)
    %scan3A = arith.constant 0 : i32
    %scan3A_137 = arith.constant 0 : i32
    %scan3A_138 = arith.constant 31 : i32
    %scan3A_139 = arith.addi %scan3A_137, %scan3A_138 : i32
    %scan3A_140 = arith.constant 1 : i32
    scf.for %scan3A_187 = %scan3A_137 to %scan3A_139 step %scan3A_140  : i32 {
      %mul3A_188 = arith.constant 4 : i32
      %mul3A_189 = arith.muli %scan3A_187, %mul3A_188 : i32
      %add3A_190 = arith.constant 0 : i32
      %add3A_191 = arith.addi %mul3A_189, %add3A_190 : i32
      %mul3A_192 = arith.constant 80 : i32
      %mul3A_193 = arith.muli %add3A_191, %mul3A_192 : i32
      %add3A_194 = arith.addi %mul3A_2, %mul3A_193 : i32
      %dma_wait3A_195 = arith.constant 0 : i32
      %dma_wait3A_196 = arith.constant 0 : i32
      %dma_wait3A_197 = arith.constant 0 : i32
      %dma_wait3A_198 = tpu.memref_slice %arg7[%dma_wait3A_195, %dma_wait3A_197] : memref<4x80xi32, #tpu.memory_space<vmem>> -> memref<1x80xi32, #tpu.memory_space<vmem>>
      %dma_wait3A_199 = tpu.memref_squeeze %dma_wait3A_198 : memref<1x80xi32, #tpu.memory_space<vmem>> -> memref<80xi32, #tpu.memory_space<vmem>>
      %dma_wait3A_200 = arith.constant 0 : i32
      %dma_wait3A_201 = tpu.memref_slice %arg3[%dma_wait3A_200] : memref<160000xi32, #tpu.memory_space<hbm>> -> memref<80xi32, #tpu.memory_space<hbm>>
      %dma_wait3A_202 = tpu.memref_slice %arg10[%dma_wait3A_196] : memref<4x!tpu.dma_semaphore, #tpu.memory_space<semaphore_mem>> -> memref<1x!tpu.dma_semaphore, #tpu.memory_space<semaphore_mem>>
      %dma_wait3A_203 = tpu.memref_squeeze %dma_wait3A_202 : memref<1x!tpu.dma_semaphore, #tpu.memory_space<semaphore_mem>> -> memref<!tpu.dma_semaphore, #tpu.memory_space<semaphore_mem>>
      %dma_wait3A_204 = arith.constant 0 : i32
      %dma_wait3A_205 = tpu.memref_slice %arg7[%dma_wait3A_195, %dma_wait3A_204] : memref<4x80xi32, #tpu.memory_space<vmem>> -> memref<1x80xi32, #tpu.memory_space<vmem>>
      %dma_wait3A_206 = tpu.memref_squeeze %dma_wait3A_205 : memref<1x80xi32, #tpu.memory_space<vmem>> -> memref<80xi32, #tpu.memory_space<vmem>>
      %dma_wait3A_207 = arith.constant 0 : i32
      %dma_wait3A_208 = tpu.memref_slice %arg3[%dma_wait3A_207] : memref<160000xi32, #tpu.memory_space<hbm>> -> memref<80xi32, #tpu.memory_space<hbm>>
      tpu.wait_dma2 semaphore(%dma_wait3A_203 : memref<!tpu.dma_semaphore, #tpu.memory_space<semaphore_mem>>) src(%dma_wait3A_208 : memref<80xi32, #tpu.memory_space<hbm>>) dst(%dma_wait3A_206 : memref<80xi32, #tpu.memory_space<vmem>>)
      %dma_wait3A_209 = arith.constant 0 : i32
      %dma_wait3A_210 = arith.constant 0 : i32
      %dma_wait3A_211 = arith.constant 0 : i32
      %dma_wait3A_212 = arith.constant 0 : i32
      %dma_wait3A_213 = arith.constant 0 : i32
      %dma_wait3A_214 = tpu.memref_slice %arg8[%dma_wait3A_210, %dma_wait3A_212, %dma_wait3A_213] : memref<4x80x128xf32, #tpu.memory_space<vmem>> -> memref<1x80x128xf32, #tpu.memory_space<vmem>>
      %dma_wait3A_215 = tpu.memref_squeeze %dma_wait3A_214 : memref<1x80x128xf32, #tpu.memory_space<vmem>> -> memref<80x128xf32, #tpu.memory_space<vmem>>
      %dma_wait3A_216 = arith.constant 0 : i32
      %dma_wait3A_217 = arith.constant 0 : i32
      %dma_wait3A_218 = tpu.memref_slice %arg2[%dma_wait3A_209, %dma_wait3A_216, %dma_wait3A_217] : memref<2x160000x128xf32, #tpu.memory_space<hbm>> -> memref<1x80x128xf32, #tpu.memory_space<hbm>>
      %dma_wait3A_219 = tpu.memref_squeeze %dma_wait3A_218 : memref<1x80x128xf32, #tpu.memory_space<hbm>> -> memref<80x128xf32, #tpu.memory_space<hbm>>
      %dma_wait3A_220 = tpu.memref_slice %arg11[%dma_wait3A_211] : memref<4x!tpu.dma_semaphore, #tpu.memory_space<semaphore_mem>> -> memref<1x!tpu.dma_semaphore, #tpu.memory_space<semaphore_mem>>
      %dma_wait3A_221 = tpu.memref_squeeze %dma_wait3A_220 : memref<1x!tpu.dma_semaphore, #tpu.memory_space<semaphore_mem>> -> memref<!tpu.dma_semaphore, #tpu.memory_space<semaphore_mem>>
      %dma_wait3A_222 = arith.constant 0 : i32
      %dma_wait3A_223 = arith.constant 0 : i32
      %dma_wait3A_224 = tpu.memref_slice %arg8[%dma_wait3A_210, %dma_wait3A_222, %dma_wait3A_223] : memref<4x80x128xf32, #tpu.memory_space<vmem>> -> memref<1x80x128xf32, #tpu.memory_space<vmem>>
      %dma_wait3A_225 = tpu.memref_squeeze %dma_wait3A_224 : memref<1x80x128xf32, #tpu.memory_space<vmem>> -> memref<80x128xf32, #tpu.memory_space<vmem>>
      %dma_wait3A_226 = arith.constant 0 : i32
      %dma_wait3A_227 = arith.constant 0 : i32
      %dma_wait3A_228 = tpu.memref_slice %arg2[%dma_wait3A_209, %dma_wait3A_226, %dma_wait3A_227] : memref<2x160000x128xf32, #tpu.memory_space<hbm>> -> memref<1x80x128xf32, #tpu.memory_space<hbm>>
      %dma_wait3A_229 = tpu.memref_squeeze %dma_wait3A_228 : memref<1x80x128xf32, #tpu.memory_space<hbm>> -> memref<80x128xf32, #tpu.memory_space<hbm>>
      tpu.wait_dma2 semaphore(%dma_wait3A_221 : memref<!tpu.dma_semaphore, #tpu.memory_space<semaphore_mem>>) src(%dma_wait3A_229 : memref<80x128xf32, #tpu.memory_space<hbm>>) dst(%dma_wait3A_225 : memref<80x128xf32, #tpu.memory_space<vmem>>)
      %run_scoped3A_230 = arith.constant 0 : i32
      %run_scoped3A_231 = arith.constant 0 : i32
      "tpu.region"() ({
        %run_scoped3A_391 = tpu.sem_alloc : memref<!tpu.dma_semaphore, #tpu.memory_space<semaphore_mem>>
        %dma_start3A_392 = arith.constant 0 : i32
        %dma_start3A_393 = arith.constant 0 : i32
        %dma_start3A_394 = tpu.memref_slice %arg8[%run_scoped3A_230, %dma_start3A_392, %dma_start3A_393] : memref<4x80x128xf32, #tpu.memory_space<vmem>> -> memref<1x80x128xf32, #tpu.memory_space<vmem>>
        %dma_start3A_395 = tpu.memref_squeeze %dma_start3A_394 : memref<1x80x128xf32, #tpu.memory_space<vmem>> -> memref<80x128xf32, #tpu.memory_space<vmem>>
        %dma_start3A_396 = arith.constant 0 : i32
        %dma_start3A_397 = tpu.memref_slice %arg7[%run_scoped3A_231, %dma_start3A_396] : memref<4x80xi32, #tpu.memory_space<vmem>> -> memref<1x80xi32, #tpu.memory_space<vmem>>
        %dma_start3A_398 = tpu.memref_squeeze %dma_start3A_397 : memref<1x80xi32, #tpu.memory_space<vmem>> -> memref<80xi32, #tpu.memory_space<vmem>>
        %dma_start3A_399 = arith.constant 0 : i32
        %dma_start3A_400 = arith.constant 0 : i32
        %dma_start3A_401 = tpu.memref_slice %arg9[%dma_start3A_399, %dma_start3A_400] : memref<10240x128xf32, #tpu.memory_space<vmem_shared>> -> memref<10240x128xf32, #tpu.memory_space<vmem_shared>>
        tpu.enqueue_indirect_dma source(%dma_start3A_395 : memref<80x128xf32, #tpu.memory_space<vmem>>) target(%dma_start3A_401 : memref<10240x128xf32, #tpu.memory_space<vmem_shared>>) offsets(%dma_start3A_398 : memref<80xi32, #tpu.memory_space<vmem>>) semaphore(%run_scoped3A_391 : memref<!tpu.dma_semaphore, #tpu.memory_space<semaphore_mem>>) {add = true}
        %dma_wait3A_402 = arith.constant 0 : i32
        %dma_wait3A_403 = arith.constant 0 : i32
        %dma_wait3A_404 = tpu.memref_slice %arg8[%run_scoped3A_230, %dma_wait3A_402, %dma_wait3A_403] : memref<4x80x128xf32, #tpu.memory_space<vmem>> -> memref<1x80x128xf32, #tpu.memory_space<vmem>>
        %dma_wait3A_405 = tpu.memref_squeeze %dma_wait3A_404 : memref<1x80x128xf32, #tpu.memory_space<vmem>> -> memref<80x128xf32, #tpu.memory_space<vmem>>
        %dma_wait3A_406 = arith.constant 0 : i32
        %dma_wait3A_407 = tpu.memref_slice %arg7[%run_scoped3A_231, %dma_wait3A_406] : memref<4x80xi32, #tpu.memory_space<vmem>> -> memref<1x80xi32, #tpu.memory_space<vmem>>
        %dma_wait3A_408 = tpu.memref_squeeze %dma_wait3A_407 : memref<1x80xi32, #tpu.memory_space<vmem>> -> memref<80xi32, #tpu.memory_space<vmem>>
        %dma_wait3A_409 = arith.constant 0 : i32
        %dma_wait3A_410 = arith.constant 0 : i32
        %dma_wait3A_411 = tpu.memref_slice %arg9[%dma_wait3A_409, %dma_wait3A_410] : memref<10240x128xf32, #tpu.memory_space<vmem_shared>> -> memref<10240x128xf32, #tpu.memory_space<vmem_shared>>
        tpu.wait_indirect_dma semaphore(%run_scoped3A_391 : memref<!tpu.dma_semaphore, #tpu.memory_space<semaphore_mem>>) src(%dma_wait3A_405 : memref<80x128xf32, #tpu.memory_space<vmem>>) dst(%dma_wait3A_411 : memref<10240x128xf32, #tpu.memory_space<vmem_shared>>)
        tpu.yield
      }) : () -> ()
      %add3A_232 = arith.constant 4 : i32
      %add3A_233 = arith.addi %add3A_191, %add3A_232 : i32
      %lt3A = arith.constant 125 : i32
      %lt3A_234 = arith.cmpi slt, %add3A_233, %lt3A : i32
      %convert_element_type3A_235 = arith.extui %lt3A_234 : i1 to i32
      %cond3A_236 = arith.constant 0 : i32
      %cond3A_237 = arith.cmpi ne, %convert_element_type3A_235, %cond3A_236 : i32
      scf.if %cond3A_237 {
        %add3A_391 = arith.constant 320 : i32
        %add3A_392 = arith.addi %add3A_194, %add3A_391 : i32
        %add3A_393 = arith.constant 0 : i32
        %add3A_394 = arith.addi %add3A_393, %add3A_392 : i32
        %dma_start3A_395 = arith.constant 0 : i32
        %dma_start3A_396 = arith.constant 0 : i32
        %dma_start3A_397 = arith.constant 0 : i32
        %dma_start3A_398 = tpu.memref_slice %arg7[%dma_start3A_395, %dma_start3A_397] : memref<4x80xi32, #tpu.memory_space<vmem>> -> memref<1x80xi32, #tpu.memory_space<vmem>>
        %dma_start3A_399 = tpu.memref_squeeze %dma_start3A_398 : memref<1x80xi32, #tpu.memory_space<vmem>> -> memref<80xi32, #tpu.memory_space<vmem>>
        %dma_start3A_400 = tpu.memref_slice %arg3[%add3A_394] : memref<160000xi32, #tpu.memory_space<hbm>> -> memref<80xi32, #tpu.memory_space<hbm>>
        %dma_start3A_401 = tpu.memref_slice %arg10[%dma_start3A_396] : memref<4x!tpu.dma_semaphore, #tpu.memory_space<semaphore_mem>> -> memref<1x!tpu.dma_semaphore, #tpu.memory_space<semaphore_mem>>
        %dma_start3A_402 = tpu.memref_squeeze %dma_start3A_401 : memref<1x!tpu.dma_semaphore, #tpu.memory_space<semaphore_mem>> -> memref<!tpu.dma_semaphore, #tpu.memory_space<semaphore_mem>>
        %dma_start3A_403 = arith.constant 0 : i32
        %dma_start3A_404 = tpu.memref_slice %arg7[%dma_start3A_395, %dma_start3A_403] : memref<4x80xi32, #tpu.memory_space<vmem>> -> memref<1x80xi32, #tpu.memory_space<vmem>>
        %dma_start3A_405 = tpu.memref_squeeze %dma_start3A_404 : memref<1x80xi32, #tpu.memory_space<vmem>> -> memref<80xi32, #tpu.memory_space<vmem>>
        %dma_start3A_406 = tpu.memref_slice %arg3[%add3A_394] : memref<160000xi32, #tpu.memory_space<hbm>> -> memref<80xi32, #tpu.memory_space<hbm>>
        tpu.enqueue_dma source(%dma_start3A_406 : memref<80xi32, #tpu.memory_space<hbm>>) target(%dma_start3A_405 : memref<80xi32, #tpu.memory_space<vmem>>) target_semaphore(%dma_start3A_402 : memref<!tpu.dma_semaphore, #tpu.memory_space<semaphore_mem>>)
        %dma_start3A_407 = arith.constant 0 : i32
        %dma_start3A_408 = arith.constant 0 : i32
        %dma_start3A_409 = arith.constant 0 : i32
        %dma_start3A_410 = arith.constant 0 : i32
        %dma_start3A_411 = tpu.memref_slice %arg8[%dma_start3A_407, %dma_start3A_409, %dma_start3A_410] : memref<4x80x128xf32, #tpu.memory_space<vmem>> -> memref<1x80x128xf32, #tpu.memory_space<vmem>>
        %dma_start3A_412 = tpu.memref_squeeze %dma_start3A_411 : memref<1x80x128xf32, #tpu.memory_space<vmem>> -> memref<80x128xf32, #tpu.memory_space<vmem>>
        %dma_start3A_413 = arith.constant 0 : i32
        %dma_start3A_414 = tpu.memref_slice %arg2[%arg0, %add3A_392, %dma_start3A_413] : memref<2x160000x128xf32, #tpu.memory_space<hbm>> -> memref<1x80x128xf32, #tpu.memory_space<hbm>>
        %dma_start3A_415 = tpu.memref_squeeze %dma_start3A_414 : memref<1x80x128xf32, #tpu.memory_space<hbm>> -> memref<80x128xf32, #tpu.memory_space<hbm>>
        %dma_start3A_416 = tpu.memref_slice %arg11[%dma_start3A_408] : memref<4x!tpu.dma_semaphore, #tpu.memory_space<semaphore_mem>> -> memref<1x!tpu.dma_semaphore, #tpu.memory_space<semaphore_mem>>
        %dma_start3A_417 = tpu.memref_squeeze %dma_start3A_416 : memref<1x!tpu.dma_semaphore, #tpu.memory_space<semaphore_mem>> -> memref<!tpu.dma_semaphore, #tpu.memory_space<semaphore_mem>>
        %dma_start3A_418 = arith.constant 0 : i32
        %dma_start3A_419 = arith.constant 0 : i32
        %dma_start3A_420 = tpu.memref_slice %arg8[%dma_start3A_407, %dma_start3A_418, %dma_start3A_419] : memref<4x80x128xf32, #tpu.memory_space<vmem>> -> memref<1x80x128xf32, #tpu.memory_space<vmem>>
        %dma_start3A_421 = tpu.memref_squeeze %dma_start3A_420 : memref<1x80x128xf32, #tpu.memory_space<vmem>> -> memref<80x128xf32, #tpu.memory_space<vmem>>
        %dma_start3A_422 = arith.constant 0 : i32
        %dma_start3A_423 = tpu.memref_slice %arg2[%arg0, %add3A_392, %dma_start3A_422] : memref<2x160000x128xf32, #tpu.memory_space<hbm>> -> memref<1x80x128xf32, #tpu.memory_space<hbm>>
        %dma_start3A_424 = tpu.memref_squeeze %dma_start3A_423 : memref<1x80x128xf32, #tpu.memory_space<hbm>> -> memref<80x128xf32, #tpu.memory_space<hbm>>
        tpu.enqueue_dma source(%dma_start3A_424 : memref<80x128xf32, #tpu.memory_space<hbm>>) target(%dma_start3A_421 : memref<80x128xf32, #tpu.memory_space<vmem>>) target_semaphore(%dma_start3A_417 : memref<!tpu.dma_semaphore, #tpu.memory_space<semaphore_mem>>)
      } else {
      }
      %mul3A_238 = arith.constant 4 : i32
      %mul3A_239 = arith.muli %scan3A_187, %mul3A_238 : i32
      %add3A_240 = arith.constant 1 : i32
      %add3A_241 = arith.addi %mul3A_239, %add3A_240 : i32
      %mul3A_242 = arith.constant 80 : i32
      %mul3A_243 = arith.muli %add3A_241, %mul3A_242 : i32
      %add3A_244 = arith.addi %mul3A_2, %mul3A_243 : i32
      %dma_wait3A_245 = arith.constant 1 : i32
      %dma_wait3A_246 = arith.constant 1 : i32
      %dma_wait3A_247 = arith.constant 0 : i32
      %dma_wait3A_248 = tpu.memref_slice %arg7[%dma_wait3A_245, %dma_wait3A_247] : memref<4x80xi32, #tpu.memory_space<vmem>> -> memref<1x80xi32, #tpu.memory_space<vmem>>
      %dma_wait3A_249 = tpu.memref_squeeze %dma_wait3A_248 : memref<1x80xi32, #tpu.memory_space<vmem>> -> memref<80xi32, #tpu.memory_space<vmem>>
      %dma_wait3A_250 = arith.constant 0 : i32
      %dma_wait3A_251 = tpu.memref_slice %arg3[%dma_wait3A_250] : memref<160000xi32, #tpu.memory_space<hbm>> -> memref<80xi32, #tpu.memory_space<hbm>>
      %dma_wait3A_252 = tpu.memref_slice %arg10[%dma_wait3A_246] : memref<4x!tpu.dma_semaphore, #tpu.memory_space<semaphore_mem>> -> memref<1x!tpu.dma_semaphore, #tpu.memory_space<semaphore_mem>>
      %dma_wait3A_253 = tpu.memref_squeeze %dma_wait3A_252 : memref<1x!tpu.dma_semaphore, #tpu.memory_space<semaphore_mem>> -> memref<!tpu.dma_semaphore, #tpu.memory_space<semaphore_mem>>
      %dma_wait3A_254 = arith.constant 0 : i32
      %dma_wait3A_255 = tpu.memref_slice %arg7[%dma_wait3A_245, %dma_wait3A_254] : memref<4x80xi32, #tpu.memory_space<vmem>> -> memref<1x80xi32, #tpu.memory_space<vmem>>
      %dma_wait3A_256 = tpu.memref_squeeze %dma_wait3A_255 : memref<1x80xi32, #tpu.memory_space<vmem>> -> memref<80xi32, #tpu.memory_space<vmem>>
      %dma_wait3A_257 = arith.constant 0 : i32
      %dma_wait3A_258 = tpu.memref_slice %arg3[%dma_wait3A_257] : memref<160000xi32, #tpu.memory_space<hbm>> -> memref<80xi32, #tpu.memory_space<hbm>>
      tpu.wait_dma2 semaphore(%dma_wait3A_253 : memref<!tpu.dma_semaphore, #tpu.memory_space<semaphore_mem>>) src(%dma_wait3A_258 : memref<80xi32, #tpu.memory_space<hbm>>) dst(%dma_wait3A_256 : memref<80xi32, #tpu.memory_space<vmem>>)
      %dma_wait3A_259 = arith.constant 0 : i32
      %dma_wait3A_260 = arith.constant 1 : i32
      %dma_wait3A_261 = arith.constant 1 : i32
      %dma_wait3A_262 = arith.constant 0 : i32
      %dma_wait3A_263 = arith.constant 0 : i32
      %dma_wait3A_264 = tpu.memref_slice %arg8[%dma_wait3A_260, %dma_wait3A_262, %dma_wait3A_263] : memref<4x80x128xf32, #tpu.memory_space<vmem>> -> memref<1x80x128xf32, #tpu.memory_space<vmem>>
      %dma_wait3A_265 = tpu.memref_squeeze %dma_wait3A_264 : memref<1x80x128xf32, #tpu.memory_space<vmem>> -> memref<80x128xf32, #tpu.memory_space<vmem>>
      %dma_wait3A_266 = arith.constant 0 : i32
      %dma_wait3A_267 = arith.constant 0 : i32
      %dma_wait3A_268 = tpu.memref_slice %arg2[%dma_wait3A_259, %dma_wait3A_266, %dma_wait3A_267] : memref<2x160000x128xf32, #tpu.memory_space<hbm>> -> memref<1x80x128xf32, #tpu.memory_space<hbm>>
      %dma_wait3A_269 = tpu.memref_squeeze %dma_wait3A_268 : memref<1x80x128xf32, #tpu.memory_space<hbm>> -> memref<80x128xf32, #tpu.memory_space<hbm>>
      %dma_wait3A_270 = tpu.memref_slice %arg11[%dma_wait3A_261] : memref<4x!tpu.dma_semaphore, #tpu.memory_space<semaphore_mem>> -> memref<1x!tpu.dma_semaphore, #tpu.memory_space<semaphore_mem>>
      %dma_wait3A_271 = tpu.memref_squeeze %dma_wait3A_270 : memref<1x!tpu.dma_semaphore, #tpu.memory_space<semaphore_mem>> -> memref<!tpu.dma_semaphore, #tpu.memory_space<semaphore_mem>>
      %dma_wait3A_272 = arith.constant 0 : i32
      %dma_wait3A_273 = arith.constant 0 : i32
      %dma_wait3A_274 = tpu.memref_slice %arg8[%dma_wait3A_260, %dma_wait3A_272, %dma_wait3A_273] : memref<4x80x128xf32, #tpu.memory_space<vmem>> -> memref<1x80x128xf32, #tpu.memory_space<vmem>>
      %dma_wait3A_275 = tpu.memref_squeeze %dma_wait3A_274 : memref<1x80x128xf32, #tpu.memory_space<vmem>> -> memref<80x128xf32, #tpu.memory_space<vmem>>
      %dma_wait3A_276 = arith.constant 0 : i32
      %dma_wait3A_277 = arith.constant 0 : i32
      %dma_wait3A_278 = tpu.memref_slice %arg2[%dma_wait3A_259, %dma_wait3A_276, %dma_wait3A_277] : memref<2x160000x128xf32, #tpu.memory_space<hbm>> -> memref<1x80x128xf32, #tpu.memory_space<hbm>>
      %dma_wait3A_279 = tpu.memref_squeeze %dma_wait3A_278 : memref<1x80x128xf32, #tpu.memory_space<hbm>> -> memref<80x128xf32, #tpu.memory_space<hbm>>
      tpu.wait_dma2 semaphore(%dma_wait3A_271 : memref<!tpu.dma_semaphore, #tpu.memory_space<semaphore_mem>>) src(%dma_wait3A_279 : memref<80x128xf32, #tpu.memory_space<hbm>>) dst(%dma_wait3A_275 : memref<80x128xf32, #tpu.memory_space<vmem>>)
      %run_scoped3A_280 = arith.constant 1 : i32
      %run_scoped3A_281 = arith.constant 1 : i32
      "tpu.region"() ({
        %run_scoped3A_391 = tpu.sem_alloc : memref<!tpu.dma_semaphore, #tpu.memory_space<semaphore_mem>>
        %dma_start3A_392 = arith.constant 0 : i32
        %dma_start3A_393 = arith.constant 0 : i32
        %dma_start3A_394 = tpu.memref_slice %arg8[%run_scoped3A_280, %dma_start3A_392, %dma_start3A_393] : memref<4x80x128xf32, #tpu.memory_space<vmem>> -> memref<1x80x128xf32, #tpu.memory_space<vmem>>
        %dma_start3A_395 = tpu.memref_squeeze %dma_start3A_394 : memref<1x80x128xf32, #tpu.memory_space<vmem>> -> memref<80x128xf32, #tpu.memory_space<vmem>>
        %dma_start3A_396 = arith.constant 0 : i32
        %dma_start3A_397 = tpu.memref_slice %arg7[%run_scoped3A_281, %dma_start3A_396] : memref<4x80xi32, #tpu.memory_space<vmem>> -> memref<1x80xi32, #tpu.memory_space<vmem>>
        %dma_start3A_398 = tpu.memref_squeeze %dma_start3A_397 : memref<1x80xi32, #tpu.memory_space<vmem>> -> memref<80xi32, #tpu.memory_space<vmem>>
        %dma_start3A_399 = arith.constant 0 : i32
        %dma_start3A_400 = arith.constant 0 : i32
        %dma_start3A_401 = tpu.memref_slice %arg9[%dma_start3A_399, %dma_start3A_400] : memref<10240x128xf32, #tpu.memory_space<vmem_shared>> -> memref<10240x128xf32, #tpu.memory_space<vmem_shared>>
        tpu.enqueue_indirect_dma source(%dma_start3A_395 : memref<80x128xf32, #tpu.memory_space<vmem>>) target(%dma_start3A_401 : memref<10240x128xf32, #tpu.memory_space<vmem_shared>>) offsets(%dma_start3A_398 : memref<80xi32, #tpu.memory_space<vmem>>) semaphore(%run_scoped3A_391 : memref<!tpu.dma_semaphore, #tpu.memory_space<semaphore_mem>>) {add = true}
        %dma_wait3A_402 = arith.constant 0 : i32
        %dma_wait3A_403 = arith.constant 0 : i32
        %dma_wait3A_404 = tpu.memref_slice %arg8[%run_scoped3A_280, %dma_wait3A_402, %dma_wait3A_403] : memref<4x80x128xf32, #tpu.memory_space<vmem>> -> memref<1x80x128xf32, #tpu.memory_space<vmem>>
        %dma_wait3A_405 = tpu.memref_squeeze %dma_wait3A_404 : memref<1x80x128xf32, #tpu.memory_space<vmem>> -> memref<80x128xf32, #tpu.memory_space<vmem>>
        %dma_wait3A_406 = arith.constant 0 : i32
        %dma_wait3A_407 = tpu.memref_slice %arg7[%run_scoped3A_281, %dma_wait3A_406] : memref<4x80xi32, #tpu.memory_space<vmem>> -> memref<1x80xi32, #tpu.memory_space<vmem>>
        %dma_wait3A_408 = tpu.memref_squeeze %dma_wait3A_407 : memref<1x80xi32, #tpu.memory_space<vmem>> -> memref<80xi32, #tpu.memory_space<vmem>>
        %dma_wait3A_409 = arith.constant 0 : i32
        %dma_wait3A_410 = arith.constant 0 : i32
        %dma_wait3A_411 = tpu.memref_slice %arg9[%dma_wait3A_409, %dma_wait3A_410] : memref<10240x128xf32, #tpu.memory_space<vmem_shared>> -> memref<10240x128xf32, #tpu.memory_space<vmem_shared>>
        tpu.wait_indirect_dma semaphore(%run_scoped3A_391 : memref<!tpu.dma_semaphore, #tpu.memory_space<semaphore_mem>>) src(%dma_wait3A_405 : memref<80x128xf32, #tpu.memory_space<vmem>>) dst(%dma_wait3A_411 : memref<10240x128xf32, #tpu.memory_space<vmem_shared>>)
        tpu.yield
      }) : () -> ()
      %add3A_282 = arith.constant 4 : i32
      %add3A_283 = arith.addi %add3A_241, %add3A_282 : i32
      %lt3A_284 = arith.constant 125 : i32
      %lt3A_285 = arith.cmpi slt, %add3A_283, %lt3A_284 : i32
      %convert_element_type3A_286 = arith.extui %lt3A_285 : i1 to i32
      %cond3A_287 = arith.constant 0 : i32
      %cond3A_288 = arith.cmpi ne, %convert_element_type3A_286, %cond3A_287 : i32
      scf.if %cond3A_288 {
        %add3A_391 = arith.constant 320 : i32
        %add3A_392 = arith.addi %add3A_244, %add3A_391 : i32
        %add3A_393 = arith.constant 0 : i32
        %add3A_394 = arith.addi %add3A_393, %add3A_392 : i32
        %dma_start3A_395 = arith.constant 1 : i32
        %dma_start3A_396 = arith.constant 1 : i32
        %dma_start3A_397 = arith.constant 0 : i32
        %dma_start3A_398 = tpu.memref_slice %arg7[%dma_start3A_395, %dma_start3A_397] : memref<4x80xi32, #tpu.memory_space<vmem>> -> memref<1x80xi32, #tpu.memory_space<vmem>>
        %dma_start3A_399 = tpu.memref_squeeze %dma_start3A_398 : memref<1x80xi32, #tpu.memory_space<vmem>> -> memref<80xi32, #tpu.memory_space<vmem>>
        %dma_start3A_400 = tpu.memref_slice %arg3[%add3A_394] : memref<160000xi32, #tpu.memory_space<hbm>> -> memref<80xi32, #tpu.memory_space<hbm>>
        %dma_start3A_401 = tpu.memref_slice %arg10[%dma_start3A_396] : memref<4x!tpu.dma_semaphore, #tpu.memory_space<semaphore_mem>> -> memref<1x!tpu.dma_semaphore, #tpu.memory_space<semaphore_mem>>
        %dma_start3A_402 = tpu.memref_squeeze %dma_start3A_401 : memref<1x!tpu.dma_semaphore, #tpu.memory_space<semaphore_mem>> -> memref<!tpu.dma_semaphore, #tpu.memory_space<semaphore_mem>>
        %dma_start3A_403 = arith.constant 0 : i32
        %dma_start3A_404 = tpu.memref_slice %arg7[%dma_start3A_395, %dma_start3A_403] : memref<4x80xi32, #tpu.memory_space<vmem>> -> memref<1x80xi32, #tpu.memory_space<vmem>>
        %dma_start3A_405 = tpu.memref_squeeze %dma_start3A_404 : memref<1x80xi32, #tpu.memory_space<vmem>> -> memref<80xi32, #tpu.memory_space<vmem>>
        %dma_start3A_406 = tpu.memref_slice %arg3[%add3A_394] : memref<160000xi32, #tpu.memory_space<hbm>> -> memref<80xi32, #tpu.memory_space<hbm>>
        tpu.enqueue_dma source(%dma_start3A_406 : memref<80xi32, #tpu.memory_space<hbm>>) target(%dma_start3A_405 : memref<80xi32, #tpu.memory_space<vmem>>) target_semaphore(%dma_start3A_402 : memref<!tpu.dma_semaphore, #tpu.memory_space<semaphore_mem>>)
        %dma_start3A_407 = arith.constant 1 : i32
        %dma_start3A_408 = arith.constant 1 : i32
        %dma_start3A_409 = arith.constant 0 : i32
        %dma_start3A_410 = arith.constant 0 : i32
        %dma_start3A_411 = tpu.memref_slice %arg8[%dma_start3A_407, %dma_start3A_409, %dma_start3A_410] : memref<4x80x128xf32, #tpu.memory_space<vmem>> -> memref<1x80x128xf32, #tpu.memory_space<vmem>>
        %dma_start3A_412 = tpu.memref_squeeze %dma_start3A_411 : memref<1x80x128xf32, #tpu.memory_space<vmem>> -> memref<80x128xf32, #tpu.memory_space<vmem>>
        %dma_start3A_413 = arith.constant 0 : i32
        %dma_start3A_414 = tpu.memref_slice %arg2[%arg0, %add3A_392, %dma_start3A_413] : memref<2x160000x128xf32, #tpu.memory_space<hbm>> -> memref<1x80x128xf32, #tpu.memory_space<hbm>>
        %dma_start3A_415 = tpu.memref_squeeze %dma_start3A_414 : memref<1x80x128xf32, #tpu.memory_space<hbm>> -> memref<80x128xf32, #tpu.memory_space<hbm>>
        %dma_start3A_416 = tpu.memref_slice %arg11[%dma_start3A_408] : memref<4x!tpu.dma_semaphore, #tpu.memory_space<semaphore_mem>> -> memref<1x!tpu.dma_semaphore, #tpu.memory_space<semaphore_mem>>
        %dma_start3A_417 = tpu.memref_squeeze %dma_start3A_416 : memref<1x!tpu.dma_semaphore, #tpu.memory_space<semaphore_mem>> -> memref<!tpu.dma_semaphore, #tpu.memory_space<semaphore_mem>>
        %dma_start3A_418 = arith.constant 0 : i32
        %dma_start3A_419 = arith.constant 0 : i32
        %dma_start3A_420 = tpu.memref_slice %arg8[%dma_start3A_407, %dma_start3A_418, %dma_start3A_419] : memref<4x80x128xf32, #tpu.memory_space<vmem>> -> memref<1x80x128xf32, #tpu.memory_space<vmem>>
        %dma_start3A_421 = tpu.memref_squeeze %dma_start3A_420 : memref<1x80x128xf32, #tpu.memory_space<vmem>> -> memref<80x128xf32, #tpu.memory_space<vmem>>
        %dma_start3A_422 = arith.constant 0 : i32
        %dma_start3A_423 = tpu.memref_slice %arg2[%arg0, %add3A_392, %dma_start3A_422] : memref<2x160000x128xf32, #tpu.memory_space<hbm>> -> memref<1x80x128xf32, #tpu.memory_space<hbm>>
        %dma_start3A_424 = tpu.memref_squeeze %dma_start3A_423 : memref<1x80x128xf32, #tpu.memory_space<hbm>> -> memref<80x128xf32, #tpu.memory_space<hbm>>
        tpu.enqueue_dma source(%dma_start3A_424 : memref<80x128xf32, #tpu.memory_space<hbm>>) target(%dma_start3A_421 : memref<80x128xf32, #tpu.memory_space<vmem>>) target_semaphore(%dma_start3A_417 : memref<!tpu.dma_semaphore, #tpu.memory_space<semaphore_mem>>)
      } else {
      }
      %mul3A_289 = arith.constant 4 : i32
      %mul3A_290 = arith.muli %scan3A_187, %mul3A_289 : i32
      %add3A_291 = arith.constant 2 : i32
      %add3A_292 = arith.addi %mul3A_290, %add3A_291 : i32
      %mul3A_293 = arith.constant 80 : i32
      %mul3A_294 = arith.muli %add3A_292, %mul3A_293 : i32
      %add3A_295 = arith.addi %mul3A_2, %mul3A_294 : i32
      %dma_wait3A_296 = arith.constant 2 : i32
      %dma_wait3A_297 = arith.constant 2 : i32
      %dma_wait3A_298 = arith.constant 0 : i32
      %dma_wait3A_299 = tpu.memref_slice %arg7[%dma_wait3A_296, %dma_wait3A_298] : memref<4x80xi32, #tpu.memory_space<vmem>> -> memref<1x80xi32, #tpu.memory_space<vmem>>
      %dma_wait3A_300 = tpu.memref_squeeze %dma_wait3A_299 : memref<1x80xi32, #tpu.memory_space<vmem>> -> memref<80xi32, #tpu.memory_space<vmem>>
      %dma_wait3A_301 = arith.constant 0 : i32
      %dma_wait3A_302 = tpu.memref_slice %arg3[%dma_wait3A_301] : memref<160000xi32, #tpu.memory_space<hbm>> -> memref<80xi32, #tpu.memory_space<hbm>>
      %dma_wait3A_303 = tpu.memref_slice %arg10[%dma_wait3A_297] : memref<4x!tpu.dma_semaphore, #tpu.memory_space<semaphore_mem>> -> memref<1x!tpu.dma_semaphore, #tpu.memory_space<semaphore_mem>>
      %dma_wait3A_304 = tpu.memref_squeeze %dma_wait3A_303 : memref<1x!tpu.dma_semaphore, #tpu.memory_space<semaphore_mem>> -> memref<!tpu.dma_semaphore, #tpu.memory_space<semaphore_mem>>
      %dma_wait3A_305 = arith.constant 0 : i32
      %dma_wait3A_306 = tpu.memref_slice %arg7[%dma_wait3A_296, %dma_wait3A_305] : memref<4x80xi32, #tpu.memory_space<vmem>> -> memref<1x80xi32, #tpu.memory_space<vmem>>
      %dma_wait3A_307 = tpu.memref_squeeze %dma_wait3A_306 : memref<1x80xi32, #tpu.memory_space<vmem>> -> memref<80xi32, #tpu.memory_space<vmem>>
      %dma_wait3A_308 = arith.constant 0 : i32
      %dma_wait3A_309 = tpu.memref_slice %arg3[%dma_wait3A_308] : memref<160000xi32, #tpu.memory_space<hbm>> -> memref<80xi32, #tpu.memory_space<hbm>>
      tpu.wait_dma2 semaphore(%dma_wait3A_304 : memref<!tpu.dma_semaphore, #tpu.memory_space<semaphore_mem>>) src(%dma_wait3A_309 : memref<80xi32, #tpu.memory_space<hbm>>) dst(%dma_wait3A_307 : memref<80xi32, #tpu.memory_space<vmem>>)
      %dma_wait3A_310 = arith.constant 0 : i32
      %dma_wait3A_311 = arith.constant 2 : i32
      %dma_wait3A_312 = arith.constant 2 : i32
      %dma_wait3A_313 = arith.constant 0 : i32
      %dma_wait3A_314 = arith.constant 0 : i32
      %dma_wait3A_315 = tpu.memref_slice %arg8[%dma_wait3A_311, %dma_wait3A_313, %dma_wait3A_314] : memref<4x80x128xf32, #tpu.memory_space<vmem>> -> memref<1x80x128xf32, #tpu.memory_space<vmem>>
      %dma_wait3A_316 = tpu.memref_squeeze %dma_wait3A_315 : memref<1x80x128xf32, #tpu.memory_space<vmem>> -> memref<80x128xf32, #tpu.memory_space<vmem>>
      %dma_wait3A_317 = arith.constant 0 : i32
      %dma_wait3A_318 = arith.constant 0 : i32
      %dma_wait3A_319 = tpu.memref_slice %arg2[%dma_wait3A_310, %dma_wait3A_317, %dma_wait3A_318] : memref<2x160000x128xf32, #tpu.memory_space<hbm>> -> memref<1x80x128xf32, #tpu.memory_space<hbm>>
      %dma_wait3A_320 = tpu.memref_squeeze %dma_wait3A_319 : memref<1x80x128xf32, #tpu.memory_space<hbm>> -> memref<80x128xf32, #tpu.memory_space<hbm>>
      %dma_wait3A_321 = tpu.memref_slice %arg11[%dma_wait3A_312] : memref<4x!tpu.dma_semaphore, #tpu.memory_space<semaphore_mem>> -> memref<1x!tpu.dma_semaphore, #tpu.memory_space<semaphore_mem>>
      %dma_wait3A_322 = tpu.memref_squeeze %dma_wait3A_321 : memref<1x!tpu.dma_semaphore, #tpu.memory_space<semaphore_mem>> -> memref<!tpu.dma_semaphore, #tpu.memory_space<semaphore_mem>>
      %dma_wait3A_323 = arith.constant 0 : i32
      %dma_wait3A_324 = arith.constant 0 : i32
      %dma_wait3A_325 = tpu.memref_slice %arg8[%dma_wait3A_311, %dma_wait3A_323, %dma_wait3A_324] : memref<4x80x128xf32, #tpu.memory_space<vmem>> -> memref<1x80x128xf32, #tpu.memory_space<vmem>>
      %dma_wait3A_326 = tpu.memref_squeeze %dma_wait3A_325 : memref<1x80x128xf32, #tpu.memory_space<vmem>> -> memref<80x128xf32, #tpu.memory_space<vmem>>
      %dma_wait3A_327 = arith.constant 0 : i32
      %dma_wait3A_328 = arith.constant 0 : i32
      %dma_wait3A_329 = tpu.memref_slice %arg2[%dma_wait3A_310, %dma_wait3A_327, %dma_wait3A_328] : memref<2x160000x128xf32, #tpu.memory_space<hbm>> -> memref<1x80x128xf32, #tpu.memory_space<hbm>>
      %dma_wait3A_330 = tpu.memref_squeeze %dma_wait3A_329 : memref<1x80x128xf32, #tpu.memory_space<hbm>> -> memref<80x128xf32, #tpu.memory_space<hbm>>
      tpu.wait_dma2 semaphore(%dma_wait3A_322 : memref<!tpu.dma_semaphore, #tpu.memory_space<semaphore_mem>>) src(%dma_wait3A_330 : memref<80x128xf32, #tpu.memory_space<hbm>>) dst(%dma_wait3A_326 : memref<80x128xf32, #tpu.memory_space<vmem>>)
      %run_scoped3A_331 = arith.constant 2 : i32
      %run_scoped3A_332 = arith.constant 2 : i32
      "tpu.region"() ({
        %run_scoped3A_391 = tpu.sem_alloc : memref<!tpu.dma_semaphore, #tpu.memory_space<semaphore_mem>>
        %dma_start3A_392 = arith.constant 0 : i32
        %dma_start3A_393 = arith.constant 0 : i32
        %dma_start3A_394 = tpu.memref_slice %arg8[%run_scoped3A_331, %dma_start3A_392, %dma_start3A_393] : memref<4x80x128xf32, #tpu.memory_space<vmem>> -> memref<1x80x128xf32, #tpu.memory_space<vmem>>
        %dma_start3A_395 = tpu.memref_squeeze %dma_start3A_394 : memref<1x80x128xf32, #tpu.memory_space<vmem>> -> memref<80x128xf32, #tpu.memory_space<vmem>>
        %dma_start3A_396 = arith.constant 0 : i32
        %dma_start3A_397 = tpu.memref_slice %arg7[%run_scoped3A_332, %dma_start3A_396] : memref<4x80xi32, #tpu.memory_space<vmem>> -> memref<1x80xi32, #tpu.memory_space<vmem>>
        %dma_start3A_398 = tpu.memref_squeeze %dma_start3A_397 : memref<1x80xi32, #tpu.memory_space<vmem>> -> memref<80xi32, #tpu.memory_space<vmem>>
        %dma_start3A_399 = arith.constant 0 : i32
        %dma_start3A_400 = arith.constant 0 : i32
        %dma_start3A_401 = tpu.memref_slice %arg9[%dma_start3A_399, %dma_start3A_400] : memref<10240x128xf32, #tpu.memory_space<vmem_shared>> -> memref<10240x128xf32, #tpu.memory_space<vmem_shared>>
        tpu.enqueue_indirect_dma source(%dma_start3A_395 : memref<80x128xf32, #tpu.memory_space<vmem>>) target(%dma_start3A_401 : memref<10240x128xf32, #tpu.memory_space<vmem_shared>>) offsets(%dma_start3A_398 : memref<80xi32, #tpu.memory_space<vmem>>) semaphore(%run_scoped3A_391 : memref<!tpu.dma_semaphore, #tpu.memory_space<semaphore_mem>>) {add = true}
        %dma_wait3A_402 = arith.constant 0 : i32
        %dma_wait3A_403 = arith.constant 0 : i32
        %dma_wait3A_404 = tpu.memref_slice %arg8[%run_scoped3A_331, %dma_wait3A_402, %dma_wait3A_403] : memref<4x80x128xf32, #tpu.memory_space<vmem>> -> memref<1x80x128xf32, #tpu.memory_space<vmem>>
        %dma_wait3A_405 = tpu.memref_squeeze %dma_wait3A_404 : memref<1x80x128xf32, #tpu.memory_space<vmem>> -> memref<80x128xf32, #tpu.memory_space<vmem>>
        %dma_wait3A_406 = arith.constant 0 : i32
        %dma_wait3A_407 = tpu.memref_slice %arg7[%run_scoped3A_332, %dma_wait3A_406] : memref<4x80xi32, #tpu.memory_space<vmem>> -> memref<1x80xi32, #tpu.memory_space<vmem>>
        %dma_wait3A_408 = tpu.memref_squeeze %dma_wait3A_407 : memref<1x80xi32, #tpu.memory_space<vmem>> -> memref<80xi32, #tpu.memory_space<vmem>>
        %dma_wait3A_409 = arith.constant 0 : i32
        %dma_wait3A_410 = arith.constant 0 : i32
        %dma_wait3A_411 = tpu.memref_slice %arg9[%dma_wait3A_409, %dma_wait3A_410] : memref<10240x128xf32, #tpu.memory_space<vmem_shared>> -> memref<10240x128xf32, #tpu.memory_space<vmem_shared>>
        tpu.wait_indirect_dma semaphore(%run_scoped3A_391 : memref<!tpu.dma_semaphore, #tpu.memory_space<semaphore_mem>>) src(%dma_wait3A_405 : memref<80x128xf32, #tpu.memory_space<vmem>>) dst(%dma_wait3A_411 : memref<10240x128xf32, #tpu.memory_space<vmem_shared>>)
        tpu.yield
      }) : () -> ()
      %add3A_333 = arith.constant 4 : i32
      %add3A_334 = arith.addi %add3A_292, %add3A_333 : i32
      %lt3A_335 = arith.constant 125 : i32
      %lt3A_336 = arith.cmpi slt, %add3A_334, %lt3A_335 : i32
      %convert_element_type3A_337 = arith.extui %lt3A_336 : i1 to i32
      %cond3A_338 = arith.constant 0 : i32
      %cond3A_339 = arith.cmpi ne, %convert_element_type3A_337, %cond3A_338 : i32
      scf.if %cond3A_339 {
        %add3A_391 = arith.constant 320 : i32
        %add3A_392 = arith.addi %add3A_295, %add3A_391 : i32
        %add3A_393 = arith.constant 0 : i32
        %add3A_394 = arith.addi %add3A_393, %add3A_392 : i32
        %dma_start3A_395 = arith.constant 2 : i32
        %dma_start3A_396 = arith.constant 2 : i32
        %dma_start3A_397 = arith.constant 0 : i32
        %dma_start3A_398 = tpu.memref_slice %arg7[%dma_start3A_395, %dma_start3A_397] : memref<4x80xi32, #tpu.memory_space<vmem>> -> memref<1x80xi32, #tpu.memory_space<vmem>>
        %dma_start3A_399 = tpu.memref_squeeze %dma_start3A_398 : memref<1x80xi32, #tpu.memory_space<vmem>> -> memref<80xi32, #tpu.memory_space<vmem>>
        %dma_start3A_400 = tpu.memref_slice %arg3[%add3A_394] : memref<160000xi32, #tpu.memory_space<hbm>> -> memref<80xi32, #tpu.memory_space<hbm>>
        %dma_start3A_401 = tpu.memref_slice %arg10[%dma_start3A_396] : memref<4x!tpu.dma_semaphore, #tpu.memory_space<semaphore_mem>> -> memref<1x!tpu.dma_semaphore, #tpu.memory_space<semaphore_mem>>
        %dma_start3A_402 = tpu.memref_squeeze %dma_start3A_401 : memref<1x!tpu.dma_semaphore, #tpu.memory_space<semaphore_mem>> -> memref<!tpu.dma_semaphore, #tpu.memory_space<semaphore_mem>>
        %dma_start3A_403 = arith.constant 0 : i32
        %dma_start3A_404 = tpu.memref_slice %arg7[%dma_start3A_395, %dma_start3A_403] : memref<4x80xi32, #tpu.memory_space<vmem>> -> memref<1x80xi32, #tpu.memory_space<vmem>>
        %dma_start3A_405 = tpu.memref_squeeze %dma_start3A_404 : memref<1x80xi32, #tpu.memory_space<vmem>> -> memref<80xi32, #tpu.memory_space<vmem>>
        %dma_start3A_406 = tpu.memref_slice %arg3[%add3A_394] : memref<160000xi32, #tpu.memory_space<hbm>> -> memref<80xi32, #tpu.memory_space<hbm>>
        tpu.enqueue_dma source(%dma_start3A_406 : memref<80xi32, #tpu.memory_space<hbm>>) target(%dma_start3A_405 : memref<80xi32, #tpu.memory_space<vmem>>) target_semaphore(%dma_start3A_402 : memref<!tpu.dma_semaphore, #tpu.memory_space<semaphore_mem>>)
        %dma_start3A_407 = arith.constant 2 : i32
        %dma_start3A_408 = arith.constant 2 : i32
        %dma_start3A_409 = arith.constant 0 : i32
        %dma_start3A_410 = arith.constant 0 : i32
        %dma_start3A_411 = tpu.memref_slice %arg8[%dma_start3A_407, %dma_start3A_409, %dma_start3A_410] : memref<4x80x128xf32, #tpu.memory_space<vmem>> -> memref<1x80x128xf32, #tpu.memory_space<vmem>>
        %dma_start3A_412 = tpu.memref_squeeze %dma_start3A_411 : memref<1x80x128xf32, #tpu.memory_space<vmem>> -> memref<80x128xf32, #tpu.memory_space<vmem>>
        %dma_start3A_413 = arith.constant 0 : i32
        %dma_start3A_414 = tpu.memref_slice %arg2[%arg0, %add3A_392, %dma_start3A_413] : memref<2x160000x128xf32, #tpu.memory_space<hbm>> -> memref<1x80x128xf32, #tpu.memory_space<hbm>>
        %dma_start3A_415 = tpu.memref_squeeze %dma_start3A_414 : memref<1x80x128xf32, #tpu.memory_space<hbm>> -> memref<80x128xf32, #tpu.memory_space<hbm>>
        %dma_start3A_416 = tpu.memref_slice %arg11[%dma_start3A_408] : memref<4x!tpu.dma_semaphore, #tpu.memory_space<semaphore_mem>> -> memref<1x!tpu.dma_semaphore, #tpu.memory_space<semaphore_mem>>
        %dma_start3A_417 = tpu.memref_squeeze %dma_start3A_416 : memref<1x!tpu.dma_semaphore, #tpu.memory_space<semaphore_mem>> -> memref<!tpu.dma_semaphore, #tpu.memory_space<semaphore_mem>>
        %dma_start3A_418 = arith.constant 0 : i32
        %dma_start3A_419 = arith.constant 0 : i32
        %dma_start3A_420 = tpu.memref_slice %arg8[%dma_start3A_407, %dma_start3A_418, %dma_start3A_419] : memref<4x80x128xf32, #tpu.memory_space<vmem>> -> memref<1x80x128xf32, #tpu.memory_space<vmem>>
        %dma_start3A_421 = tpu.memref_squeeze %dma_start3A_420 : memref<1x80x128xf32, #tpu.memory_space<vmem>> -> memref<80x128xf32, #tpu.memory_space<vmem>>
        %dma_start3A_422 = arith.constant 0 : i32
        %dma_start3A_423 = tpu.memref_slice %arg2[%arg0, %add3A_392, %dma_start3A_422] : memref<2x160000x128xf32, #tpu.memory_space<hbm>> -> memref<1x80x128xf32, #tpu.memory_space<hbm>>
        %dma_start3A_424 = tpu.memref_squeeze %dma_start3A_423 : memref<1x80x128xf32, #tpu.memory_space<hbm>> -> memref<80x128xf32, #tpu.memory_space<hbm>>
        tpu.enqueue_dma source(%dma_start3A_424 : memref<80x128xf32, #tpu.memory_space<hbm>>) target(%dma_start3A_421 : memref<80x128xf32, #tpu.memory_space<vmem>>) target_semaphore(%dma_start3A_417 : memref<!tpu.dma_semaphore, #tpu.memory_space<semaphore_mem>>)
      } else {
      }
      %mul3A_340 = arith.constant 4 : i32
      %mul3A_341 = arith.muli %scan3A_187, %mul3A_340 : i32
      %add3A_342 = arith.constant 3 : i32
      %add3A_343 = arith.addi %mul3A_341, %add3A_342 : i32
      %mul3A_344 = arith.constant 80 : i32
      %mul3A_345 = arith.muli %add3A_343, %mul3A_344 : i32
      %add3A_346 = arith.addi %mul3A_2, %mul3A_345 : i32
      %dma_wait3A_347 = arith.constant 3 : i32
      %dma_wait3A_348 = arith.constant 3 : i32
      %dma_wait3A_349 = arith.constant 0 : i32
      %dma_wait3A_350 = tpu.memref_slice %arg7[%dma_wait3A_347, %dma_wait3A_349] : memref<4x80xi32, #tpu.memory_space<vmem>> -> memref<1x80xi32, #tpu.memory_space<vmem>>
      %dma_wait3A_351 = tpu.memref_squeeze %dma_wait3A_350 : memref<1x80xi32, #tpu.memory_space<vmem>> -> memref<80xi32, #tpu.memory_space<vmem>>
      %dma_wait3A_352 = arith.constant 0 : i32
      %dma_wait3A_353 = tpu.memref_slice %arg3[%dma_wait3A_352] : memref<160000xi32, #tpu.memory_space<hbm>> -> memref<80xi32, #tpu.memory_space<hbm>>
      %dma_wait3A_354 = tpu.memref_slice %arg10[%dma_wait3A_348] : memref<4x!tpu.dma_semaphore, #tpu.memory_space<semaphore_mem>> -> memref<1x!tpu.dma_semaphore, #tpu.memory_space<semaphore_mem>>
      %dma_wait3A_355 = tpu.memref_squeeze %dma_wait3A_354 : memref<1x!tpu.dma_semaphore, #tpu.memory_space<semaphore_mem>> -> memref<!tpu.dma_semaphore, #tpu.memory_space<semaphore_mem>>
      %dma_wait3A_356 = arith.constant 0 : i32
      %dma_wait3A_357 = tpu.memref_slice %arg7[%dma_wait3A_347, %dma_wait3A_356] : memref<4x80xi32, #tpu.memory_space<vmem>> -> memref<1x80xi32, #tpu.memory_space<vmem>>
      %dma_wait3A_358 = tpu.memref_squeeze %dma_wait3A_357 : memref<1x80xi32, #tpu.memory_space<vmem>> -> memref<80xi32, #tpu.memory_space<vmem>>
      %dma_wait3A_359 = arith.constant 0 : i32
      %dma_wait3A_360 = tpu.memref_slice %arg3[%dma_wait3A_359] : memref<160000xi32, #tpu.memory_space<hbm>> -> memref<80xi32, #tpu.memory_space<hbm>>
      tpu.wait_dma2 semaphore(%dma_wait3A_355 : memref<!tpu.dma_semaphore, #tpu.memory_space<semaphore_mem>>) src(%dma_wait3A_360 : memref<80xi32, #tpu.memory_space<hbm>>) dst(%dma_wait3A_358 : memref<80xi32, #tpu.memory_space<vmem>>)
      %dma_wait3A_361 = arith.constant 0 : i32
      %dma_wait3A_362 = arith.constant 3 : i32
      %dma_wait3A_363 = arith.constant 3 : i32
      %dma_wait3A_364 = arith.constant 0 : i32
      %dma_wait3A_365 = arith.constant 0 : i32
      %dma_wait3A_366 = tpu.memref_slice %arg8[%dma_wait3A_362, %dma_wait3A_364, %dma_wait3A_365] : memref<4x80x128xf32, #tpu.memory_space<vmem>> -> memref<1x80x128xf32, #tpu.memory_space<vmem>>
      %dma_wait3A_367 = tpu.memref_squeeze %dma_wait3A_366 : memref<1x80x128xf32, #tpu.memory_space<vmem>> -> memref<80x128xf32, #tpu.memory_space<vmem>>
      %dma_wait3A_368 = arith.constant 0 : i32
      %dma_wait3A_369 = arith.constant 0 : i32
      %dma_wait3A_370 = tpu.memref_slice %arg2[%dma_wait3A_361, %dma_wait3A_368, %dma_wait3A_369] : memref<2x160000x128xf32, #tpu.memory_space<hbm>> -> memref<1x80x128xf32, #tpu.memory_space<hbm>>
      %dma_wait3A_371 = tpu.memref_squeeze %dma_wait3A_370 : memref<1x80x128xf32, #tpu.memory_space<hbm>> -> memref<80x128xf32, #tpu.memory_space<hbm>>
      %dma_wait3A_372 = tpu.memref_slice %arg11[%dma_wait3A_363] : memref<4x!tpu.dma_semaphore, #tpu.memory_space<semaphore_mem>> -> memref<1x!tpu.dma_semaphore, #tpu.memory_space<semaphore_mem>>
      %dma_wait3A_373 = tpu.memref_squeeze %dma_wait3A_372 : memref<1x!tpu.dma_semaphore, #tpu.memory_space<semaphore_mem>> -> memref<!tpu.dma_semaphore, #tpu.memory_space<semaphore_mem>>
      %dma_wait3A_374 = arith.constant 0 : i32
      %dma_wait3A_375 = arith.constant 0 : i32
      %dma_wait3A_376 = tpu.memref_slice %arg8[%dma_wait3A_362, %dma_wait3A_374, %dma_wait3A_375] : memref<4x80x128xf32, #tpu.memory_space<vmem>> -> memref<1x80x128xf32, #tpu.memory_space<vmem>>
      %dma_wait3A_377 = tpu.memref_squeeze %dma_wait3A_376 : memref<1x80x128xf32, #tpu.memory_space<vmem>> -> memref<80x128xf32, #tpu.memory_space<vmem>>
      %dma_wait3A_378 = arith.constant 0 : i32
      %dma_wait3A_379 = arith.constant 0 : i32
      %dma_wait3A_380 = tpu.memref_slice %arg2[%dma_wait3A_361, %dma_wait3A_378, %dma_wait3A_379] : memref<2x160000x128xf32, #tpu.memory_space<hbm>> -> memref<1x80x128xf32, #tpu.memory_space<hbm>>
      %dma_wait3A_381 = tpu.memref_squeeze %dma_wait3A_380 : memref<1x80x128xf32, #tpu.memory_space<hbm>> -> memref<80x128xf32, #tpu.memory_space<hbm>>
      tpu.wait_dma2 semaphore(%dma_wait3A_373 : memref<!tpu.dma_semaphore, #tpu.memory_space<semaphore_mem>>) src(%dma_wait3A_381 : memref<80x128xf32, #tpu.memory_space<hbm>>) dst(%dma_wait3A_377 : memref<80x128xf32, #tpu.memory_space<vmem>>)
      %run_scoped3A_382 = arith.constant 3 : i32
      %run_scoped3A_383 = arith.constant 3 : i32
      "tpu.region"() ({
        %run_scoped3A_391 = tpu.sem_alloc : memref<!tpu.dma_semaphore, #tpu.memory_space<semaphore_mem>>
        %dma_start3A_392 = arith.constant 0 : i32
        %dma_start3A_393 = arith.constant 0 : i32
        %dma_start3A_394 = tpu.memref_slice %arg8[%run_scoped3A_382, %dma_start3A_392, %dma_start3A_393] : memref<4x80x128xf32, #tpu.memory_space<vmem>> -> memref<1x80x128xf32, #tpu.memory_space<vmem>>
        %dma_start3A_395 = tpu.memref_squeeze %dma_start3A_394 : memref<1x80x128xf32, #tpu.memory_space<vmem>> -> memref<80x128xf32, #tpu.memory_space<vmem>>
        %dma_start3A_396 = arith.constant 0 : i32
        %dma_start3A_397 = tpu.memref_slice %arg7[%run_scoped3A_383, %dma_start3A_396] : memref<4x80xi32, #tpu.memory_space<vmem>> -> memref<1x80xi32, #tpu.memory_space<vmem>>
        %dma_start3A_398 = tpu.memref_squeeze %dma_start3A_397 : memref<1x80xi32, #tpu.memory_space<vmem>> -> memref<80xi32, #tpu.memory_space<vmem>>
        %dma_start3A_399 = arith.constant 0 : i32
        %dma_start3A_400 = arith.constant 0 : i32
        %dma_start3A_401 = tpu.memref_slice %arg9[%dma_start3A_399, %dma_start3A_400] : memref<10240x128xf32, #tpu.memory_space<vmem_shared>> -> memref<10240x128xf32, #tpu.memory_space<vmem_shared>>
        tpu.enqueue_indirect_dma source(%dma_start3A_395 : memref<80x128xf32, #tpu.memory_space<vmem>>) target(%dma_start3A_401 : memref<10240x128xf32, #tpu.memory_space<vmem_shared>>) offsets(%dma_start3A_398 : memref<80xi32, #tpu.memory_space<vmem>>) semaphore(%run_scoped3A_391 : memref<!tpu.dma_semaphore, #tpu.memory_space<semaphore_mem>>) {add = true}
        %dma_wait3A_402 = arith.constant 0 : i32
        %dma_wait3A_403 = arith.constant 0 : i32
        %dma_wait3A_404 = tpu.memref_slice %arg8[%run_scoped3A_382, %dma_wait3A_402, %dma_wait3A_403] : memref<4x80x128xf32, #tpu.memory_space<vmem>> -> memref<1x80x128xf32, #tpu.memory_space<vmem>>
        %dma_wait3A_405 = tpu.memref_squeeze %dma_wait3A_404 : memref<1x80x128xf32, #tpu.memory_space<vmem>> -> memref<80x128xf32, #tpu.memory_space<vmem>>
        %dma_wait3A_406 = arith.constant 0 : i32
        %dma_wait3A_407 = tpu.memref_slice %arg7[%run_scoped3A_383, %dma_wait3A_406] : memref<4x80xi32, #tpu.memory_space<vmem>> -> memref<1x80xi32, #tpu.memory_space<vmem>>
        %dma_wait3A_408 = tpu.memref_squeeze %dma_wait3A_407 : memref<1x80xi32, #tpu.memory_space<vmem>> -> memref<80xi32, #tpu.memory_space<vmem>>
        %dma_wait3A_409 = arith.constant 0 : i32
        %dma_wait3A_410 = arith.constant 0 : i32
        %dma_wait3A_411 = tpu.memref_slice %arg9[%dma_wait3A_409, %dma_wait3A_410] : memref<10240x128xf32, #tpu.memory_space<vmem_shared>> -> memref<10240x128xf32, #tpu.memory_space<vmem_shared>>
        tpu.wait_indirect_dma semaphore(%run_scoped3A_391 : memref<!tpu.dma_semaphore, #tpu.memory_space<semaphore_mem>>) src(%dma_wait3A_405 : memref<80x128xf32, #tpu.memory_space<vmem>>) dst(%dma_wait3A_411 : memref<10240x128xf32, #tpu.memory_space<vmem_shared>>)
        tpu.yield
      }) : () -> ()
      %add3A_384 = arith.constant 4 : i32
      %add3A_385 = arith.addi %add3A_343, %add3A_384 : i32
      %lt3A_386 = arith.constant 125 : i32
      %lt3A_387 = arith.cmpi slt, %add3A_385, %lt3A_386 : i32
      %convert_element_type3A_388 = arith.extui %lt3A_387 : i1 to i32
      %cond3A_389 = arith.constant 0 : i32
      %cond3A_390 = arith.cmpi ne, %convert_element_type3A_388, %cond3A_389 : i32
      scf.if %cond3A_390 {
        %add3A_391 = arith.constant 320 : i32
        %add3A_392 = arith.addi %add3A_346, %add3A_391 : i32
        %add3A_393 = arith.constant 0 : i32
        %add3A_394 = arith.addi %add3A_393, %add3A_392 : i32
        %dma_start3A_395 = arith.constant 3 : i32
        %dma_start3A_396 = arith.constant 3 : i32
        %dma_start3A_397 = arith.constant 0 : i32
        %dma_start3A_398 = tpu.memref_slice %arg7[%dma_start3A_395, %dma_start3A_397] : memref<4x80xi32, #tpu.memory_space<vmem>> -> memref<1x80xi32, #tpu.memory_space<vmem>>
        %dma_start3A_399 = tpu.memref_squeeze %dma_start3A_398 : memref<1x80xi32, #tpu.memory_space<vmem>> -> memref<80xi32, #tpu.memory_space<vmem>>
        %dma_start3A_400 = tpu.memref_slice %arg3[%add3A_394] : memref<160000xi32, #tpu.memory_space<hbm>> -> memref<80xi32, #tpu.memory_space<hbm>>
        %dma_start3A_401 = tpu.memref_slice %arg10[%dma_start3A_396] : memref<4x!tpu.dma_semaphore, #tpu.memory_space<semaphore_mem>> -> memref<1x!tpu.dma_semaphore, #tpu.memory_space<semaphore_mem>>
        %dma_start3A_402 = tpu.memref_squeeze %dma_start3A_401 : memref<1x!tpu.dma_semaphore, #tpu.memory_space<semaphore_mem>> -> memref<!tpu.dma_semaphore, #tpu.memory_space<semaphore_mem>>
        %dma_start3A_403 = arith.constant 0 : i32
        %dma_start3A_404 = tpu.memref_slice %arg7[%dma_start3A_395, %dma_start3A_403] : memref<4x80xi32, #tpu.memory_space<vmem>> -> memref<1x80xi32, #tpu.memory_space<vmem>>
        %dma_start3A_405 = tpu.memref_squeeze %dma_start3A_404 : memref<1x80xi32, #tpu.memory_space<vmem>> -> memref<80xi32, #tpu.memory_space<vmem>>
        %dma_start3A_406 = tpu.memref_slice %arg3[%add3A_394] : memref<160000xi32, #tpu.memory_space<hbm>> -> memref<80xi32, #tpu.memory_space<hbm>>
        tpu.enqueue_dma source(%dma_start3A_406 : memref<80xi32, #tpu.memory_space<hbm>>) target(%dma_start3A_405 : memref<80xi32, #tpu.memory_space<vmem>>) target_semaphore(%dma_start3A_402 : memref<!tpu.dma_semaphore, #tpu.memory_space<semaphore_mem>>)
        %dma_start3A_407 = arith.constant 3 : i32
        %dma_start3A_408 = arith.constant 3 : i32
        %dma_start3A_409 = arith.constant 0 : i32
        %dma_start3A_410 = arith.constant 0 : i32
        %dma_start3A_411 = tpu.memref_slice %arg8[%dma_start3A_407, %dma_start3A_409, %dma_start3A_410] : memref<4x80x128xf32, #tpu.memory_space<vmem>> -> memref<1x80x128xf32, #tpu.memory_space<vmem>>
        %dma_start3A_412 = tpu.memref_squeeze %dma_start3A_411 : memref<1x80x128xf32, #tpu.memory_space<vmem>> -> memref<80x128xf32, #tpu.memory_space<vmem>>
        %dma_start3A_413 = arith.constant 0 : i32
        %dma_start3A_414 = tpu.memref_slice %arg2[%arg0, %add3A_392, %dma_start3A_413] : memref<2x160000x128xf32, #tpu.memory_space<hbm>> -> memref<1x80x128xf32, #tpu.memory_space<hbm>>
        %dma_start3A_415 = tpu.memref_squeeze %dma_start3A_414 : memref<1x80x128xf32, #tpu.memory_space<hbm>> -> memref<80x128xf32, #tpu.memory_space<hbm>>
        %dma_start3A_416 = tpu.memref_slice %arg11[%dma_start3A_408] : memref<4x!tpu.dma_semaphore, #tpu.memory_space<semaphore_mem>> -> memref<1x!tpu.dma_semaphore, #tpu.memory_space<semaphore_mem>>
        %dma_start3A_417 = tpu.memref_squeeze %dma_start3A_416 : memref<1x!tpu.dma_semaphore, #tpu.memory_space<semaphore_mem>> -> memref<!tpu.dma_semaphore, #tpu.memory_space<semaphore_mem>>
        %dma_start3A_418 = arith.constant 0 : i32
        %dma_start3A_419 = arith.constant 0 : i32
        %dma_start3A_420 = tpu.memref_slice %arg8[%dma_start3A_407, %dma_start3A_418, %dma_start3A_419] : memref<4x80x128xf32, #tpu.memory_space<vmem>> -> memref<1x80x128xf32, #tpu.memory_space<vmem>>
        %dma_start3A_421 = tpu.memref_squeeze %dma_start3A_420 : memref<1x80x128xf32, #tpu.memory_space<vmem>> -> memref<80x128xf32, #tpu.memory_space<vmem>>
        %dma_start3A_422 = arith.constant 0 : i32
        %dma_start3A_423 = tpu.memref_slice %arg2[%arg0, %add3A_392, %dma_start3A_422] : memref<2x160000x128xf32, #tpu.memory_space<hbm>> -> memref<1x80x128xf32, #tpu.memory_space<hbm>>
        %dma_start3A_424 = tpu.memref_squeeze %dma_start3A_423 : memref<1x80x128xf32, #tpu.memory_space<hbm>> -> memref<80x128xf32, #tpu.memory_space<hbm>>
        tpu.enqueue_dma source(%dma_start3A_424 : memref<80x128xf32, #tpu.memory_space<hbm>>) target(%dma_start3A_421 : memref<80x128xf32, #tpu.memory_space<vmem>>) target_semaphore(%dma_start3A_417 : memref<!tpu.dma_semaphore, #tpu.memory_space<semaphore_mem>>)
      } else {
      }
    }
    %scan3A_141 = arith.constant 31 : i32
    %add3A_142 = arith.constant 9920 : i32
    %add3A_143 = arith.addi %mul3A_2, %add3A_142 : i32
    %dma_wait3A = arith.constant 0 : i32
    %dma_wait3A_144 = arith.constant 0 : i32
    %dma_wait3A_145 = arith.constant 0 : i32
    %dma_wait3A_146 = tpu.memref_slice %arg7[%dma_wait3A, %dma_wait3A_145] : memref<4x80xi32, #tpu.memory_space<vmem>> -> memref<1x80xi32, #tpu.memory_space<vmem>>
    %dma_wait3A_147 = tpu.memref_squeeze %dma_wait3A_146 : memref<1x80xi32, #tpu.memory_space<vmem>> -> memref<80xi32, #tpu.memory_space<vmem>>
    %dma_wait3A_148 = arith.constant 0 : i32
    %dma_wait3A_149 = tpu.memref_slice %arg3[%dma_wait3A_148] : memref<160000xi32, #tpu.memory_space<hbm>> -> memref<80xi32, #tpu.memory_space<hbm>>
    %dma_wait3A_150 = tpu.memref_slice %arg10[%dma_wait3A_144] : memref<4x!tpu.dma_semaphore, #tpu.memory_space<semaphore_mem>> -> memref<1x!tpu.dma_semaphore, #tpu.memory_space<semaphore_mem>>
    %dma_wait3A_151 = tpu.memref_squeeze %dma_wait3A_150 : memref<1x!tpu.dma_semaphore, #tpu.memory_space<semaphore_mem>> -> memref<!tpu.dma_semaphore, #tpu.memory_space<semaphore_mem>>
    %dma_wait3A_152 = arith.constant 0 : i32
    %dma_wait3A_153 = tpu.memref_slice %arg7[%dma_wait3A, %dma_wait3A_152] : memref<4x80xi32, #tpu.memory_space<vmem>> -> memref<1x80xi32, #tpu.memory_space<vmem>>
    %dma_wait3A_154 = tpu.memref_squeeze %dma_wait3A_153 : memref<1x80xi32, #tpu.memory_space<vmem>> -> memref<80xi32, #tpu.memory_space<vmem>>
    %dma_wait3A_155 = arith.constant 0 : i32
    %dma_wait3A_156 = tpu.memref_slice %arg3[%dma_wait3A_155] : memref<160000xi32, #tpu.memory_space<hbm>> -> memref<80xi32, #tpu.memory_space<hbm>>
    tpu.wait_dma2 semaphore(%dma_wait3A_151 : memref<!tpu.dma_semaphore, #tpu.memory_space<semaphore_mem>>) src(%dma_wait3A_156 : memref<80xi32, #tpu.memory_space<hbm>>) dst(%dma_wait3A_154 : memref<80xi32, #tpu.memory_space<vmem>>)
    %dma_wait3A_157 = arith.constant 0 : i32
    %dma_wait3A_158 = arith.constant 0 : i32
    %dma_wait3A_159 = arith.constant 0 : i32
    %dma_wait3A_160 = arith.constant 0 : i32
    %dma_wait3A_161 = arith.constant 0 : i32
    %dma_wait3A_162 = tpu.memref_slice %arg8[%dma_wait3A_158, %dma_wait3A_160, %dma_wait3A_161] : memref<4x80x128xf32, #tpu.memory_space<vmem>> -> memref<1x80x128xf32, #tpu.memory_space<vmem>>
    %dma_wait3A_163 = tpu.memref_squeeze %dma_wait3A_162 : memref<1x80x128xf32, #tpu.memory_space<vmem>> -> memref<80x128xf32, #tpu.memory_space<vmem>>
    %dma_wait3A_164 = arith.constant 0 : i32
    %dma_wait3A_165 = arith.constant 0 : i32
    %dma_wait3A_166 = tpu.memref_slice %arg2[%dma_wait3A_157, %dma_wait3A_164, %dma_wait3A_165] : memref<2x160000x128xf32, #tpu.memory_space<hbm>> -> memref<1x80x128xf32, #tpu.memory_space<hbm>>
    %dma_wait3A_167 = tpu.memref_squeeze %dma_wait3A_166 : memref<1x80x128xf32, #tpu.memory_space<hbm>> -> memref<80x128xf32, #tpu.memory_space<hbm>>
    %dma_wait3A_168 = tpu.memref_slice %arg11[%dma_wait3A_159] : memref<4x!tpu.dma_semaphore, #tpu.memory_space<semaphore_mem>> -> memref<1x!tpu.dma_semaphore, #tpu.memory_space<semaphore_mem>>
    %dma_wait3A_169 = tpu.memref_squeeze %dma_wait3A_168 : memref<1x!tpu.dma_semaphore, #tpu.memory_space<semaphore_mem>> -> memref<!tpu.dma_semaphore, #tpu.memory_space<semaphore_mem>>
    %dma_wait3A_170 = arith.constant 0 : i32
    %dma_wait3A_171 = arith.constant 0 : i32
    %dma_wait3A_172 = tpu.memref_slice %arg8[%dma_wait3A_158, %dma_wait3A_170, %dma_wait3A_171] : memref<4x80x128xf32, #tpu.memory_space<vmem>> -> memref<1x80x128xf32, #tpu.memory_space<vmem>>
    %dma_wait3A_173 = tpu.memref_squeeze %dma_wait3A_172 : memref<1x80x128xf32, #tpu.memory_space<vmem>> -> memref<80x128xf32, #tpu.memory_space<vmem>>
    %dma_wait3A_174 = arith.constant 0 : i32
    %dma_wait3A_175 = arith.constant 0 : i32
    %dma_wait3A_176 = tpu.memref_slice %arg2[%dma_wait3A_157, %dma_wait3A_174, %dma_wait3A_175] : memref<2x160000x128xf32, #tpu.memory_space<hbm>> -> memref<1x80x128xf32, #tpu.memory_space<hbm>>
    %dma_wait3A_177 = tpu.memref_squeeze %dma_wait3A_176 : memref<1x80x128xf32, #tpu.memory_space<hbm>> -> memref<80x128xf32, #tpu.memory_space<hbm>>
    tpu.wait_dma2 semaphore(%dma_wait3A_169 : memref<!tpu.dma_semaphore, #tpu.memory_space<semaphore_mem>>) src(%dma_wait3A_177 : memref<80x128xf32, #tpu.memory_space<hbm>>) dst(%dma_wait3A_173 : memref<80x128xf32, #tpu.memory_space<vmem>>)
    %run_scoped3A = arith.constant 0 : i32
    %run_scoped3A_178 = arith.constant 0 : i32
    "tpu.region"() ({
      %run_scoped3A_187 = tpu.sem_alloc : memref<!tpu.dma_semaphore, #tpu.memory_space<semaphore_mem>>
      %dma_start3A_188 = arith.constant 0 : i32
      %dma_start3A_189 = arith.constant 0 : i32
      %dma_start3A_190 = tpu.memref_slice %arg8[%run_scoped3A, %dma_start3A_188, %dma_start3A_189] : memref<4x80x128xf32, #tpu.memory_space<vmem>> -> memref<1x80x128xf32, #tpu.memory_space<vmem>>
      %dma_start3A_191 = tpu.memref_squeeze %dma_start3A_190 : memref<1x80x128xf32, #tpu.memory_space<vmem>> -> memref<80x128xf32, #tpu.memory_space<vmem>>
      %dma_start3A_192 = arith.constant 0 : i32
      %dma_start3A_193 = tpu.memref_slice %arg7[%run_scoped3A_178, %dma_start3A_192] : memref<4x80xi32, #tpu.memory_space<vmem>> -> memref<1x80xi32, #tpu.memory_space<vmem>>
      %dma_start3A_194 = tpu.memref_squeeze %dma_start3A_193 : memref<1x80xi32, #tpu.memory_space<vmem>> -> memref<80xi32, #tpu.memory_space<vmem>>
      %dma_start3A_195 = arith.constant 0 : i32
      %dma_start3A_196 = arith.constant 0 : i32
      %dma_start3A_197 = tpu.memref_slice %arg9[%dma_start3A_195, %dma_start3A_196] : memref<10240x128xf32, #tpu.memory_space<vmem_shared>> -> memref<10240x128xf32, #tpu.memory_space<vmem_shared>>
      tpu.enqueue_indirect_dma source(%dma_start3A_191 : memref<80x128xf32, #tpu.memory_space<vmem>>) target(%dma_start3A_197 : memref<10240x128xf32, #tpu.memory_space<vmem_shared>>) offsets(%dma_start3A_194 : memref<80xi32, #tpu.memory_space<vmem>>) semaphore(%run_scoped3A_187 : memref<!tpu.dma_semaphore, #tpu.memory_space<semaphore_mem>>) {add = true}
      %dma_wait3A_198 = arith.constant 0 : i32
      %dma_wait3A_199 = arith.constant 0 : i32
      %dma_wait3A_200 = tpu.memref_slice %arg8[%run_scoped3A, %dma_wait3A_198, %dma_wait3A_199] : memref<4x80x128xf32, #tpu.memory_space<vmem>> -> memref<1x80x128xf32, #tpu.memory_space<vmem>>
      %dma_wait3A_201 = tpu.memref_squeeze %dma_wait3A_200 : memref<1x80x128xf32, #tpu.memory_space<vmem>> -> memref<80x128xf32, #tpu.memory_space<vmem>>
      %dma_wait3A_202 = arith.constant 0 : i32
      %dma_wait3A_203 = tpu.memref_slice %arg7[%run_scoped3A_178, %dma_wait3A_202] : memref<4x80xi32, #tpu.memory_space<vmem>> -> memref<1x80xi32, #tpu.memory_space<vmem>>
      %dma_wait3A_204 = tpu.memref_squeeze %dma_wait3A_203 : memref<1x80xi32, #tpu.memory_space<vmem>> -> memref<80xi32, #tpu.memory_space<vmem>>
      %dma_wait3A_205 = arith.constant 0 : i32
      %dma_wait3A_206 = arith.constant 0 : i32
      %dma_wait3A_207 = tpu.memref_slice %arg9[%dma_wait3A_205, %dma_wait3A_206] : memref<10240x128xf32, #tpu.memory_space<vmem_shared>> -> memref<10240x128xf32, #tpu.memory_space<vmem_shared>>
      tpu.wait_indirect_dma semaphore(%run_scoped3A_187 : memref<!tpu.dma_semaphore, #tpu.memory_space<semaphore_mem>>) src(%dma_wait3A_201 : memref<80x128xf32, #tpu.memory_space<vmem>>) dst(%dma_wait3A_207 : memref<10240x128xf32, #tpu.memory_space<vmem_shared>>)
      tpu.yield
    }) : () -> ()
    %barrier3A_179 = arith.constant 0 : index
    tpu.barrier barrier_id(%barrier3A_179)
    %eq3A = arith.constant 0 : i32
    %eq3A_180 = arith.cmpi eq, %arg0, %eq3A : i32
    %convert_element_type3A = arith.extui %eq3A_180 : i1 to i32
    %cond3A = arith.constant 0 : i32
    %cond3A_181 = arith.cmpi ne, %convert_element_type3A, %cond3A : i32
    scf.if %cond3A_181 {
      "tpu.region"() ({
        %run_scoped3A_187 = tpu.sem_alloc : memref<!tpu.dma_semaphore, #tpu.memory_space<semaphore_mem>>
        %dma_start3A_188 = arith.constant 0 : i32
        %dma_start3A_189 = tpu.memref_slice %arg5[%mul3A_0, %dma_start3A_188] : memref<10240x128xf32, #tpu.memory_space<hbm>> -> memref<640x128xf32, #tpu.memory_space<hbm>>
        %dma_start3A_190 = arith.constant 0 : i32
        %dma_start3A_191 = tpu.memref_slice %arg9[%mul3A_0, %dma_start3A_190] : memref<10240x128xf32, #tpu.memory_space<vmem_shared>> -> memref<640x128xf32, #tpu.memory_space<vmem_shared>>
        tpu.enqueue_dma source(%dma_start3A_191 : memref<640x128xf32, #tpu.memory_space<vmem_shared>>) target(%dma_start3A_189 : memref<640x128xf32, #tpu.memory_space<hbm>>) target_semaphore(%run_scoped3A_187 : memref<!tpu.dma_semaphore, #tpu.memory_space<semaphore_mem>>)
        %dma_wait3A_192 = arith.constant 0 : i32
        %dma_wait3A_193 = tpu.memref_slice %arg5[%mul3A_0, %dma_wait3A_192] : memref<10240x128xf32, #tpu.memory_space<hbm>> -> memref<640x128xf32, #tpu.memory_space<hbm>>
        %dma_wait3A_194 = arith.constant 0 : i32
        %dma_wait3A_195 = tpu.memref_slice %arg9[%mul3A_0, %dma_wait3A_194] : memref<10240x128xf32, #tpu.memory_space<vmem_shared>> -> memref<640x128xf32, #tpu.memory_space<vmem_shared>>
        tpu.wait_dma2 semaphore(%run_scoped3A_187 : memref<!tpu.dma_semaphore, #tpu.memory_space<semaphore_mem>>) src(%dma_wait3A_195 : memref<640x128xf32, #tpu.memory_space<vmem_shared>>) dst(%dma_wait3A_193 : memref<640x128xf32, #tpu.memory_space<hbm>>)
        tpu.yield
      }) : () -> ()
    } else {
    }
    %eq3A_182 = arith.constant 1 : i32
    %eq3A_183 = arith.cmpi eq, %arg0, %eq3A_182 : i32
    %convert_element_type3A_184 = arith.extui %eq3A_183 : i1 to i32
    %cond3A_185 = arith.constant 0 : i32
    %cond3A_186 = arith.cmpi ne, %convert_element_type3A_184, %cond3A_185 : i32
    scf.if %cond3A_186 {
      "tpu.region"() ({
        %run_scoped3A_187 = tpu.sem_alloc : memref<!tpu.dma_semaphore, #tpu.memory_space<semaphore_mem>>
        %dma_start3A_188 = arith.constant 0 : i32
        %dma_start3A_189 = tpu.memref_slice %arg6[%mul3A_0, %dma_start3A_188] : memref<10240x128xf32, #tpu.memory_space<hbm>> -> memref<640x128xf32, #tpu.memory_space<hbm>>
        %dma_start3A_190 = arith.constant 0 : i32
        %dma_start3A_191 = tpu.memref_slice %arg9[%mul3A_0, %dma_start3A_190] : memref<10240x128xf32, #tpu.memory_space<vmem_shared>> -> memref<640x128xf32, #tpu.memory_space<vmem_shared>>
        tpu.enqueue_dma source(%dma_start3A_191 : memref<640x128xf32, #tpu.memory_space<vmem_shared>>) target(%dma_start3A_189 : memref<640x128xf32, #tpu.memory_space<hbm>>) target_semaphore(%run_scoped3A_187 : memref<!tpu.dma_semaphore, #tpu.memory_space<semaphore_mem>>)
        %dma_wait3A_192 = arith.constant 0 : i32
        %dma_wait3A_193 = tpu.memref_slice %arg6[%mul3A_0, %dma_wait3A_192] : memref<10240x128xf32, #tpu.memory_space<hbm>> -> memref<640x128xf32, #tpu.memory_space<hbm>>
        %dma_wait3A_194 = arith.constant 0 : i32
        %dma_wait3A_195 = tpu.memref_slice %arg9[%mul3A_0, %dma_wait3A_194] : memref<10240x128xf32, #tpu.memory_space<vmem_shared>> -> memref<640x128xf32, #tpu.memory_space<vmem_shared>>
        tpu.wait_dma2 semaphore(%run_scoped3A_187 : memref<!tpu.dma_semaphore, #tpu.memory_space<semaphore_mem>>) src(%dma_wait3A_195 : memref<640x128xf32, #tpu.memory_space<vmem_shared>>) dst(%dma_wait3A_193 : memref<640x128xf32, #tpu.memory_space<hbm>>)
        tpu.yield
      }) : () -> ()
    } else {
    }
    return
  }
}

#map = affine_map<(d0, d1) -> (0, 0, 0)>
#map1 = affine_map<(d0, d1) -> (0)>
#map2 = affine_map<(d0, d1) -> (0, 0)>
module attributes {stable_mosaic.version = 14 : i64} {
  func.func @body(%arg0: i32, %arg1: i32, %arg2: memref<2x160000x128xf32, #tpu.memory_space<hbm>>, %arg3: memref<160000xi32, #tpu.memory_space<hbm>>, %arg4: memref<10240x128xf32, #tpu.memory_space<hbm>>, %arg5: memref<10240x128xf32, #tpu.memory_space<hbm>>, %arg6: memref<10240x128xf32, #tpu.memory_space<hbm>>, %arg7: memref<4x80xi32, #tpu.memory_space<vmem>>, %arg8: memref<4x80x128xf32, #tpu.memory_space<vmem>>, %arg9: memref<10240x128xf32, #tpu.memory_space<vmem_shared>>, %arg10: memref<4x!tpu.dma_semaphore, #tpu.memory_space<semaphore_mem>>, %arg11: memref<4x!tpu.dma_semaphore, #tpu.memory_space<semaphore_mem>>) attributes {dimension_semantics = [#tpu.dimension_semantics<core_parallel>, #tpu.dimension_semantics<subcore_parallel>], iteration_bounds = array<i64: 2, 16>, scalar_prefetch = 0 : i64, scratch_operands = 5 : i64, tpu.core_type = #tpu.core_type<sc_vector_subcore>, window_params = [{transform_indices = #map}, {transform_indices = #map1}, {transform_indices = #map2}, {transform_indices = #map2}, {transform_indices = #map2}]} {
    %mul3A = arith.constant 640 : i32
    %mul3A_0 = arith.muli %arg1, %mul3A : i32
    "tpu.region"() ({
      %run_scoped3A_187 = tpu.sem_alloc : memref<!tpu.dma_semaphore, #tpu.memory_space<semaphore_mem>>
      %dma_start3A_188 = arith.constant 0 : i32
      %dma_start3A_189 = tpu.memref_slice %arg9[%mul3A_0, %dma_start3A_188] : memref<10240x128xf32, #tpu.memory_space<vmem_shared>> -> memref<640x128xf32, #tpu.memory_space<vmem_shared>>
      %dma_start3A_190 = arith.constant 0 : i32
      %dma_start3A_191 = tpu.memref_slice %arg4[%mul3A_0, %dma_start3A_190] : memref<10240x128xf32, #tpu.memory_space<hbm>> -> memref<640x128xf32, #tpu.memory_space<hbm>>
      tpu.enqueue_dma source(%dma_start3A_191 : memref<640x128xf32, #tpu.memory_space<hbm>>) target(%dma_start3A_189 : memref<640x128xf32, #tpu.memory_space<vmem_shared>>) target_semaphore(%run_scoped3A_187 : memref<!tpu.dma_semaphore, #tpu.memory_space<semaphore_mem>>)
      %dma_wait3A_192 = arith.constant 0 : i32
      %dma_wait3A_193 = tpu.memref_slice %arg9[%mul3A_0, %dma_wait3A_192] : memref<10240x128xf32, #tpu.memory_space<vmem_shared>> -> memref<640x128xf32, #tpu.memory_space<vmem_shared>>
      %dma_wait3A_194 = arith.constant 0 : i32
      %dma_wait3A_195 = tpu.memref_slice %arg4[%mul3A_0, %dma_wait3A_194] : memref<10240x128xf32, #tpu.memory_space<hbm>> -> memref<640x128xf32, #tpu.memory_space<hbm>>
      tpu.wait_dma2 semaphore(%run_scoped3A_187 : memref<!tpu.dma_semaphore, #tpu.memory_space<semaphore_mem>>) src(%dma_wait3A_195 : memref<640x128xf32, #tpu.memory_space<hbm>>) dst(%dma_wait3A_193 : memref<640x128xf32, #tpu.memory_space<vmem_shared>>)
      tpu.yield
    }) : () -> ()
    %barrier3A = arith.constant 0 : index
    tpu.barrier barrier_id(%barrier3A)
    %mul3A_1 = arith.constant 10000 : i32
    %mul3A_2 = arith.muli %arg1, %mul3A_1 : i32
    %add3A = arith.constant 0 : i32
    %add3A_3 = arith.addi %mul3A_2, %add3A : i32
    %add3A_4 = arith.constant 0 : i32
    %add3A_5 = arith.addi %add3A_4, %add3A_3 : i32
    %dma_start3A = arith.constant 0 : i32
    %dma_start3A_6 = arith.constant 0 : i32
    %dma_start3A_7 = arith.constant 0 : i32
    %dma_start3A_8 = tpu.memref_slice %arg7[%dma_start3A, %dma_start3A_7] : memref<4x80xi32, #tpu.memory_space<vmem>> -> memref<1x80xi32, #tpu.memory_space<vmem>>
    %dma_start3A_9 = tpu.memref_squeeze %dma_start3A_8 : memref<1x80xi32, #tpu.memory_space<vmem>> -> memref<80xi32, #tpu.memory_space<vmem>>
    %dma_start3A_10 = tpu.memref_slice %arg3[%add3A_5] : memref<160000xi32, #tpu.memory_space<hbm>> -> memref<80xi32, #tpu.memory_space<hbm>>
    %dma_start3A_11 = tpu.memref_slice %arg10[%dma_start3A_6] : memref<4x!tpu.dma_semaphore, #tpu.memory_space<semaphore_mem>> -> memref<1x!tpu.dma_semaphore, #tpu.memory_space<semaphore_mem>>
    %dma_start3A_12 = tpu.memref_squeeze %dma_start3A_11 : memref<1x!tpu.dma_semaphore, #tpu.memory_space<semaphore_mem>> -> memref<!tpu.dma_semaphore, #tpu.memory_space<semaphore_mem>>
    %dma_start3A_13 = arith.constant 0 : i32
    %dma_start3A_14 = tpu.memref_slice %arg7[%dma_start3A, %dma_start3A_13] : memref<4x80xi32, #tpu.memory_space<vmem>> -> memref<1x80xi32, #tpu.memory_space<vmem>>
    %dma_start3A_15 = tpu.memref_squeeze %dma_start3A_14 : memref<1x80xi32, #tpu.memory_space<vmem>> -> memref<80xi32, #tpu.memory_space<vmem>>
    %dma_start3A_16 = tpu.memref_slice %arg3[%add3A_5] : memref<160000xi32, #tpu.memory_space<hbm>> -> memref<80xi32, #tpu.memory_space<hbm>>
    tpu.enqueue_dma source(%dma_start3A_16 : memref<80xi32, #tpu.memory_space<hbm>>) target(%dma_start3A_15 : memref<80xi32, #tpu.memory_space<vmem>>) target_semaphore(%dma_start3A_12 : memref<!tpu.dma_semaphore, #tpu.memory_space<semaphore_mem>>)
    %dma_start3A_17 = arith.constant 0 : i32
    %dma_start3A_18 = arith.constant 0 : i32
    %dma_start3A_19 = arith.constant 0 : i32
    %dma_start3A_20 = arith.constant 0 : i32
    %dma_start3A_21 = tpu.memref_slice %arg8[%dma_start3A_17, %dma_start3A_19, %dma_start3A_20] : memref<4x80x128xf32, #tpu.memory_space<vmem>> -> memref<1x80x128xf32, #tpu.memory_space<vmem>>
    %dma_start3A_22 = tpu.memref_squeeze %dma_start3A_21 : memref<1x80x128xf32, #tpu.memory_space<vmem>> -> memref<80x128xf32, #tpu.memory_space<vmem>>
    %dma_start3A_23 = arith.constant 0 : i32
    %dma_start3A_24 = tpu.memref_slice %arg2[%arg0, %add3A_3, %dma_start3A_23] : memref<2x160000x128xf32, #tpu.memory_space<hbm>> -> memref<1x80x128xf32, #tpu.memory_space<hbm>>
    %dma_start3A_25 = tpu.memref_squeeze %dma_start3A_24 : memref<1x80x128xf32, #tpu.memory_space<hbm>> -> memref<80x128xf32, #tpu.memory_space<hbm>>
    %dma_start3A_26 = tpu.memref_slice %arg11[%dma_start3A_18] : memref<4x!tpu.dma_semaphore, #tpu.memory_space<semaphore_mem>> -> memref<1x!tpu.dma_semaphore, #tpu.memory_space<semaphore_mem>>
    %dma_start3A_27 = tpu.memref_squeeze %dma_start3A_26 : memref<1x!tpu.dma_semaphore, #tpu.memory_space<semaphore_mem>> -> memref<!tpu.dma_semaphore, #tpu.memory_space<semaphore_mem>>
    %dma_start3A_28 = arith.constant 0 : i32
    %dma_start3A_29 = arith.constant 0 : i32
    %dma_start3A_30 = tpu.memref_slice %arg8[%dma_start3A_17, %dma_start3A_28, %dma_start3A_29] : memref<4x80x128xf32, #tpu.memory_space<vmem>> -> memref<1x80x128xf32, #tpu.memory_space<vmem>>
    %dma_start3A_31 = tpu.memref_squeeze %dma_start3A_30 : memref<1x80x128xf32, #tpu.memory_space<vmem>> -> memref<80x128xf32, #tpu.memory_space<vmem>>
    %dma_start3A_32 = arith.constant 0 : i32
    %dma_start3A_33 = tpu.memref_slice %arg2[%arg0, %add3A_3, %dma_start3A_32] : memref<2x160000x128xf32, #tpu.memory_space<hbm>> -> memref<1x80x128xf32, #tpu.memory_space<hbm>>
    %dma_start3A_34 = tpu.memref_squeeze %dma_start3A_33 : memref<1x80x128xf32, #tpu.memory_space<hbm>> -> memref<80x128xf32, #tpu.memory_space<hbm>>
    tpu.enqueue_dma source(%dma_start3A_34 : memref<80x128xf32, #tpu.memory_space<hbm>>) target(%dma_start3A_31 : memref<80x128xf32, #tpu.memory_space<vmem>>) target_semaphore(%dma_start3A_27 : memref<!tpu.dma_semaphore, #tpu.memory_space<semaphore_mem>>)
    %add3A_35 = arith.constant 80 : i32
    %add3A_36 = arith.addi %mul3A_2, %add3A_35 : i32
    %add3A_37 = arith.constant 0 : i32
    %add3A_38 = arith.addi %add3A_37, %add3A_36 : i32
    %dma_start3A_39 = arith.constant 1 : i32
    %dma_start3A_40 = arith.constant 1 : i32
    %dma_start3A_41 = arith.constant 0 : i32
    %dma_start3A_42 = tpu.memref_slice %arg7[%dma_start3A_39, %dma_start3A_41] : memref<4x80xi32, #tpu.memory_space<vmem>> -> memref<1x80xi32, #tpu.memory_space<vmem>>
    %dma_start3A_43 = tpu.memref_squeeze %dma_start3A_42 : memref<1x80xi32, #tpu.memory_space<vmem>> -> memref<80xi32, #tpu.memory_space<vmem>>
    %dma_start3A_44 = tpu.memref_slice %arg3[%add3A_38] : memref<160000xi32, #tpu.memory_space<hbm>> -> memref<80xi32, #tpu.memory_space<hbm>>
    %dma_start3A_45 = tpu.memref_slice %arg10[%dma_start3A_40] : memref<4x!tpu.dma_semaphore, #tpu.memory_space<semaphore_mem>> -> memref<1x!tpu.dma_semaphore, #tpu.memory_space<semaphore_mem>>
    %dma_start3A_46 = tpu.memref_squeeze %dma_start3A_45 : memref<1x!tpu.dma_semaphore, #tpu.memory_space<semaphore_mem>> -> memref<!tpu.dma_semaphore, #tpu.memory_space<semaphore_mem>>
    %dma_start3A_47 = arith.constant 0 : i32
    %dma_start3A_48 = tpu.memref_slice %arg7[%dma_start3A_39, %dma_start3A_47] : memref<4x80xi32, #tpu.memory_space<vmem>> -> memref<1x80xi32, #tpu.memory_space<vmem>>
    %dma_start3A_49 = tpu.memref_squeeze %dma_start3A_48 : memref<1x80xi32, #tpu.memory_space<vmem>> -> memref<80xi32, #tpu.memory_space<vmem>>
    %dma_start3A_50 = tpu.memref_slice %arg3[%add3A_38] : memref<160000xi32, #tpu.memory_space<hbm>> -> memref<80xi32, #tpu.memory_space<hbm>>
    tpu.enqueue_dma source(%dma_start3A_50 : memref<80xi32, #tpu.memory_space<hbm>>) target(%dma_start3A_49 : memref<80xi32, #tpu.memory_space<vmem>>) target_semaphore(%dma_start3A_46 : memref<!tpu.dma_semaphore, #tpu.memory_space<semaphore_mem>>)
    %dma_start3A_51 = arith.constant 1 : i32
    %dma_start3A_52 = arith.constant 1 : i32
    %dma_start3A_53 = arith.constant 0 : i32
    %dma_start3A_54 = arith.constant 0 : i32
    %dma_start3A_55 = tpu.memref_slice %arg8[%dma_start3A_51, %dma_start3A_53, %dma_start3A_54] : memref<4x80x128xf32, #tpu.memory_space<vmem>> -> memref<1x80x128xf32, #tpu.memory_space<vmem>>
    %dma_start3A_56 = tpu.memref_squeeze %dma_start3A_55 : memref<1x80x128xf32, #tpu.memory_space<vmem>> -> memref<80x128xf32, #tpu.memory_space<vmem>>
    %dma_start3A_57 = arith.constant 0 : i32
    %dma_start3A_58 = tpu.memref_slice %arg2[%arg0, %add3A_36, %dma_start3A_57] : memref<2x160000x128xf32, #tpu.memory_space<hbm>> -> memref<1x80x128xf32, #tpu.memory_space<hbm>>
    %dma_start3A_59 = tpu.memref_squeeze %dma_start3A_58 : memref<1x80x128xf32, #tpu.memory_space<hbm>> -> memref<80x128xf32, #tpu.memory_space<hbm>>
    %dma_start3A_60 = tpu.memref_slice %arg11[%dma_start3A_52] : memref<4x!tpu.dma_semaphore, #tpu.memory_space<semaphore_mem>> -> memref<1x!tpu.dma_semaphore, #tpu.memory_space<semaphore_mem>>
    %dma_start3A_61 = tpu.memref_squeeze %dma_start3A_60 : memref<1x!tpu.dma_semaphore, #tpu.memory_space<semaphore_mem>> -> memref<!tpu.dma_semaphore, #tpu.memory_space<semaphore_mem>>
    %dma_start3A_62 = arith.constant 0 : i32
    %dma_start3A_63 = arith.constant 0 : i32
    %dma_start3A_64 = tpu.memref_slice %arg8[%dma_start3A_51, %dma_start3A_62, %dma_start3A_63] : memref<4x80x128xf32, #tpu.memory_space<vmem>> -> memref<1x80x128xf32, #tpu.memory_space<vmem>>
    %dma_start3A_65 = tpu.memref_squeeze %dma_start3A_64 : memref<1x80x128xf32, #tpu.memory_space<vmem>> -> memref<80x128xf32, #tpu.memory_space<vmem>>
    %dma_start3A_66 = arith.constant 0 : i32
    %dma_start3A_67 = tpu.memref_slice %arg2[%arg0, %add3A_36, %dma_start3A_66] : memref<2x160000x128xf32, #tpu.memory_space<hbm>> -> memref<1x80x128xf32, #tpu.memory_space<hbm>>
    %dma_start3A_68 = tpu.memref_squeeze %dma_start3A_67 : memref<1x80x128xf32, #tpu.memory_space<hbm>> -> memref<80x128xf32, #tpu.memory_space<hbm>>
    tpu.enqueue_dma source(%dma_start3A_68 : memref<80x128xf32, #tpu.memory_space<hbm>>) target(%dma_start3A_65 : memref<80x128xf32, #tpu.memory_space<vmem>>) target_semaphore(%dma_start3A_61 : memref<!tpu.dma_semaphore, #tpu.memory_space<semaphore_mem>>)
    %add3A_69 = arith.constant 160 : i32
    %add3A_70 = arith.addi %mul3A_2, %add3A_69 : i32
    %add3A_71 = arith.constant 0 : i32
    %add3A_72 = arith.addi %add3A_71, %add3A_70 : i32
    %dma_start3A_73 = arith.constant 2 : i32
    %dma_start3A_74 = arith.constant 2 : i32
    %dma_start3A_75 = arith.constant 0 : i32
    %dma_start3A_76 = tpu.memref_slice %arg7[%dma_start3A_73, %dma_start3A_75] : memref<4x80xi32, #tpu.memory_space<vmem>> -> memref<1x80xi32, #tpu.memory_space<vmem>>
    %dma_start3A_77 = tpu.memref_squeeze %dma_start3A_76 : memref<1x80xi32, #tpu.memory_space<vmem>> -> memref<80xi32, #tpu.memory_space<vmem>>
    %dma_start3A_78 = tpu.memref_slice %arg3[%add3A_72] : memref<160000xi32, #tpu.memory_space<hbm>> -> memref<80xi32, #tpu.memory_space<hbm>>
    %dma_start3A_79 = tpu.memref_slice %arg10[%dma_start3A_74] : memref<4x!tpu.dma_semaphore, #tpu.memory_space<semaphore_mem>> -> memref<1x!tpu.dma_semaphore, #tpu.memory_space<semaphore_mem>>
    %dma_start3A_80 = tpu.memref_squeeze %dma_start3A_79 : memref<1x!tpu.dma_semaphore, #tpu.memory_space<semaphore_mem>> -> memref<!tpu.dma_semaphore, #tpu.memory_space<semaphore_mem>>
    %dma_start3A_81 = arith.constant 0 : i32
    %dma_start3A_82 = tpu.memref_slice %arg7[%dma_start3A_73, %dma_start3A_81] : memref<4x80xi32, #tpu.memory_space<vmem>> -> memref<1x80xi32, #tpu.memory_space<vmem>>
    %dma_start3A_83 = tpu.memref_squeeze %dma_start3A_82 : memref<1x80xi32, #tpu.memory_space<vmem>> -> memref<80xi32, #tpu.memory_space<vmem>>
    %dma_start3A_84 = tpu.memref_slice %arg3[%add3A_72] : memref<160000xi32, #tpu.memory_space<hbm>> -> memref<80xi32, #tpu.memory_space<hbm>>
    tpu.enqueue_dma source(%dma_start3A_84 : memref<80xi32, #tpu.memory_space<hbm>>) target(%dma_start3A_83 : memref<80xi32, #tpu.memory_space<vmem>>) target_semaphore(%dma_start3A_80 : memref<!tpu.dma_semaphore, #tpu.memory_space<semaphore_mem>>)
    %dma_start3A_85 = arith.constant 2 : i32
    %dma_start3A_86 = arith.constant 2 : i32
    %dma_start3A_87 = arith.constant 0 : i32
    %dma_start3A_88 = arith.constant 0 : i32
    %dma_start3A_89 = tpu.memref_slice %arg8[%dma_start3A_85, %dma_start3A_87, %dma_start3A_88] : memref<4x80x128xf32, #tpu.memory_space<vmem>> -> memref<1x80x128xf32, #tpu.memory_space<vmem>>
    %dma_start3A_90 = tpu.memref_squeeze %dma_start3A_89 : memref<1x80x128xf32, #tpu.memory_space<vmem>> -> memref<80x128xf32, #tpu.memory_space<vmem>>
    %dma_start3A_91 = arith.constant 0 : i32
    %dma_start3A_92 = tpu.memref_slice %arg2[%arg0, %add3A_70, %dma_start3A_91] : memref<2x160000x128xf32, #tpu.memory_space<hbm>> -> memref<1x80x128xf32, #tpu.memory_space<hbm>>
    %dma_start3A_93 = tpu.memref_squeeze %dma_start3A_92 : memref<1x80x128xf32, #tpu.memory_space<hbm>> -> memref<80x128xf32, #tpu.memory_space<hbm>>
    %dma_start3A_94 = tpu.memref_slice %arg11[%dma_start3A_86] : memref<4x!tpu.dma_semaphore, #tpu.memory_space<semaphore_mem>> -> memref<1x!tpu.dma_semaphore, #tpu.memory_space<semaphore_mem>>
    %dma_start3A_95 = tpu.memref_squeeze %dma_start3A_94 : memref<1x!tpu.dma_semaphore, #tpu.memory_space<semaphore_mem>> -> memref<!tpu.dma_semaphore, #tpu.memory_space<semaphore_mem>>
    %dma_start3A_96 = arith.constant 0 : i32
    %dma_start3A_97 = arith.constant 0 : i32
    %dma_start3A_98 = tpu.memref_slice %arg8[%dma_start3A_85, %dma_start3A_96, %dma_start3A_97] : memref<4x80x128xf32, #tpu.memory_space<vmem>> -> memref<1x80x128xf32, #tpu.memory_space<vmem>>
    %dma_start3A_99 = tpu.memref_squeeze %dma_start3A_98 : memref<1x80x128xf32, #tpu.memory_space<vmem>> -> memref<80x128xf32, #tpu.memory_space<vmem>>
    %dma_start3A_100 = arith.constant 0 : i32
    %dma_start3A_101 = tpu.memref_slice %arg2[%arg0, %add3A_70, %dma_start3A_100] : memref<2x160000x128xf32, #tpu.memory_space<hbm>> -> memref<1x80x128xf32, #tpu.memory_space<hbm>>
    %dma_start3A_102 = tpu.memref_squeeze %dma_start3A_101 : memref<1x80x128xf32, #tpu.memory_space<hbm>> -> memref<80x128xf32, #tpu.memory_space<hbm>>
    tpu.enqueue_dma source(%dma_start3A_102 : memref<80x128xf32, #tpu.memory_space<hbm>>) target(%dma_start3A_99 : memref<80x128xf32, #tpu.memory_space<vmem>>) target_semaphore(%dma_start3A_95 : memref<!tpu.dma_semaphore, #tpu.memory_space<semaphore_mem>>)
    %add3A_103 = arith.constant 240 : i32
    %add3A_104 = arith.addi %mul3A_2, %add3A_103 : i32
    %add3A_105 = arith.constant 0 : i32
    %add3A_106 = arith.addi %add3A_105, %add3A_104 : i32
    %dma_start3A_107 = arith.constant 3 : i32
    %dma_start3A_108 = arith.constant 3 : i32
    %dma_start3A_109 = arith.constant 0 : i32
    %dma_start3A_110 = tpu.memref_slice %arg7[%dma_start3A_107, %dma_start3A_109] : memref<4x80xi32, #tpu.memory_space<vmem>> -> memref<1x80xi32, #tpu.memory_space<vmem>>
    %dma_start3A_111 = tpu.memref_squeeze %dma_start3A_110 : memref<1x80xi32, #tpu.memory_space<vmem>> -> memref<80xi32, #tpu.memory_space<vmem>>
    %dma_start3A_112 = tpu.memref_slice %arg3[%add3A_106] : memref<160000xi32, #tpu.memory_space<hbm>> -> memref<80xi32, #tpu.memory_space<hbm>>
    %dma_start3A_113 = tpu.memref_slice %arg10[%dma_start3A_108] : memref<4x!tpu.dma_semaphore, #tpu.memory_space<semaphore_mem>> -> memref<1x!tpu.dma_semaphore, #tpu.memory_space<semaphore_mem>>
    %dma_start3A_114 = tpu.memref_squeeze %dma_start3A_113 : memref<1x!tpu.dma_semaphore, #tpu.memory_space<semaphore_mem>> -> memref<!tpu.dma_semaphore, #tpu.memory_space<semaphore_mem>>
    %dma_start3A_115 = arith.constant 0 : i32
    %dma_start3A_116 = tpu.memref_slice %arg7[%dma_start3A_107, %dma_start3A_115] : memref<4x80xi32, #tpu.memory_space<vmem>> -> memref<1x80xi32, #tpu.memory_space<vmem>>
    %dma_start3A_117 = tpu.memref_squeeze %dma_start3A_116 : memref<1x80xi32, #tpu.memory_space<vmem>> -> memref<80xi32, #tpu.memory_space<vmem>>
    %dma_start3A_118 = tpu.memref_slice %arg3[%add3A_106] : memref<160000xi32, #tpu.memory_space<hbm>> -> memref<80xi32, #tpu.memory_space<hbm>>
    tpu.enqueue_dma source(%dma_start3A_118 : memref<80xi32, #tpu.memory_space<hbm>>) target(%dma_start3A_117 : memref<80xi32, #tpu.memory_space<vmem>>) target_semaphore(%dma_start3A_114 : memref<!tpu.dma_semaphore, #tpu.memory_space<semaphore_mem>>)
    %dma_start3A_119 = arith.constant 3 : i32
    %dma_start3A_120 = arith.constant 3 : i32
    %dma_start3A_121 = arith.constant 0 : i32
    %dma_start3A_122 = arith.constant 0 : i32
    %dma_start3A_123 = tpu.memref_slice %arg8[%dma_start3A_119, %dma_start3A_121, %dma_start3A_122] : memref<4x80x128xf32, #tpu.memory_space<vmem>> -> memref<1x80x128xf32, #tpu.memory_space<vmem>>
    %dma_start3A_124 = tpu.memref_squeeze %dma_start3A_123 : memref<1x80x128xf32, #tpu.memory_space<vmem>> -> memref<80x128xf32, #tpu.memory_space<vmem>>
    %dma_start3A_125 = arith.constant 0 : i32
    %dma_start3A_126 = tpu.memref_slice %arg2[%arg0, %add3A_104, %dma_start3A_125] : memref<2x160000x128xf32, #tpu.memory_space<hbm>> -> memref<1x80x128xf32, #tpu.memory_space<hbm>>
    %dma_start3A_127 = tpu.memref_squeeze %dma_start3A_126 : memref<1x80x128xf32, #tpu.memory_space<hbm>> -> memref<80x128xf32, #tpu.memory_space<hbm>>
    %dma_start3A_128 = tpu.memref_slice %arg11[%dma_start3A_120] : memref<4x!tpu.dma_semaphore, #tpu.memory_space<semaphore_mem>> -> memref<1x!tpu.dma_semaphore, #tpu.memory_space<semaphore_mem>>
    %dma_start3A_129 = tpu.memref_squeeze %dma_start3A_128 : memref<1x!tpu.dma_semaphore, #tpu.memory_space<semaphore_mem>> -> memref<!tpu.dma_semaphore, #tpu.memory_space<semaphore_mem>>
    %dma_start3A_130 = arith.constant 0 : i32
    %dma_start3A_131 = arith.constant 0 : i32
    %dma_start3A_132 = tpu.memref_slice %arg8[%dma_start3A_119, %dma_start3A_130, %dma_start3A_131] : memref<4x80x128xf32, #tpu.memory_space<vmem>> -> memref<1x80x128xf32, #tpu.memory_space<vmem>>
    %dma_start3A_133 = tpu.memref_squeeze %dma_start3A_132 : memref<1x80x128xf32, #tpu.memory_space<vmem>> -> memref<80x128xf32, #tpu.memory_space<vmem>>
    %dma_start3A_134 = arith.constant 0 : i32
    %dma_start3A_135 = tpu.memref_slice %arg2[%arg0, %add3A_104, %dma_start3A_134] : memref<2x160000x128xf32, #tpu.memory_space<hbm>> -> memref<1x80x128xf32, #tpu.memory_space<hbm>>
    %dma_start3A_136 = tpu.memref_squeeze %dma_start3A_135 : memref<1x80x128xf32, #tpu.memory_space<hbm>> -> memref<80x128xf32, #tpu.memory_space<hbm>>
    tpu.enqueue_dma source(%dma_start3A_136 : memref<80x128xf32, #tpu.memory_space<hbm>>) target(%dma_start3A_133 : memref<80x128xf32, #tpu.memory_space<vmem>>) target_semaphore(%dma_start3A_129 : memref<!tpu.dma_semaphore, #tpu.memory_space<semaphore_mem>>)
    %scan3A = arith.constant 0 : i32
    %scan3A_137 = arith.constant 0 : i32
    %scan3A_138 = arith.constant 31 : i32
    %scan3A_139 = arith.addi %scan3A_137, %scan3A_138 : i32
    %scan3A_140 = arith.constant 1 : i32
    scf.for %scan3A_187 = %scan3A_137 to %scan3A_139 step %scan3A_140  : i32 {
      %mul3A_188 = arith.constant 4 : i32
      %mul3A_189 = arith.muli %scan3A_187, %mul3A_188 : i32
      %add3A_190 = arith.constant 0 : i32
      %add3A_191 = arith.addi %mul3A_189, %add3A_190 : i32
      %mul3A_192 = arith.constant 80 : i32
      %mul3A_193 = arith.muli %add3A_191, %mul3A_192 : i32
      %add3A_194 = arith.addi %mul3A_2, %mul3A_193 : i32
      %dma_wait3A_195 = arith.constant 0 : i32
      %dma_wait3A_196 = arith.constant 0 : i32
      %dma_wait3A_197 = arith.constant 0 : i32
      %dma_wait3A_198 = tpu.memref_slice %arg7[%dma_wait3A_195, %dma_wait3A_197] : memref<4x80xi32, #tpu.memory_space<vmem>> -> memref<1x80xi32, #tpu.memory_space<vmem>>
      %dma_wait3A_199 = tpu.memref_squeeze %dma_wait3A_198 : memref<1x80xi32, #tpu.memory_space<vmem>> -> memref<80xi32, #tpu.memory_space<vmem>>
      %dma_wait3A_200 = arith.constant 0 : i32
      %dma_wait3A_201 = tpu.memref_slice %arg3[%dma_wait3A_200] : memref<160000xi32, #tpu.memory_space<hbm>> -> memref<80xi32, #tpu.memory_space<hbm>>
      %dma_wait3A_202 = tpu.memref_slice %arg10[%dma_wait3A_196] : memref<4x!tpu.dma_semaphore, #tpu.memory_space<semaphore_mem>> -> memref<1x!tpu.dma_semaphore, #tpu.memory_space<semaphore_mem>>
      %dma_wait3A_203 = tpu.memref_squeeze %dma_wait3A_202 : memref<1x!tpu.dma_semaphore, #tpu.memory_space<semaphore_mem>> -> memref<!tpu.dma_semaphore, #tpu.memory_space<semaphore_mem>>
      %dma_wait3A_204 = arith.constant 0 : i32
      %dma_wait3A_205 = tpu.memref_slice %arg7[%dma_wait3A_195, %dma_wait3A_204] : memref<4x80xi32, #tpu.memory_space<vmem>> -> memref<1x80xi32, #tpu.memory_space<vmem>>
      %dma_wait3A_206 = tpu.memref_squeeze %dma_wait3A_205 : memref<1x80xi32, #tpu.memory_space<vmem>> -> memref<80xi32, #tpu.memory_space<vmem>>
      %dma_wait3A_207 = arith.constant 0 : i32
      %dma_wait3A_208 = tpu.memref_slice %arg3[%dma_wait3A_207] : memref<160000xi32, #tpu.memory_space<hbm>> -> memref<80xi32, #tpu.memory_space<hbm>>
      tpu.wait_dma2 semaphore(%dma_wait3A_203 : memref<!tpu.dma_semaphore, #tpu.memory_space<semaphore_mem>>) src(%dma_wait3A_208 : memref<80xi32, #tpu.memory_space<hbm>>) dst(%dma_wait3A_206 : memref<80xi32, #tpu.memory_space<vmem>>)
      %dma_wait3A_209 = arith.constant 0 : i32
      %dma_wait3A_210 = arith.constant 0 : i32
      %dma_wait3A_211 = arith.constant 0 : i32
      %dma_wait3A_212 = arith.constant 0 : i32
      %dma_wait3A_213 = arith.constant 0 : i32
      %dma_wait3A_214 = tpu.memref_slice %arg8[%dma_wait3A_210, %dma_wait3A_212, %dma_wait3A_213] : memref<4x80x128xf32, #tpu.memory_space<vmem>> -> memref<1x80x128xf32, #tpu.memory_space<vmem>>
      %dma_wait3A_215 = tpu.memref_squeeze %dma_wait3A_214 : memref<1x80x128xf32, #tpu.memory_space<vmem>> -> memref<80x128xf32, #tpu.memory_space<vmem>>
      %dma_wait3A_216 = arith.constant 0 : i32
      %dma_wait3A_217 = arith.constant 0 : i32
      %dma_wait3A_218 = tpu.memref_slice %arg2[%dma_wait3A_209, %dma_wait3A_216, %dma_wait3A_217] : memref<2x160000x128xf32, #tpu.memory_space<hbm>> -> memref<1x80x128xf32, #tpu.memory_space<hbm>>
      %dma_wait3A_219 = tpu.memref_squeeze %dma_wait3A_218 : memref<1x80x128xf32, #tpu.memory_space<hbm>> -> memref<80x128xf32, #tpu.memory_space<hbm>>
      %dma_wait3A_220 = tpu.memref_slice %arg11[%dma_wait3A_211] : memref<4x!tpu.dma_semaphore, #tpu.memory_space<semaphore_mem>> -> memref<1x!tpu.dma_semaphore, #tpu.memory_space<semaphore_mem>>
      %dma_wait3A_221 = tpu.memref_squeeze %dma_wait3A_220 : memref<1x!tpu.dma_semaphore, #tpu.memory_space<semaphore_mem>> -> memref<!tpu.dma_semaphore, #tpu.memory_space<semaphore_mem>>
      %dma_wait3A_222 = arith.constant 0 : i32
      %dma_wait3A_223 = arith.constant 0 : i32
      %dma_wait3A_224 = tpu.memref_slice %arg8[%dma_wait3A_210, %dma_wait3A_222, %dma_wait3A_223] : memref<4x80x128xf32, #tpu.memory_space<vmem>> -> memref<1x80x128xf32, #tpu.memory_space<vmem>>
      %dma_wait3A_225 = tpu.memref_squeeze %dma_wait3A_224 : memref<1x80x128xf32, #tpu.memory_space<vmem>> -> memref<80x128xf32, #tpu.memory_space<vmem>>
      %dma_wait3A_226 = arith.constant 0 : i32
      %dma_wait3A_227 = arith.constant 0 : i32
      %dma_wait3A_228 = tpu.memref_slice %arg2[%dma_wait3A_209, %dma_wait3A_226, %dma_wait3A_227] : memref<2x160000x128xf32, #tpu.memory_space<hbm>> -> memref<1x80x128xf32, #tpu.memory_space<hbm>>
      %dma_wait3A_229 = tpu.memref_squeeze %dma_wait3A_228 : memref<1x80x128xf32, #tpu.memory_space<hbm>> -> memref<80x128xf32, #tpu.memory_space<hbm>>
      tpu.wait_dma2 semaphore(%dma_wait3A_221 : memref<!tpu.dma_semaphore, #tpu.memory_space<semaphore_mem>>) src(%dma_wait3A_229 : memref<80x128xf32, #tpu.memory_space<hbm>>) dst(%dma_wait3A_225 : memref<80x128xf32, #tpu.memory_space<vmem>>)
      %run_scoped3A_230 = arith.constant 0 : i32
      %run_scoped3A_231 = arith.constant 0 : i32
      "tpu.region"() ({
        %run_scoped3A_391 = tpu.sem_alloc : memref<!tpu.dma_semaphore, #tpu.memory_space<semaphore_mem>>
        %dma_start3A_392 = arith.constant 0 : i32
        %dma_start3A_393 = arith.constant 0 : i32
        %dma_start3A_394 = tpu.memref_slice %arg8[%run_scoped3A_230, %dma_start3A_392, %dma_start3A_393] : memref<4x80x128xf32, #tpu.memory_space<vmem>> -> memref<1x80x128xf32, #tpu.memory_space<vmem>>
        %dma_start3A_395 = tpu.memref_squeeze %dma_start3A_394 : memref<1x80x128xf32, #tpu.memory_space<vmem>> -> memref<80x128xf32, #tpu.memory_space<vmem>>
        %dma_start3A_396 = arith.constant 0 : i32
        %dma_start3A_397 = tpu.memref_slice %arg7[%run_scoped3A_231, %dma_start3A_396] : memref<4x80xi32, #tpu.memory_space<vmem>> -> memref<1x80xi32, #tpu.memory_space<vmem>>
        %dma_start3A_398 = tpu.memref_squeeze %dma_start3A_397 : memref<1x80xi32, #tpu.memory_space<vmem>> -> memref<80xi32, #tpu.memory_space<vmem>>
        %dma_start3A_399 = arith.constant 0 : i32
        %dma_start3A_400 = arith.constant 0 : i32
        %dma_start3A_401 = tpu.memref_slice %arg9[%dma_start3A_399, %dma_start3A_400] : memref<10240x128xf32, #tpu.memory_space<vmem_shared>> -> memref<10240x128xf32, #tpu.memory_space<vmem_shared>>
        tpu.enqueue_indirect_dma source(%dma_start3A_395 : memref<80x128xf32, #tpu.memory_space<vmem>>) target(%dma_start3A_401 : memref<10240x128xf32, #tpu.memory_space<vmem_shared>>) offsets(%dma_start3A_398 : memref<80xi32, #tpu.memory_space<vmem>>) semaphore(%run_scoped3A_391 : memref<!tpu.dma_semaphore, #tpu.memory_space<semaphore_mem>>) {add = true}
        %dma_wait3A_402 = arith.constant 0 : i32
        %dma_wait3A_403 = arith.constant 0 : i32
        %dma_wait3A_404 = tpu.memref_slice %arg8[%run_scoped3A_230, %dma_wait3A_402, %dma_wait3A_403] : memref<4x80x128xf32, #tpu.memory_space<vmem>> -> memref<1x80x128xf32, #tpu.memory_space<vmem>>
        %dma_wait3A_405 = tpu.memref_squeeze %dma_wait3A_404 : memref<1x80x128xf32, #tpu.memory_space<vmem>> -> memref<80x128xf32, #tpu.memory_space<vmem>>
        %dma_wait3A_406 = arith.constant 0 : i32
        %dma_wait3A_407 = tpu.memref_slice %arg7[%run_scoped3A_231, %dma_wait3A_406] : memref<4x80xi32, #tpu.memory_space<vmem>> -> memref<1x80xi32, #tpu.memory_space<vmem>>
        %dma_wait3A_408 = tpu.memref_squeeze %dma_wait3A_407 : memref<1x80xi32, #tpu.memory_space<vmem>> -> memref<80xi32, #tpu.memory_space<vmem>>
        %dma_wait3A_409 = arith.constant 0 : i32
        %dma_wait3A_410 = arith.constant 0 : i32
        %dma_wait3A_411 = tpu.memref_slice %arg9[%dma_wait3A_409, %dma_wait3A_410] : memref<10240x128xf32, #tpu.memory_space<vmem_shared>> -> memref<10240x128xf32, #tpu.memory_space<vmem_shared>>
        tpu.wait_indirect_dma semaphore(%run_scoped3A_391 : memref<!tpu.dma_semaphore, #tpu.memory_space<semaphore_mem>>) src(%dma_wait3A_405 : memref<80x128xf32, #tpu.memory_space<vmem>>) dst(%dma_wait3A_411 : memref<10240x128xf32, #tpu.memory_space<vmem_shared>>)
        tpu.yield
      }) : () -> ()
      %add3A_232 = arith.constant 4 : i32
      %add3A_233 = arith.addi %add3A_191, %add3A_232 : i32
      %lt3A = arith.constant 125 : i32
      %lt3A_234 = arith.cmpi slt, %add3A_233, %lt3A : i32
      %convert_element_type3A_235 = arith.extui %lt3A_234 : i1 to i32
      %cond3A_236 = arith.constant 0 : i32
      %cond3A_237 = arith.cmpi ne, %convert_element_type3A_235, %cond3A_236 : i32
      scf.if %cond3A_237 {
        %add3A_391 = arith.constant 320 : i32
        %add3A_392 = arith.addi %add3A_194, %add3A_391 : i32
        %add3A_393 = arith.constant 0 : i32
        %add3A_394 = arith.addi %add3A_393, %add3A_392 : i32
        %dma_start3A_395 = arith.constant 0 : i32
        %dma_start3A_396 = arith.constant 0 : i32
        %dma_start3A_397 = arith.constant 0 : i32
        %dma_start3A_398 = tpu.memref_slice %arg7[%dma_start3A_395, %dma_start3A_397] : memref<4x80xi32, #tpu.memory_space<vmem>> -> memref<1x80xi32, #tpu.memory_space<vmem>>
        %dma_start3A_399 = tpu.memref_squeeze %dma_start3A_398 : memref<1x80xi32, #tpu.memory_space<vmem>> -> memref<80xi32, #tpu.memory_space<vmem>>
        %dma_start3A_400 = tpu.memref_slice %arg3[%add3A_394] : memref<160000xi32, #tpu.memory_space<hbm>> -> memref<80xi32, #tpu.memory_space<hbm>>
        %dma_start3A_401 = tpu.memref_slice %arg10[%dma_start3A_396] : memref<4x!tpu.dma_semaphore, #tpu.memory_space<semaphore_mem>> -> memref<1x!tpu.dma_semaphore, #tpu.memory_space<semaphore_mem>>
        %dma_start3A_402 = tpu.memref_squeeze %dma_start3A_401 : memref<1x!tpu.dma_semaphore, #tpu.memory_space<semaphore_mem>> -> memref<!tpu.dma_semaphore, #tpu.memory_space<semaphore_mem>>
        %dma_start3A_403 = arith.constant 0 : i32
        %dma_start3A_404 = tpu.memref_slice %arg7[%dma_start3A_395, %dma_start3A_403] : memref<4x80xi32, #tpu.memory_space<vmem>> -> memref<1x80xi32, #tpu.memory_space<vmem>>
        %dma_start3A_405 = tpu.memref_squeeze %dma_start3A_404 : memref<1x80xi32, #tpu.memory_space<vmem>> -> memref<80xi32, #tpu.memory_space<vmem>>
        %dma_start3A_406 = tpu.memref_slice %arg3[%add3A_394] : memref<160000xi32, #tpu.memory_space<hbm>> -> memref<80xi32, #tpu.memory_space<hbm>>
        tpu.enqueue_dma source(%dma_start3A_406 : memref<80xi32, #tpu.memory_space<hbm>>) target(%dma_start3A_405 : memref<80xi32, #tpu.memory_space<vmem>>) target_semaphore(%dma_start3A_402 : memref<!tpu.dma_semaphore, #tpu.memory_space<semaphore_mem>>)
        %dma_start3A_407 = arith.constant 0 : i32
        %dma_start3A_408 = arith.constant 0 : i32
        %dma_start3A_409 = arith.constant 0 : i32
        %dma_start3A_410 = arith.constant 0 : i32
        %dma_start3A_411 = tpu.memref_slice %arg8[%dma_start3A_407, %dma_start3A_409, %dma_start3A_410] : memref<4x80x128xf32, #tpu.memory_space<vmem>> -> memref<1x80x128xf32, #tpu.memory_space<vmem>>
        %dma_start3A_412 = tpu.memref_squeeze %dma_start3A_411 : memref<1x80x128xf32, #tpu.memory_space<vmem>> -> memref<80x128xf32, #tpu.memory_space<vmem>>
        %dma_start3A_413 = arith.constant 0 : i32
        %dma_start3A_414 = tpu.memref_slice %arg2[%arg0, %add3A_392, %dma_start3A_413] : memref<2x160000x128xf32, #tpu.memory_space<hbm>> -> memref<1x80x128xf32, #tpu.memory_space<hbm>>
        %dma_start3A_415 = tpu.memref_squeeze %dma_start3A_414 : memref<1x80x128xf32, #tpu.memory_space<hbm>> -> memref<80x128xf32, #tpu.memory_space<hbm>>
        %dma_start3A_416 = tpu.memref_slice %arg11[%dma_start3A_408] : memref<4x!tpu.dma_semaphore, #tpu.memory_space<semaphore_mem>> -> memref<1x!tpu.dma_semaphore, #tpu.memory_space<semaphore_mem>>
        %dma_start3A_417 = tpu.memref_squeeze %dma_start3A_416 : memref<1x!tpu.dma_semaphore, #tpu.memory_space<semaphore_mem>> -> memref<!tpu.dma_semaphore, #tpu.memory_space<semaphore_mem>>
        %dma_start3A_418 = arith.constant 0 : i32
        %dma_start3A_419 = arith.constant 0 : i32
        %dma_start3A_420 = tpu.memref_slice %arg8[%dma_start3A_407, %dma_start3A_418, %dma_start3A_419] : memref<4x80x128xf32, #tpu.memory_space<vmem>> -> memref<1x80x128xf32, #tpu.memory_space<vmem>>
        %dma_start3A_421 = tpu.memref_squeeze %dma_start3A_420 : memref<1x80x128xf32, #tpu.memory_space<vmem>> -> memref<80x128xf32, #tpu.memory_space<vmem>>
        %dma_start3A_422 = arith.constant 0 : i32
        %dma_start3A_423 = tpu.memref_slice %arg2[%arg0, %add3A_392, %dma_start3A_422] : memref<2x160000x128xf32, #tpu.memory_space<hbm>> -> memref<1x80x128xf32, #tpu.memory_space<hbm>>
        %dma_start3A_424 = tpu.memref_squeeze %dma_start3A_423 : memref<1x80x128xf32, #tpu.memory_space<hbm>> -> memref<80x128xf32, #tpu.memory_space<hbm>>
        tpu.enqueue_dma source(%dma_start3A_424 : memref<80x128xf32, #tpu.memory_space<hbm>>) target(%dma_start3A_421 : memref<80x128xf32, #tpu.memory_space<vmem>>) target_semaphore(%dma_start3A_417 : memref<!tpu.dma_semaphore, #tpu.memory_space<semaphore_mem>>)
      } else {
      }
      %mul3A_238 = arith.constant 4 : i32
      %mul3A_239 = arith.muli %scan3A_187, %mul3A_238 : i32
      %add3A_240 = arith.constant 1 : i32
      %add3A_241 = arith.addi %mul3A_239, %add3A_240 : i32
      %mul3A_242 = arith.constant 80 : i32
      %mul3A_243 = arith.muli %add3A_241, %mul3A_242 : i32
      %add3A_244 = arith.addi %mul3A_2, %mul3A_243 : i32
      %dma_wait3A_245 = arith.constant 1 : i32
      %dma_wait3A_246 = arith.constant 1 : i32
      %dma_wait3A_247 = arith.constant 0 : i32
      %dma_wait3A_248 = tpu.memref_slice %arg7[%dma_wait3A_245, %dma_wait3A_247] : memref<4x80xi32, #tpu.memory_space<vmem>> -> memref<1x80xi32, #tpu.memory_space<vmem>>
      %dma_wait3A_249 = tpu.memref_squeeze %dma_wait3A_248 : memref<1x80xi32, #tpu.memory_space<vmem>> -> memref<80xi32, #tpu.memory_space<vmem>>
      %dma_wait3A_250 = arith.constant 0 : i32
      %dma_wait3A_251 = tpu.memref_slice %arg3[%dma_wait3A_250] : memref<160000xi32, #tpu.memory_space<hbm>> -> memref<80xi32, #tpu.memory_space<hbm>>
      %dma_wait3A_252 = tpu.memref_slice %arg10[%dma_wait3A_246] : memref<4x!tpu.dma_semaphore, #tpu.memory_space<semaphore_mem>> -> memref<1x!tpu.dma_semaphore, #tpu.memory_space<semaphore_mem>>
      %dma_wait3A_253 = tpu.memref_squeeze %dma_wait3A_252 : memref<1x!tpu.dma_semaphore, #tpu.memory_space<semaphore_mem>> -> memref<!tpu.dma_semaphore, #tpu.memory_space<semaphore_mem>>
      %dma_wait3A_254 = arith.constant 0 : i32
      %dma_wait3A_255 = tpu.memref_slice %arg7[%dma_wait3A_245, %dma_wait3A_254] : memref<4x80xi32, #tpu.memory_space<vmem>> -> memref<1x80xi32, #tpu.memory_space<vmem>>
      %dma_wait3A_256 = tpu.memref_squeeze %dma_wait3A_255 : memref<1x80xi32, #tpu.memory_space<vmem>> -> memref<80xi32, #tpu.memory_space<vmem>>
      %dma_wait3A_257 = arith.constant 0 : i32
      %dma_wait3A_258 = tpu.memref_slice %arg3[%dma_wait3A_257] : memref<160000xi32, #tpu.memory_space<hbm>> -> memref<80xi32, #tpu.memory_space<hbm>>
      tpu.wait_dma2 semaphore(%dma_wait3A_253 : memref<!tpu.dma_semaphore, #tpu.memory_space<semaphore_mem>>) src(%dma_wait3A_258 : memref<80xi32, #tpu.memory_space<hbm>>) dst(%dma_wait3A_256 : memref<80xi32, #tpu.memory_space<vmem>>)
      %dma_wait3A_259 = arith.constant 0 : i32
      %dma_wait3A_260 = arith.constant 1 : i32
      %dma_wait3A_261 = arith.constant 1 : i32
      %dma_wait3A_262 = arith.constant 0 : i32
      %dma_wait3A_263 = arith.constant 0 : i32
      %dma_wait3A_264 = tpu.memref_slice %arg8[%dma_wait3A_260, %dma_wait3A_262, %dma_wait3A_263] : memref<4x80x128xf32, #tpu.memory_space<vmem>> -> memref<1x80x128xf32, #tpu.memory_space<vmem>>
      %dma_wait3A_265 = tpu.memref_squeeze %dma_wait3A_264 : memref<1x80x128xf32, #tpu.memory_space<vmem>> -> memref<80x128xf32, #tpu.memory_space<vmem>>
      %dma_wait3A_266 = arith.constant 0 : i32
      %dma_wait3A_267 = arith.constant 0 : i32
      %dma_wait3A_268 = tpu.memref_slice %arg2[%dma_wait3A_259, %dma_wait3A_266, %dma_wait3A_267] : memref<2x160000x128xf32, #tpu.memory_space<hbm>> -> memref<1x80x128xf32, #tpu.memory_space<hbm>>
      %dma_wait3A_269 = tpu.memref_squeeze %dma_wait3A_268 : memref<1x80x128xf32, #tpu.memory_space<hbm>> -> memref<80x128xf32, #tpu.memory_space<hbm>>
      %dma_wait3A_270 = tpu.memref_slice %arg11[%dma_wait3A_261] : memref<4x!tpu.dma_semaphore, #tpu.memory_space<semaphore_mem>> -> memref<1x!tpu.dma_semaphore, #tpu.memory_space<semaphore_mem>>
      %dma_wait3A_271 = tpu.memref_squeeze %dma_wait3A_270 : memref<1x!tpu.dma_semaphore, #tpu.memory_space<semaphore_mem>> -> memref<!tpu.dma_semaphore, #tpu.memory_space<semaphore_mem>>
      %dma_wait3A_272 = arith.constant 0 : i32
      %dma_wait3A_273 = arith.constant 0 : i32
      %dma_wait3A_274 = tpu.memref_slice %arg8[%dma_wait3A_260, %dma_wait3A_272, %dma_wait3A_273] : memref<4x80x128xf32, #tpu.memory_space<vmem>> -> memref<1x80x128xf32, #tpu.memory_space<vmem>>
      %dma_wait3A_275 = tpu.memref_squeeze %dma_wait3A_274 : memref<1x80x128xf32, #tpu.memory_space<vmem>> -> memref<80x128xf32, #tpu.memory_space<vmem>>
      %dma_wait3A_276 = arith.constant 0 : i32
      %dma_wait3A_277 = arith.constant 0 : i32
      %dma_wait3A_278 = tpu.memref_slice %arg2[%dma_wait3A_259, %dma_wait3A_276, %dma_wait3A_277] : memref<2x160000x128xf32, #tpu.memory_space<hbm>> -> memref<1x80x128xf32, #tpu.memory_space<hbm>>
      %dma_wait3A_279 = tpu.memref_squeeze %dma_wait3A_278 : memref<1x80x128xf32, #tpu.memory_space<hbm>> -> memref<80x128xf32, #tpu.memory_space<hbm>>
      tpu.wait_dma2 semaphore(%dma_wait3A_271 : memref<!tpu.dma_semaphore, #tpu.memory_space<semaphore_mem>>) src(%dma_wait3A_279 : memref<80x128xf32, #tpu.memory_space<hbm>>) dst(%dma_wait3A_275 : memref<80x128xf32, #tpu.memory_space<vmem>>)
      %run_scoped3A_280 = arith.constant 1 : i32
      %run_scoped3A_281 = arith.constant 1 : i32
      "tpu.region"() ({
        %run_scoped3A_391 = tpu.sem_alloc : memref<!tpu.dma_semaphore, #tpu.memory_space<semaphore_mem>>
        %dma_start3A_392 = arith.constant 0 : i32
        %dma_start3A_393 = arith.constant 0 : i32
        %dma_start3A_394 = tpu.memref_slice %arg8[%run_scoped3A_280, %dma_start3A_392, %dma_start3A_393] : memref<4x80x128xf32, #tpu.memory_space<vmem>> -> memref<1x80x128xf32, #tpu.memory_space<vmem>>
        %dma_start3A_395 = tpu.memref_squeeze %dma_start3A_394 : memref<1x80x128xf32, #tpu.memory_space<vmem>> -> memref<80x128xf32, #tpu.memory_space<vmem>>
        %dma_start3A_396 = arith.constant 0 : i32
        %dma_start3A_397 = tpu.memref_slice %arg7[%run_scoped3A_281, %dma_start3A_396] : memref<4x80xi32, #tpu.memory_space<vmem>> -> memref<1x80xi32, #tpu.memory_space<vmem>>
        %dma_start3A_398 = tpu.memref_squeeze %dma_start3A_397 : memref<1x80xi32, #tpu.memory_space<vmem>> -> memref<80xi32, #tpu.memory_space<vmem>>
        %dma_start3A_399 = arith.constant 0 : i32
        %dma_start3A_400 = arith.constant 0 : i32
        %dma_start3A_401 = tpu.memref_slice %arg9[%dma_start3A_399, %dma_start3A_400] : memref<10240x128xf32, #tpu.memory_space<vmem_shared>> -> memref<10240x128xf32, #tpu.memory_space<vmem_shared>>
        tpu.enqueue_indirect_dma source(%dma_start3A_395 : memref<80x128xf32, #tpu.memory_space<vmem>>) target(%dma_start3A_401 : memref<10240x128xf32, #tpu.memory_space<vmem_shared>>) offsets(%dma_start3A_398 : memref<80xi32, #tpu.memory_space<vmem>>) semaphore(%run_scoped3A_391 : memref<!tpu.dma_semaphore, #tpu.memory_space<semaphore_mem>>) {add = true}
        %dma_wait3A_402 = arith.constant 0 : i32
        %dma_wait3A_403 = arith.constant 0 : i32
        %dma_wait3A_404 = tpu.memref_slice %arg8[%run_scoped3A_280, %dma_wait3A_402, %dma_wait3A_403] : memref<4x80x128xf32, #tpu.memory_space<vmem>> -> memref<1x80x128xf32, #tpu.memory_space<vmem>>
        %dma_wait3A_405 = tpu.memref_squeeze %dma_wait3A_404 : memref<1x80x128xf32, #tpu.memory_space<vmem>> -> memref<80x128xf32, #tpu.memory_space<vmem>>
        %dma_wait3A_406 = arith.constant 0 : i32
        %dma_wait3A_407 = tpu.memref_slice %arg7[%run_scoped3A_281, %dma_wait3A_406] : memref<4x80xi32, #tpu.memory_space<vmem>> -> memref<1x80xi32, #tpu.memory_space<vmem>>
        %dma_wait3A_408 = tpu.memref_squeeze %dma_wait3A_407 : memref<1x80xi32, #tpu.memory_space<vmem>> -> memref<80xi32, #tpu.memory_space<vmem>>
        %dma_wait3A_409 = arith.constant 0 : i32
        %dma_wait3A_410 = arith.constant 0 : i32
        %dma_wait3A_411 = tpu.memref_slice %arg9[%dma_wait3A_409, %dma_wait3A_410] : memref<10240x128xf32, #tpu.memory_space<vmem_shared>> -> memref<10240x128xf32, #tpu.memory_space<vmem_shared>>
        tpu.wait_indirect_dma semaphore(%run_scoped3A_391 : memref<!tpu.dma_semaphore, #tpu.memory_space<semaphore_mem>>) src(%dma_wait3A_405 : memref<80x128xf32, #tpu.memory_space<vmem>>) dst(%dma_wait3A_411 : memref<10240x128xf32, #tpu.memory_space<vmem_shared>>)
        tpu.yield
      }) : () -> ()
      %add3A_282 = arith.constant 4 : i32
      %add3A_283 = arith.addi %add3A_241, %add3A_282 : i32
      %lt3A_284 = arith.constant 125 : i32
      %lt3A_285 = arith.cmpi slt, %add3A_283, %lt3A_284 : i32
      %convert_element_type3A_286 = arith.extui %lt3A_285 : i1 to i32
      %cond3A_287 = arith.constant 0 : i32
      %cond3A_288 = arith.cmpi ne, %convert_element_type3A_286, %cond3A_287 : i32
      scf.if %cond3A_288 {
        %add3A_391 = arith.constant 320 : i32
        %add3A_392 = arith.addi %add3A_244, %add3A_391 : i32
        %add3A_393 = arith.constant 0 : i32
        %add3A_394 = arith.addi %add3A_393, %add3A_392 : i32
        %dma_start3A_395 = arith.constant 1 : i32
        %dma_start3A_396 = arith.constant 1 : i32
        %dma_start3A_397 = arith.constant 0 : i32
        %dma_start3A_398 = tpu.memref_slice %arg7[%dma_start3A_395, %dma_start3A_397] : memref<4x80xi32, #tpu.memory_space<vmem>> -> memref<1x80xi32, #tpu.memory_space<vmem>>
        %dma_start3A_399 = tpu.memref_squeeze %dma_start3A_398 : memref<1x80xi32, #tpu.memory_space<vmem>> -> memref<80xi32, #tpu.memory_space<vmem>>
        %dma_start3A_400 = tpu.memref_slice %arg3[%add3A_394] : memref<160000xi32, #tpu.memory_space<hbm>> -> memref<80xi32, #tpu.memory_space<hbm>>
        %dma_start3A_401 = tpu.memref_slice %arg10[%dma_start3A_396] : memref<4x!tpu.dma_semaphore, #tpu.memory_space<semaphore_mem>> -> memref<1x!tpu.dma_semaphore, #tpu.memory_space<semaphore_mem>>
        %dma_start3A_402 = tpu.memref_squeeze %dma_start3A_401 : memref<1x!tpu.dma_semaphore, #tpu.memory_space<semaphore_mem>> -> memref<!tpu.dma_semaphore, #tpu.memory_space<semaphore_mem>>
        %dma_start3A_403 = arith.constant 0 : i32
        %dma_start3A_404 = tpu.memref_slice %arg7[%dma_start3A_395, %dma_start3A_403] : memref<4x80xi32, #tpu.memory_space<vmem>> -> memref<1x80xi32, #tpu.memory_space<vmem>>
        %dma_start3A_405 = tpu.memref_squeeze %dma_start3A_404 : memref<1x80xi32, #tpu.memory_space<vmem>> -> memref<80xi32, #tpu.memory_space<vmem>>
        %dma_start3A_406 = tpu.memref_slice %arg3[%add3A_394] : memref<160000xi32, #tpu.memory_space<hbm>> -> memref<80xi32, #tpu.memory_space<hbm>>
        tpu.enqueue_dma source(%dma_start3A_406 : memref<80xi32, #tpu.memory_space<hbm>>) target(%dma_start3A_405 : memref<80xi32, #tpu.memory_space<vmem>>) target_semaphore(%dma_start3A_402 : memref<!tpu.dma_semaphore, #tpu.memory_space<semaphore_mem>>)
        %dma_start3A_407 = arith.constant 1 : i32
        %dma_start3A_408 = arith.constant 1 : i32
        %dma_start3A_409 = arith.constant 0 : i32
        %dma_start3A_410 = arith.constant 0 : i32
        %dma_start3A_411 = tpu.memref_slice %arg8[%dma_start3A_407, %dma_start3A_409, %dma_start3A_410] : memref<4x80x128xf32, #tpu.memory_space<vmem>> -> memref<1x80x128xf32, #tpu.memory_space<vmem>>
        %dma_start3A_412 = tpu.memref_squeeze %dma_start3A_411 : memref<1x80x128xf32, #tpu.memory_space<vmem>> -> memref<80x128xf32, #tpu.memory_space<vmem>>
        %dma_start3A_413 = arith.constant 0 : i32
        %dma_start3A_414 = tpu.memref_slice %arg2[%arg0, %add3A_392, %dma_start3A_413] : memref<2x160000x128xf32, #tpu.memory_space<hbm>> -> memref<1x80x128xf32, #tpu.memory_space<hbm>>
        %dma_start3A_415 = tpu.memref_squeeze %dma_start3A_414 : memref<1x80x128xf32, #tpu.memory_space<hbm>> -> memref<80x128xf32, #tpu.memory_space<hbm>>
        %dma_start3A_416 = tpu.memref_slice %arg11[%dma_start3A_408] : memref<4x!tpu.dma_semaphore, #tpu.memory_space<semaphore_mem>> -> memref<1x!tpu.dma_semaphore, #tpu.memory_space<semaphore_mem>>
        %dma_start3A_417 = tpu.memref_squeeze %dma_start3A_416 : memref<1x!tpu.dma_semaphore, #tpu.memory_space<semaphore_mem>> -> memref<!tpu.dma_semaphore, #tpu.memory_space<semaphore_mem>>
        %dma_start3A_418 = arith.constant 0 : i32
        %dma_start3A_419 = arith.constant 0 : i32
        %dma_start3A_420 = tpu.memref_slice %arg8[%dma_start3A_407, %dma_start3A_418, %dma_start3A_419] : memref<4x80x128xf32, #tpu.memory_space<vmem>> -> memref<1x80x128xf32, #tpu.memory_space<vmem>>
        %dma_start3A_421 = tpu.memref_squeeze %dma_start3A_420 : memref<1x80x128xf32, #tpu.memory_space<vmem>> -> memref<80x128xf32, #tpu.memory_space<vmem>>
        %dma_start3A_422 = arith.constant 0 : i32
        %dma_start3A_423 = tpu.memref_slice %arg2[%arg0, %add3A_392, %dma_start3A_422] : memref<2x160000x128xf32, #tpu.memory_space<hbm>> -> memref<1x80x128xf32, #tpu.memory_space<hbm>>
        %dma_start3A_424 = tpu.memref_squeeze %dma_start3A_423 : memref<1x80x128xf32, #tpu.memory_space<hbm>> -> memref<80x128xf32, #tpu.memory_space<hbm>>
        tpu.enqueue_dma source(%dma_start3A_424 : memref<80x128xf32, #tpu.memory_space<hbm>>) target(%dma_start3A_421 : memref<80x128xf32, #tpu.memory_space<vmem>>) target_semaphore(%dma_start3A_417 : memref<!tpu.dma_semaphore, #tpu.memory_space<semaphore_mem>>)
      } else {
      }
      %mul3A_289 = arith.constant 4 : i32
      %mul3A_290 = arith.muli %scan3A_187, %mul3A_289 : i32
      %add3A_291 = arith.constant 2 : i32
      %add3A_292 = arith.addi %mul3A_290, %add3A_291 : i32
      %mul3A_293 = arith.constant 80 : i32
      %mul3A_294 = arith.muli %add3A_292, %mul3A_293 : i32
      %add3A_295 = arith.addi %mul3A_2, %mul3A_294 : i32
      %dma_wait3A_296 = arith.constant 2 : i32
      %dma_wait3A_297 = arith.constant 2 : i32
      %dma_wait3A_298 = arith.constant 0 : i32
      %dma_wait3A_299 = tpu.memref_slice %arg7[%dma_wait3A_296, %dma_wait3A_298] : memref<4x80xi32, #tpu.memory_space<vmem>> -> memref<1x80xi32, #tpu.memory_space<vmem>>
      %dma_wait3A_300 = tpu.memref_squeeze %dma_wait3A_299 : memref<1x80xi32, #tpu.memory_space<vmem>> -> memref<80xi32, #tpu.memory_space<vmem>>
      %dma_wait3A_301 = arith.constant 0 : i32
      %dma_wait3A_302 = tpu.memref_slice %arg3[%dma_wait3A_301] : memref<160000xi32, #tpu.memory_space<hbm>> -> memref<80xi32, #tpu.memory_space<hbm>>
      %dma_wait3A_303 = tpu.memref_slice %arg10[%dma_wait3A_297] : memref<4x!tpu.dma_semaphore, #tpu.memory_space<semaphore_mem>> -> memref<1x!tpu.dma_semaphore, #tpu.memory_space<semaphore_mem>>
      %dma_wait3A_304 = tpu.memref_squeeze %dma_wait3A_303 : memref<1x!tpu.dma_semaphore, #tpu.memory_space<semaphore_mem>> -> memref<!tpu.dma_semaphore, #tpu.memory_space<semaphore_mem>>
      %dma_wait3A_305 = arith.constant 0 : i32
      %dma_wait3A_306 = tpu.memref_slice %arg7[%dma_wait3A_296, %dma_wait3A_305] : memref<4x80xi32, #tpu.memory_space<vmem>> -> memref<1x80xi32, #tpu.memory_space<vmem>>
      %dma_wait3A_307 = tpu.memref_squeeze %dma_wait3A_306 : memref<1x80xi32, #tpu.memory_space<vmem>> -> memref<80xi32, #tpu.memory_space<vmem>>
      %dma_wait3A_308 = arith.constant 0 : i32
      %dma_wait3A_309 = tpu.memref_slice %arg3[%dma_wait3A_308] : memref<160000xi32, #tpu.memory_space<hbm>> -> memref<80xi32, #tpu.memory_space<hbm>>
      tpu.wait_dma2 semaphore(%dma_wait3A_304 : memref<!tpu.dma_semaphore, #tpu.memory_space<semaphore_mem>>) src(%dma_wait3A_309 : memref<80xi32, #tpu.memory_space<hbm>>) dst(%dma_wait3A_307 : memref<80xi32, #tpu.memory_space<vmem>>)
      %dma_wait3A_310 = arith.constant 0 : i32
      %dma_wait3A_311 = arith.constant 2 : i32
      %dma_wait3A_312 = arith.constant 2 : i32
      %dma_wait3A_313 = arith.constant 0 : i32
      %dma_wait3A_314 = arith.constant 0 : i32
      %dma_wait3A_315 = tpu.memref_slice %arg8[%dma_wait3A_311, %dma_wait3A_313, %dma_wait3A_314] : memref<4x80x128xf32, #tpu.memory_space<vmem>> -> memref<1x80x128xf32, #tpu.memory_space<vmem>>
      %dma_wait3A_316 = tpu.memref_squeeze %dma_wait3A_315 : memref<1x80x128xf32, #tpu.memory_space<vmem>> -> memref<80x128xf32, #tpu.memory_space<vmem>>
      %dma_wait3A_317 = arith.constant 0 : i32
      %dma_wait3A_318 = arith.constant 0 : i32
      %dma_wait3A_319 = tpu.memref_slice %arg2[%dma_wait3A_310, %dma_wait3A_317, %dma_wait3A_318] : memref<2x160000x128xf32, #tpu.memory_space<hbm>> -> memref<1x80x128xf32, #tpu.memory_space<hbm>>
      %dma_wait3A_320 = tpu.memref_squeeze %dma_wait3A_319 : memref<1x80x128xf32, #tpu.memory_space<hbm>> -> memref<80x128xf32, #tpu.memory_space<hbm>>
      %dma_wait3A_321 = tpu.memref_slice %arg11[%dma_wait3A_312] : memref<4x!tpu.dma_semaphore, #tpu.memory_space<semaphore_mem>> -> memref<1x!tpu.dma_semaphore, #tpu.memory_space<semaphore_mem>>
      %dma_wait3A_322 = tpu.memref_squeeze %dma_wait3A_321 : memref<1x!tpu.dma_semaphore, #tpu.memory_space<semaphore_mem>> -> memref<!tpu.dma_semaphore, #tpu.memory_space<semaphore_mem>>
      %dma_wait3A_323 = arith.constant 0 : i32
      %dma_wait3A_324 = arith.constant 0 : i32
      %dma_wait3A_325 = tpu.memref_slice %arg8[%dma_wait3A_311, %dma_wait3A_323, %dma_wait3A_324] : memref<4x80x128xf32, #tpu.memory_space<vmem>> -> memref<1x80x128xf32, #tpu.memory_space<vmem>>
      %dma_wait3A_326 = tpu.memref_squeeze %dma_wait3A_325 : memref<1x80x128xf32, #tpu.memory_space<vmem>> -> memref<80x128xf32, #tpu.memory_space<vmem>>
      %dma_wait3A_327 = arith.constant 0 : i32
      %dma_wait3A_328 = arith.constant 0 : i32
      %dma_wait3A_329 = tpu.memref_slice %arg2[%dma_wait3A_310, %dma_wait3A_327, %dma_wait3A_328] : memref<2x160000x128xf32, #tpu.memory_space<hbm>> -> memref<1x80x128xf32, #tpu.memory_space<hbm>>
      %dma_wait3A_330 = tpu.memref_squeeze %dma_wait3A_329 : memref<1x80x128xf32, #tpu.memory_space<hbm>> -> memref<80x128xf32, #tpu.memory_space<hbm>>
      tpu.wait_dma2 semaphore(%dma_wait3A_322 : memref<!tpu.dma_semaphore, #tpu.memory_space<semaphore_mem>>) src(%dma_wait3A_330 : memref<80x128xf32, #tpu.memory_space<hbm>>) dst(%dma_wait3A_326 : memref<80x128xf32, #tpu.memory_space<vmem>>)
      %run_scoped3A_331 = arith.constant 2 : i32
      %run_scoped3A_332 = arith.constant 2 : i32
      "tpu.region"() ({
        %run_scoped3A_391 = tpu.sem_alloc : memref<!tpu.dma_semaphore, #tpu.memory_space<semaphore_mem>>
        %dma_start3A_392 = arith.constant 0 : i32
        %dma_start3A_393 = arith.constant 0 : i32
        %dma_start3A_394 = tpu.memref_slice %arg8[%run_scoped3A_331, %dma_start3A_392, %dma_start3A_393] : memref<4x80x128xf32, #tpu.memory_space<vmem>> -> memref<1x80x128xf32, #tpu.memory_space<vmem>>
        %dma_start3A_395 = tpu.memref_squeeze %dma_start3A_394 : memref<1x80x128xf32, #tpu.memory_space<vmem>> -> memref<80x128xf32, #tpu.memory_space<vmem>>
        %dma_start3A_396 = arith.constant 0 : i32
        %dma_start3A_397 = tpu.memref_slice %arg7[%run_scoped3A_332, %dma_start3A_396] : memref<4x80xi32, #tpu.memory_space<vmem>> -> memref<1x80xi32, #tpu.memory_space<vmem>>
        %dma_start3A_398 = tpu.memref_squeeze %dma_start3A_397 : memref<1x80xi32, #tpu.memory_space<vmem>> -> memref<80xi32, #tpu.memory_space<vmem>>
        %dma_start3A_399 = arith.constant 0 : i32
        %dma_start3A_400 = arith.constant 0 : i32
        %dma_start3A_401 = tpu.memref_slice %arg9[%dma_start3A_399, %dma_start3A_400] : memref<10240x128xf32, #tpu.memory_space<vmem_shared>> -> memref<10240x128xf32, #tpu.memory_space<vmem_shared>>
        tpu.enqueue_indirect_dma source(%dma_start3A_395 : memref<80x128xf32, #tpu.memory_space<vmem>>) target(%dma_start3A_401 : memref<10240x128xf32, #tpu.memory_space<vmem_shared>>) offsets(%dma_start3A_398 : memref<80xi32, #tpu.memory_space<vmem>>) semaphore(%run_scoped3A_391 : memref<!tpu.dma_semaphore, #tpu.memory_space<semaphore_mem>>) {add = true}
        %dma_wait3A_402 = arith.constant 0 : i32
        %dma_wait3A_403 = arith.constant 0 : i32
        %dma_wait3A_404 = tpu.memref_slice %arg8[%run_scoped3A_331, %dma_wait3A_402, %dma_wait3A_403] : memref<4x80x128xf32, #tpu.memory_space<vmem>> -> memref<1x80x128xf32, #tpu.memory_space<vmem>>
        %dma_wait3A_405 = tpu.memref_squeeze %dma_wait3A_404 : memref<1x80x128xf32, #tpu.memory_space<vmem>> -> memref<80x128xf32, #tpu.memory_space<vmem>>
        %dma_wait3A_406 = arith.constant 0 : i32
        %dma_wait3A_407 = tpu.memref_slice %arg7[%run_scoped3A_332, %dma_wait3A_406] : memref<4x80xi32, #tpu.memory_space<vmem>> -> memref<1x80xi32, #tpu.memory_space<vmem>>
        %dma_wait3A_408 = tpu.memref_squeeze %dma_wait3A_407 : memref<1x80xi32, #tpu.memory_space<vmem>> -> memref<80xi32, #tpu.memory_space<vmem>>
        %dma_wait3A_409 = arith.constant 0 : i32
        %dma_wait3A_410 = arith.constant 0 : i32
        %dma_wait3A_411 = tpu.memref_slice %arg9[%dma_wait3A_409, %dma_wait3A_410] : memref<10240x128xf32, #tpu.memory_space<vmem_shared>> -> memref<10240x128xf32, #tpu.memory_space<vmem_shared>>
        tpu.wait_indirect_dma semaphore(%run_scoped3A_391 : memref<!tpu.dma_semaphore, #tpu.memory_space<semaphore_mem>>) src(%dma_wait3A_405 : memref<80x128xf32, #tpu.memory_space<vmem>>) dst(%dma_wait3A_411 : memref<10240x128xf32, #tpu.memory_space<vmem_shared>>)
        tpu.yield
      }) : () -> ()
      %add3A_333 = arith.constant 4 : i32
      %add3A_334 = arith.addi %add3A_292, %add3A_333 : i32
      %lt3A_335 = arith.constant 125 : i32
      %lt3A_336 = arith.cmpi slt, %add3A_334, %lt3A_335 : i32
      %convert_element_type3A_337 = arith.extui %lt3A_336 : i1 to i32
      %cond3A_338 = arith.constant 0 : i32
      %cond3A_339 = arith.cmpi ne, %convert_element_type3A_337, %cond3A_338 : i32
      scf.if %cond3A_339 {
        %add3A_391 = arith.constant 320 : i32
        %add3A_392 = arith.addi %add3A_295, %add3A_391 : i32
        %add3A_393 = arith.constant 0 : i32
        %add3A_394 = arith.addi %add3A_393, %add3A_392 : i32
        %dma_start3A_395 = arith.constant 2 : i32
        %dma_start3A_396 = arith.constant 2 : i32
        %dma_start3A_397 = arith.constant 0 : i32
        %dma_start3A_398 = tpu.memref_slice %arg7[%dma_start3A_395, %dma_start3A_397] : memref<4x80xi32, #tpu.memory_space<vmem>> -> memref<1x80xi32, #tpu.memory_space<vmem>>
        %dma_start3A_399 = tpu.memref_squeeze %dma_start3A_398 : memref<1x80xi32, #tpu.memory_space<vmem>> -> memref<80xi32, #tpu.memory_space<vmem>>
        %dma_start3A_400 = tpu.memref_slice %arg3[%add3A_394] : memref<160000xi32, #tpu.memory_space<hbm>> -> memref<80xi32, #tpu.memory_space<hbm>>
        %dma_start3A_401 = tpu.memref_slice %arg10[%dma_start3A_396] : memref<4x!tpu.dma_semaphore, #tpu.memory_space<semaphore_mem>> -> memref<1x!tpu.dma_semaphore, #tpu.memory_space<semaphore_mem>>
        %dma_start3A_402 = tpu.memref_squeeze %dma_start3A_401 : memref<1x!tpu.dma_semaphore, #tpu.memory_space<semaphore_mem>> -> memref<!tpu.dma_semaphore, #tpu.memory_space<semaphore_mem>>
        %dma_start3A_403 = arith.constant 0 : i32
        %dma_start3A_404 = tpu.memref_slice %arg7[%dma_start3A_395, %dma_start3A_403] : memref<4x80xi32, #tpu.memory_space<vmem>> -> memref<1x80xi32, #tpu.memory_space<vmem>>
        %dma_start3A_405 = tpu.memref_squeeze %dma_start3A_404 : memref<1x80xi32, #tpu.memory_space<vmem>> -> memref<80xi32, #tpu.memory_space<vmem>>
        %dma_start3A_406 = tpu.memref_slice %arg3[%add3A_394] : memref<160000xi32, #tpu.memory_space<hbm>> -> memref<80xi32, #tpu.memory_space<hbm>>
        tpu.enqueue_dma source(%dma_start3A_406 : memref<80xi32, #tpu.memory_space<hbm>>) target(%dma_start3A_405 : memref<80xi32, #tpu.memory_space<vmem>>) target_semaphore(%dma_start3A_402 : memref<!tpu.dma_semaphore, #tpu.memory_space<semaphore_mem>>)
        %dma_start3A_407 = arith.constant 2 : i32
        %dma_start3A_408 = arith.constant 2 : i32
        %dma_start3A_409 = arith.constant 0 : i32
        %dma_start3A_410 = arith.constant 0 : i32
        %dma_start3A_411 = tpu.memref_slice %arg8[%dma_start3A_407, %dma_start3A_409, %dma_start3A_410] : memref<4x80x128xf32, #tpu.memory_space<vmem>> -> memref<1x80x128xf32, #tpu.memory_space<vmem>>
        %dma_start3A_412 = tpu.memref_squeeze %dma_start3A_411 : memref<1x80x128xf32, #tpu.memory_space<vmem>> -> memref<80x128xf32, #tpu.memory_space<vmem>>
        %dma_start3A_413 = arith.constant 0 : i32
        %dma_start3A_414 = tpu.memref_slice %arg2[%arg0, %add3A_392, %dma_start3A_413] : memref<2x160000x128xf32, #tpu.memory_space<hbm>> -> memref<1x80x128xf32, #tpu.memory_space<hbm>>
        %dma_start3A_415 = tpu.memref_squeeze %dma_start3A_414 : memref<1x80x128xf32, #tpu.memory_space<hbm>> -> memref<80x128xf32, #tpu.memory_space<hbm>>
        %dma_start3A_416 = tpu.memref_slice %arg11[%dma_start3A_408] : memref<4x!tpu.dma_semaphore, #tpu.memory_space<semaphore_mem>> -> memref<1x!tpu.dma_semaphore, #tpu.memory_space<semaphore_mem>>
        %dma_start3A_417 = tpu.memref_squeeze %dma_start3A_416 : memref<1x!tpu.dma_semaphore, #tpu.memory_space<semaphore_mem>> -> memref<!tpu.dma_semaphore, #tpu.memory_space<semaphore_mem>>
        %dma_start3A_418 = arith.constant 0 : i32
        %dma_start3A_419 = arith.constant 0 : i32
        %dma_start3A_420 = tpu.memref_slice %arg8[%dma_start3A_407, %dma_start3A_418, %dma_start3A_419] : memref<4x80x128xf32, #tpu.memory_space<vmem>> -> memref<1x80x128xf32, #tpu.memory_space<vmem>>
        %dma_start3A_421 = tpu.memref_squeeze %dma_start3A_420 : memref<1x80x128xf32, #tpu.memory_space<vmem>> -> memref<80x128xf32, #tpu.memory_space<vmem>>
        %dma_start3A_422 = arith.constant 0 : i32
        %dma_start3A_423 = tpu.memref_slice %arg2[%arg0, %add3A_392, %dma_start3A_422] : memref<2x160000x128xf32, #tpu.memory_space<hbm>> -> memref<1x80x128xf32, #tpu.memory_space<hbm>>
        %dma_start3A_424 = tpu.memref_squeeze %dma_start3A_423 : memref<1x80x128xf32, #tpu.memory_space<hbm>> -> memref<80x128xf32, #tpu.memory_space<hbm>>
        tpu.enqueue_dma source(%dma_start3A_424 : memref<80x128xf32, #tpu.memory_space<hbm>>) target(%dma_start3A_421 : memref<80x128xf32, #tpu.memory_space<vmem>>) target_semaphore(%dma_start3A_417 : memref<!tpu.dma_semaphore, #tpu.memory_space<semaphore_mem>>)
      } else {
      }
      %mul3A_340 = arith.constant 4 : i32
      %mul3A_341 = arith.muli %scan3A_187, %mul3A_340 : i32
      %add3A_342 = arith.constant 3 : i32
      %add3A_343 = arith.addi %mul3A_341, %add3A_342 : i32
      %mul3A_344 = arith.constant 80 : i32
      %mul3A_345 = arith.muli %add3A_343, %mul3A_344 : i32
      %add3A_346 = arith.addi %mul3A_2, %mul3A_345 : i32
      %dma_wait3A_347 = arith.constant 3 : i32
      %dma_wait3A_348 = arith.constant 3 : i32
      %dma_wait3A_349 = arith.constant 0 : i32
      %dma_wait3A_350 = tpu.memref_slice %arg7[%dma_wait3A_347, %dma_wait3A_349] : memref<4x80xi32, #tpu.memory_space<vmem>> -> memref<1x80xi32, #tpu.memory_space<vmem>>
      %dma_wait3A_351 = tpu.memref_squeeze %dma_wait3A_350 : memref<1x80xi32, #tpu.memory_space<vmem>> -> memref<80xi32, #tpu.memory_space<vmem>>
      %dma_wait3A_352 = arith.constant 0 : i32
      %dma_wait3A_353 = tpu.memref_slice %arg3[%dma_wait3A_352] : memref<160000xi32, #tpu.memory_space<hbm>> -> memref<80xi32, #tpu.memory_space<hbm>>
      %dma_wait3A_354 = tpu.memref_slice %arg10[%dma_wait3A_348] : memref<4x!tpu.dma_semaphore, #tpu.memory_space<semaphore_mem>> -> memref<1x!tpu.dma_semaphore, #tpu.memory_space<semaphore_mem>>
      %dma_wait3A_355 = tpu.memref_squeeze %dma_wait3A_354 : memref<1x!tpu.dma_semaphore, #tpu.memory_space<semaphore_mem>> -> memref<!tpu.dma_semaphore, #tpu.memory_space<semaphore_mem>>
      %dma_wait3A_356 = arith.constant 0 : i32
      %dma_wait3A_357 = tpu.memref_slice %arg7[%dma_wait3A_347, %dma_wait3A_356] : memref<4x80xi32, #tpu.memory_space<vmem>> -> memref<1x80xi32, #tpu.memory_space<vmem>>
      %dma_wait3A_358 = tpu.memref_squeeze %dma_wait3A_357 : memref<1x80xi32, #tpu.memory_space<vmem>> -> memref<80xi32, #tpu.memory_space<vmem>>
      %dma_wait3A_359 = arith.constant 0 : i32
      %dma_wait3A_360 = tpu.memref_slice %arg3[%dma_wait3A_359] : memref<160000xi32, #tpu.memory_space<hbm>> -> memref<80xi32, #tpu.memory_space<hbm>>
      tpu.wait_dma2 semaphore(%dma_wait3A_355 : memref<!tpu.dma_semaphore, #tpu.memory_space<semaphore_mem>>) src(%dma_wait3A_360 : memref<80xi32, #tpu.memory_space<hbm>>) dst(%dma_wait3A_358 : memref<80xi32, #tpu.memory_space<vmem>>)
      %dma_wait3A_361 = arith.constant 0 : i32
      %dma_wait3A_362 = arith.constant 3 : i32
      %dma_wait3A_363 = arith.constant 3 : i32
      %dma_wait3A_364 = arith.constant 0 : i32
      %dma_wait3A_365 = arith.constant 0 : i32
      %dma_wait3A_366 = tpu.memref_slice %arg8[%dma_wait3A_362, %dma_wait3A_364, %dma_wait3A_365] : memref<4x80x128xf32, #tpu.memory_space<vmem>> -> memref<1x80x128xf32, #tpu.memory_space<vmem>>
      %dma_wait3A_367 = tpu.memref_squeeze %dma_wait3A_366 : memref<1x80x128xf32, #tpu.memory_space<vmem>> -> memref<80x128xf32, #tpu.memory_space<vmem>>
      %dma_wait3A_368 = arith.constant 0 : i32
      %dma_wait3A_369 = arith.constant 0 : i32
      %dma_wait3A_370 = tpu.memref_slice %arg2[%dma_wait3A_361, %dma_wait3A_368, %dma_wait3A_369] : memref<2x160000x128xf32, #tpu.memory_space<hbm>> -> memref<1x80x128xf32, #tpu.memory_space<hbm>>
      %dma_wait3A_371 = tpu.memref_squeeze %dma_wait3A_370 : memref<1x80x128xf32, #tpu.memory_space<hbm>> -> memref<80x128xf32, #tpu.memory_space<hbm>>
      %dma_wait3A_372 = tpu.memref_slice %arg11[%dma_wait3A_363] : memref<4x!tpu.dma_semaphore, #tpu.memory_space<semaphore_mem>> -> memref<1x!tpu.dma_semaphore, #tpu.memory_space<semaphore_mem>>
      %dma_wait3A_373 = tpu.memref_squeeze %dma_wait3A_372 : memref<1x!tpu.dma_semaphore, #tpu.memory_space<semaphore_mem>> -> memref<!tpu.dma_semaphore, #tpu.memory_space<semaphore_mem>>
      %dma_wait3A_374 = arith.constant 0 : i32
      %dma_wait3A_375 = arith.constant 0 : i32
      %dma_wait3A_376 = tpu.memref_slice %arg8[%dma_wait3A_362, %dma_wait3A_374, %dma_wait3A_375] : memref<4x80x128xf32, #tpu.memory_space<vmem>> -> memref<1x80x128xf32, #tpu.memory_space<vmem>>
      %dma_wait3A_377 = tpu.memref_squeeze %dma_wait3A_376 : memref<1x80x128xf32, #tpu.memory_space<vmem>> -> memref<80x128xf32, #tpu.memory_space<vmem>>
      %dma_wait3A_378 = arith.constant 0 : i32
      %dma_wait3A_379 = arith.constant 0 : i32
      %dma_wait3A_380 = tpu.memref_slice %arg2[%dma_wait3A_361, %dma_wait3A_378, %dma_wait3A_379] : memref<2x160000x128xf32, #tpu.memory_space<hbm>> -> memref<1x80x128xf32, #tpu.memory_space<hbm>>
      %dma_wait3A_381 = tpu.memref_squeeze %dma_wait3A_380 : memref<1x80x128xf32, #tpu.memory_space<hbm>> -> memref<80x128xf32, #tpu.memory_space<hbm>>
      tpu.wait_dma2 semaphore(%dma_wait3A_373 : memref<!tpu.dma_semaphore, #tpu.memory_space<semaphore_mem>>) src(%dma_wait3A_381 : memref<80x128xf32, #tpu.memory_space<hbm>>) dst(%dma_wait3A_377 : memref<80x128xf32, #tpu.memory_space<vmem>>)
      %run_scoped3A_382 = arith.constant 3 : i32
      %run_scoped3A_383 = arith.constant 3 : i32
      "tpu.region"() ({
        %run_scoped3A_391 = tpu.sem_alloc : memref<!tpu.dma_semaphore, #tpu.memory_space<semaphore_mem>>
        %dma_start3A_392 = arith.constant 0 : i32
        %dma_start3A_393 = arith.constant 0 : i32
        %dma_start3A_394 = tpu.memref_slice %arg8[%run_scoped3A_382, %dma_start3A_392, %dma_start3A_393] : memref<4x80x128xf32, #tpu.memory_space<vmem>> -> memref<1x80x128xf32, #tpu.memory_space<vmem>>
        %dma_start3A_395 = tpu.memref_squeeze %dma_start3A_394 : memref<1x80x128xf32, #tpu.memory_space<vmem>> -> memref<80x128xf32, #tpu.memory_space<vmem>>
        %dma_start3A_396 = arith.constant 0 : i32
        %dma_start3A_397 = tpu.memref_slice %arg7[%run_scoped3A_383, %dma_start3A_396] : memref<4x80xi32, #tpu.memory_space<vmem>> -> memref<1x80xi32, #tpu.memory_space<vmem>>
        %dma_start3A_398 = tpu.memref_squeeze %dma_start3A_397 : memref<1x80xi32, #tpu.memory_space<vmem>> -> memref<80xi32, #tpu.memory_space<vmem>>
        %dma_start3A_399 = arith.constant 0 : i32
        %dma_start3A_400 = arith.constant 0 : i32
        %dma_start3A_401 = tpu.memref_slice %arg9[%dma_start3A_399, %dma_start3A_400] : memref<10240x128xf32, #tpu.memory_space<vmem_shared>> -> memref<10240x128xf32, #tpu.memory_space<vmem_shared>>
        tpu.enqueue_indirect_dma source(%dma_start3A_395 : memref<80x128xf32, #tpu.memory_space<vmem>>) target(%dma_start3A_401 : memref<10240x128xf32, #tpu.memory_space<vmem_shared>>) offsets(%dma_start3A_398 : memref<80xi32, #tpu.memory_space<vmem>>) semaphore(%run_scoped3A_391 : memref<!tpu.dma_semaphore, #tpu.memory_space<semaphore_mem>>) {add = true}
        %dma_wait3A_402 = arith.constant 0 : i32
        %dma_wait3A_403 = arith.constant 0 : i32
        %dma_wait3A_404 = tpu.memref_slice %arg8[%run_scoped3A_382, %dma_wait3A_402, %dma_wait3A_403] : memref<4x80x128xf32, #tpu.memory_space<vmem>> -> memref<1x80x128xf32, #tpu.memory_space<vmem>>
        %dma_wait3A_405 = tpu.memref_squeeze %dma_wait3A_404 : memref<1x80x128xf32, #tpu.memory_space<vmem>> -> memref<80x128xf32, #tpu.memory_space<vmem>>
        %dma_wait3A_406 = arith.constant 0 : i32
        %dma_wait3A_407 = tpu.memref_slice %arg7[%run_scoped3A_383, %dma_wait3A_406] : memref<4x80xi32, #tpu.memory_space<vmem>> -> memref<1x80xi32, #tpu.memory_space<vmem>>
        %dma_wait3A_408 = tpu.memref_squeeze %dma_wait3A_407 : memref<1x80xi32, #tpu.memory_space<vmem>> -> memref<80xi32, #tpu.memory_space<vmem>>
        %dma_wait3A_409 = arith.constant 0 : i32
        %dma_wait3A_410 = arith.constant 0 : i32
        %dma_wait3A_411 = tpu.memref_slice %arg9[%dma_wait3A_409, %dma_wait3A_410] : memref<10240x128xf32, #tpu.memory_space<vmem_shared>> -> memref<10240x128xf32, #tpu.memory_space<vmem_shared>>
        tpu.wait_indirect_dma semaphore(%run_scoped3A_391 : memref<!tpu.dma_semaphore, #tpu.memory_space<semaphore_mem>>) src(%dma_wait3A_405 : memref<80x128xf32, #tpu.memory_space<vmem>>) dst(%dma_wait3A_411 : memref<10240x128xf32, #tpu.memory_space<vmem_shared>>)
        tpu.yield
      }) : () -> ()
      %add3A_384 = arith.constant 4 : i32
      %add3A_385 = arith.addi %add3A_343, %add3A_384 : i32
      %lt3A_386 = arith.constant 125 : i32
      %lt3A_387 = arith.cmpi slt, %add3A_385, %lt3A_386 : i32
      %convert_element_type3A_388 = arith.extui %lt3A_387 : i1 to i32
      %cond3A_389 = arith.constant 0 : i32
      %cond3A_390 = arith.cmpi ne, %convert_element_type3A_388, %cond3A_389 : i32
      scf.if %cond3A_390 {
        %add3A_391 = arith.constant 320 : i32
        %add3A_392 = arith.addi %add3A_346, %add3A_391 : i32
        %add3A_393 = arith.constant 0 : i32
        %add3A_394 = arith.addi %add3A_393, %add3A_392 : i32
        %dma_start3A_395 = arith.constant 3 : i32
        %dma_start3A_396 = arith.constant 3 : i32
        %dma_start3A_397 = arith.constant 0 : i32
        %dma_start3A_398 = tpu.memref_slice %arg7[%dma_start3A_395, %dma_start3A_397] : memref<4x80xi32, #tpu.memory_space<vmem>> -> memref<1x80xi32, #tpu.memory_space<vmem>>
        %dma_start3A_399 = tpu.memref_squeeze %dma_start3A_398 : memref<1x80xi32, #tpu.memory_space<vmem>> -> memref<80xi32, #tpu.memory_space<vmem>>
        %dma_start3A_400 = tpu.memref_slice %arg3[%add3A_394] : memref<160000xi32, #tpu.memory_space<hbm>> -> memref<80xi32, #tpu.memory_space<hbm>>
        %dma_start3A_401 = tpu.memref_slice %arg10[%dma_start3A_396] : memref<4x!tpu.dma_semaphore, #tpu.memory_space<semaphore_mem>> -> memref<1x!tpu.dma_semaphore, #tpu.memory_space<semaphore_mem>>
        %dma_start3A_402 = tpu.memref_squeeze %dma_start3A_401 : memref<1x!tpu.dma_semaphore, #tpu.memory_space<semaphore_mem>> -> memref<!tpu.dma_semaphore, #tpu.memory_space<semaphore_mem>>
        %dma_start3A_403 = arith.constant 0 : i32
        %dma_start3A_404 = tpu.memref_slice %arg7[%dma_start3A_395, %dma_start3A_403] : memref<4x80xi32, #tpu.memory_space<vmem>> -> memref<1x80xi32, #tpu.memory_space<vmem>>
        %dma_start3A_405 = tpu.memref_squeeze %dma_start3A_404 : memref<1x80xi32, #tpu.memory_space<vmem>> -> memref<80xi32, #tpu.memory_space<vmem>>
        %dma_start3A_406 = tpu.memref_slice %arg3[%add3A_394] : memref<160000xi32, #tpu.memory_space<hbm>> -> memref<80xi32, #tpu.memory_space<hbm>>
        tpu.enqueue_dma source(%dma_start3A_406 : memref<80xi32, #tpu.memory_space<hbm>>) target(%dma_start3A_405 : memref<80xi32, #tpu.memory_space<vmem>>) target_semaphore(%dma_start3A_402 : memref<!tpu.dma_semaphore, #tpu.memory_space<semaphore_mem>>)
        %dma_start3A_407 = arith.constant 3 : i32
        %dma_start3A_408 = arith.constant 3 : i32
        %dma_start3A_409 = arith.constant 0 : i32
        %dma_start3A_410 = arith.constant 0 : i32
        %dma_start3A_411 = tpu.memref_slice %arg8[%dma_start3A_407, %dma_start3A_409, %dma_start3A_410] : memref<4x80x128xf32, #tpu.memory_space<vmem>> -> memref<1x80x128xf32, #tpu.memory_space<vmem>>
        %dma_start3A_412 = tpu.memref_squeeze %dma_start3A_411 : memref<1x80x128xf32, #tpu.memory_space<vmem>> -> memref<80x128xf32, #tpu.memory_space<vmem>>
        %dma_start3A_413 = arith.constant 0 : i32
        %dma_start3A_414 = tpu.memref_slice %arg2[%arg0, %add3A_392, %dma_start3A_413] : memref<2x160000x128xf32, #tpu.memory_space<hbm>> -> memref<1x80x128xf32, #tpu.memory_space<hbm>>
        %dma_start3A_415 = tpu.memref_squeeze %dma_start3A_414 : memref<1x80x128xf32, #tpu.memory_space<hbm>> -> memref<80x128xf32, #tpu.memory_space<hbm>>
        %dma_start3A_416 = tpu.memref_slice %arg11[%dma_start3A_408] : memref<4x!tpu.dma_semaphore, #tpu.memory_space<semaphore_mem>> -> memref<1x!tpu.dma_semaphore, #tpu.memory_space<semaphore_mem>>
        %dma_start3A_417 = tpu.memref_squeeze %dma_start3A_416 : memref<1x!tpu.dma_semaphore, #tpu.memory_space<semaphore_mem>> -> memref<!tpu.dma_semaphore, #tpu.memory_space<semaphore_mem>>
        %dma_start3A_418 = arith.constant 0 : i32
        %dma_start3A_419 = arith.constant 0 : i32
        %dma_start3A_420 = tpu.memref_slice %arg8[%dma_start3A_407, %dma_start3A_418, %dma_start3A_419] : memref<4x80x128xf32, #tpu.memory_space<vmem>> -> memref<1x80x128xf32, #tpu.memory_space<vmem>>
        %dma_start3A_421 = tpu.memref_squeeze %dma_start3A_420 : memref<1x80x128xf32, #tpu.memory_space<vmem>> -> memref<80x128xf32, #tpu.memory_space<vmem>>
        %dma_start3A_422 = arith.constant 0 : i32
        %dma_start3A_423 = tpu.memref_slice %arg2[%arg0, %add3A_392, %dma_start3A_422] : memref<2x160000x128xf32, #tpu.memory_space<hbm>> -> memref<1x80x128xf32, #tpu.memory_space<hbm>>
        %dma_start3A_424 = tpu.memref_squeeze %dma_start3A_423 : memref<1x80x128xf32, #tpu.memory_space<hbm>> -> memref<80x128xf32, #tpu.memory_space<hbm>>
        tpu.enqueue_dma source(%dma_start3A_424 : memref<80x128xf32, #tpu.memory_space<hbm>>) target(%dma_start3A_421 : memref<80x128xf32, #tpu.memory_space<vmem>>) target_semaphore(%dma_start3A_417 : memref<!tpu.dma_semaphore, #tpu.memory_space<semaphore_mem>>)
      } else {
      }
    }
    %scan3A_141 = arith.constant 31 : i32
    %add3A_142 = arith.constant 9920 : i32
    %add3A_143 = arith.addi %mul3A_2, %add3A_142 : i32
    %dma_wait3A = arith.constant 0 : i32
    %dma_wait3A_144 = arith.constant 0 : i32
    %dma_wait3A_145 = arith.constant 0 : i32
    %dma_wait3A_146 = tpu.memref_slice %arg7[%dma_wait3A, %dma_wait3A_145] : memref<4x80xi32, #tpu.memory_space<vmem>> -> memref<1x80xi32, #tpu.memory_space<vmem>>
    %dma_wait3A_147 = tpu.memref_squeeze %dma_wait3A_146 : memref<1x80xi32, #tpu.memory_space<vmem>> -> memref<80xi32, #tpu.memory_space<vmem>>
    %dma_wait3A_148 = arith.constant 0 : i32
    %dma_wait3A_149 = tpu.memref_slice %arg3[%dma_wait3A_148] : memref<160000xi32, #tpu.memory_space<hbm>> -> memref<80xi32, #tpu.memory_space<hbm>>
    %dma_wait3A_150 = tpu.memref_slice %arg10[%dma_wait3A_144] : memref<4x!tpu.dma_semaphore, #tpu.memory_space<semaphore_mem>> -> memref<1x!tpu.dma_semaphore, #tpu.memory_space<semaphore_mem>>
    %dma_wait3A_151 = tpu.memref_squeeze %dma_wait3A_150 : memref<1x!tpu.dma_semaphore, #tpu.memory_space<semaphore_mem>> -> memref<!tpu.dma_semaphore, #tpu.memory_space<semaphore_mem>>
    %dma_wait3A_152 = arith.constant 0 : i32
    %dma_wait3A_153 = tpu.memref_slice %arg7[%dma_wait3A, %dma_wait3A_152] : memref<4x80xi32, #tpu.memory_space<vmem>> -> memref<1x80xi32, #tpu.memory_space<vmem>>
    %dma_wait3A_154 = tpu.memref_squeeze %dma_wait3A_153 : memref<1x80xi32, #tpu.memory_space<vmem>> -> memref<80xi32, #tpu.memory_space<vmem>>
    %dma_wait3A_155 = arith.constant 0 : i32
    %dma_wait3A_156 = tpu.memref_slice %arg3[%dma_wait3A_155] : memref<160000xi32, #tpu.memory_space<hbm>> -> memref<80xi32, #tpu.memory_space<hbm>>
    tpu.wait_dma2 semaphore(%dma_wait3A_151 : memref<!tpu.dma_semaphore, #tpu.memory_space<semaphore_mem>>) src(%dma_wait3A_156 : memref<80xi32, #tpu.memory_space<hbm>>) dst(%dma_wait3A_154 : memref<80xi32, #tpu.memory_space<vmem>>)
    %dma_wait3A_157 = arith.constant 0 : i32
    %dma_wait3A_158 = arith.constant 0 : i32
    %dma_wait3A_159 = arith.constant 0 : i32
    %dma_wait3A_160 = arith.constant 0 : i32
    %dma_wait3A_161 = arith.constant 0 : i32
    %dma_wait3A_162 = tpu.memref_slice %arg8[%dma_wait3A_158, %dma_wait3A_160, %dma_wait3A_161] : memref<4x80x128xf32, #tpu.memory_space<vmem>> -> memref<1x80x128xf32, #tpu.memory_space<vmem>>
    %dma_wait3A_163 = tpu.memref_squeeze %dma_wait3A_162 : memref<1x80x128xf32, #tpu.memory_space<vmem>> -> memref<80x128xf32, #tpu.memory_space<vmem>>
    %dma_wait3A_164 = arith.constant 0 : i32
    %dma_wait3A_165 = arith.constant 0 : i32
    %dma_wait3A_166 = tpu.memref_slice %arg2[%dma_wait3A_157, %dma_wait3A_164, %dma_wait3A_165] : memref<2x160000x128xf32, #tpu.memory_space<hbm>> -> memref<1x80x128xf32, #tpu.memory_space<hbm>>
    %dma_wait3A_167 = tpu.memref_squeeze %dma_wait3A_166 : memref<1x80x128xf32, #tpu.memory_space<hbm>> -> memref<80x128xf32, #tpu.memory_space<hbm>>
    %dma_wait3A_168 = tpu.memref_slice %arg11[%dma_wait3A_159] : memref<4x!tpu.dma_semaphore, #tpu.memory_space<semaphore_mem>> -> memref<1x!tpu.dma_semaphore, #tpu.memory_space<semaphore_mem>>
    %dma_wait3A_169 = tpu.memref_squeeze %dma_wait3A_168 : memref<1x!tpu.dma_semaphore, #tpu.memory_space<semaphore_mem>> -> memref<!tpu.dma_semaphore, #tpu.memory_space<semaphore_mem>>
    %dma_wait3A_170 = arith.constant 0 : i32
    %dma_wait3A_171 = arith.constant 0 : i32
    %dma_wait3A_172 = tpu.memref_slice %arg8[%dma_wait3A_158, %dma_wait3A_170, %dma_wait3A_171] : memref<4x80x128xf32, #tpu.memory_space<vmem>> -> memref<1x80x128xf32, #tpu.memory_space<vmem>>
    %dma_wait3A_173 = tpu.memref_squeeze %dma_wait3A_172 : memref<1x80x128xf32, #tpu.memory_space<vmem>> -> memref<80x128xf32, #tpu.memory_space<vmem>>
    %dma_wait3A_174 = arith.constant 0 : i32
    %dma_wait3A_175 = arith.constant 0 : i32
    %dma_wait3A_176 = tpu.memref_slice %arg2[%dma_wait3A_157, %dma_wait3A_174, %dma_wait3A_175] : memref<2x160000x128xf32, #tpu.memory_space<hbm>> -> memref<1x80x128xf32, #tpu.memory_space<hbm>>
    %dma_wait3A_177 = tpu.memref_squeeze %dma_wait3A_176 : memref<1x80x128xf32, #tpu.memory_space<hbm>> -> memref<80x128xf32, #tpu.memory_space<hbm>>
    tpu.wait_dma2 semaphore(%dma_wait3A_169 : memref<!tpu.dma_semaphore, #tpu.memory_space<semaphore_mem>>) src(%dma_wait3A_177 : memref<80x128xf32, #tpu.memory_space<hbm>>) dst(%dma_wait3A_173 : memref<80x128xf32, #tpu.memory_space<vmem>>)
    %run_scoped3A = arith.constant 0 : i32
    %run_scoped3A_178 = arith.constant 0 : i32
    "tpu.region"() ({
      %run_scoped3A_187 = tpu.sem_alloc : memref<!tpu.dma_semaphore, #tpu.memory_space<semaphore_mem>>
      %dma_start3A_188 = arith.constant 0 : i32
      %dma_start3A_189 = arith.constant 0 : i32
      %dma_start3A_190 = tpu.memref_slice %arg8[%run_scoped3A, %dma_start3A_188, %dma_start3A_189] : memref<4x80x128xf32, #tpu.memory_space<vmem>> -> memref<1x80x128xf32, #tpu.memory_space<vmem>>
      %dma_start3A_191 = tpu.memref_squeeze %dma_start3A_190 : memref<1x80x128xf32, #tpu.memory_space<vmem>> -> memref<80x128xf32, #tpu.memory_space<vmem>>
      %dma_start3A_192 = arith.constant 0 : i32
      %dma_start3A_193 = tpu.memref_slice %arg7[%run_scoped3A_178, %dma_start3A_192] : memref<4x80xi32, #tpu.memory_space<vmem>> -> memref<1x80xi32, #tpu.memory_space<vmem>>
      %dma_start3A_194 = tpu.memref_squeeze %dma_start3A_193 : memref<1x80xi32, #tpu.memory_space<vmem>> -> memref<80xi32, #tpu.memory_space<vmem>>
      %dma_start3A_195 = arith.constant 0 : i32
      %dma_start3A_196 = arith.constant 0 : i32
      %dma_start3A_197 = tpu.memref_slice %arg9[%dma_start3A_195, %dma_start3A_196] : memref<10240x128xf32, #tpu.memory_space<vmem_shared>> -> memref<10240x128xf32, #tpu.memory_space<vmem_shared>>
      tpu.enqueue_indirect_dma source(%dma_start3A_191 : memref<80x128xf32, #tpu.memory_space<vmem>>) target(%dma_start3A_197 : memref<10240x128xf32, #tpu.memory_space<vmem_shared>>) offsets(%dma_start3A_194 : memref<80xi32, #tpu.memory_space<vmem>>) semaphore(%run_scoped3A_187 : memref<!tpu.dma_semaphore, #tpu.memory_space<semaphore_mem>>) {add = true}
      %dma_wait3A_198 = arith.constant 0 : i32
      %dma_wait3A_199 = arith.constant 0 : i32
      %dma_wait3A_200 = tpu.memref_slice %arg8[%run_scoped3A, %dma_wait3A_198, %dma_wait3A_199] : memref<4x80x128xf32, #tpu.memory_space<vmem>> -> memref<1x80x128xf32, #tpu.memory_space<vmem>>
      %dma_wait3A_201 = tpu.memref_squeeze %dma_wait3A_200 : memref<1x80x128xf32, #tpu.memory_space<vmem>> -> memref<80x128xf32, #tpu.memory_space<vmem>>
      %dma_wait3A_202 = arith.constant 0 : i32
      %dma_wait3A_203 = tpu.memref_slice %arg7[%run_scoped3A_178, %dma_wait3A_202] : memref<4x80xi32, #tpu.memory_space<vmem>> -> memref<1x80xi32, #tpu.memory_space<vmem>>
      %dma_wait3A_204 = tpu.memref_squeeze %dma_wait3A_203 : memref<1x80xi32, #tpu.memory_space<vmem>> -> memref<80xi32, #tpu.memory_space<vmem>>
      %dma_wait3A_205 = arith.constant 0 : i32
      %dma_wait3A_206 = arith.constant 0 : i32
      %dma_wait3A_207 = tpu.memref_slice %arg9[%dma_wait3A_205, %dma_wait3A_206] : memref<10240x128xf32, #tpu.memory_space<vmem_shared>> -> memref<10240x128xf32, #tpu.memory_space<vmem_shared>>
      tpu.wait_indirect_dma semaphore(%run_scoped3A_187 : memref<!tpu.dma_semaphore, #tpu.memory_space<semaphore_mem>>) src(%dma_wait3A_201 : memref<80x128xf32, #tpu.memory_space<vmem>>) dst(%dma_wait3A_207 : memref<10240x128xf32, #tpu.memory_space<vmem_shared>>)
      tpu.yield
    }) : () -> ()
    %barrier3A_179 = arith.constant 0 : index
    tpu.barrier barrier_id(%barrier3A_179)
    %eq3A = arith.constant 0 : i32
    %eq3A_180 = arith.cmpi eq, %arg0, %eq3A : i32
    %convert_element_type3A = arith.extui %eq3A_180 : i1 to i32
    %cond3A = arith.constant 0 : i32
    %cond3A_181 = arith.cmpi ne, %convert_element_type3A, %cond3A : i32
    scf.if %cond3A_181 {
      "tpu.region"() ({
        %run_scoped3A_187 = tpu.sem_alloc : memref<!tpu.dma_semaphore, #tpu.memory_space<semaphore_mem>>
        %dma_start3A_188 = arith.constant 0 : i32
        %dma_start3A_189 = tpu.memref_slice %arg5[%mul3A_0, %dma_start3A_188] : memref<10240x128xf32, #tpu.memory_space<hbm>> -> memref<640x128xf32, #tpu.memory_space<hbm>>
        %dma_start3A_190 = arith.constant 0 : i32
        %dma_start3A_191 = tpu.memref_slice %arg9[%mul3A_0, %dma_start3A_190] : memref<10240x128xf32, #tpu.memory_space<vmem_shared>> -> memref<640x128xf32, #tpu.memory_space<vmem_shared>>
        tpu.enqueue_dma source(%dma_start3A_191 : memref<640x128xf32, #tpu.memory_space<vmem_shared>>) target(%dma_start3A_189 : memref<640x128xf32, #tpu.memory_space<hbm>>) target_semaphore(%run_scoped3A_187 : memref<!tpu.dma_semaphore, #tpu.memory_space<semaphore_mem>>)
        %dma_wait3A_192 = arith.constant 0 : i32
        %dma_wait3A_193 = tpu.memref_slice %arg5[%mul3A_0, %dma_wait3A_192] : memref<10240x128xf32, #tpu.memory_space<hbm>> -> memref<640x128xf32, #tpu.memory_space<hbm>>
        %dma_wait3A_194 = arith.constant 0 : i32
        %dma_wait3A_195 = tpu.memref_slice %arg9[%mul3A_0, %dma_wait3A_194] : memref<10240x128xf32, #tpu.memory_space<vmem_shared>> -> memref<640x128xf32, #tpu.memory_space<vmem_shared>>
        tpu.wait_dma2 semaphore(%run_scoped3A_187 : memref<!tpu.dma_semaphore, #tpu.memory_space<semaphore_mem>>) src(%dma_wait3A_195 : memref<640x128xf32, #tpu.memory_space<vmem_shared>>) dst(%dma_wait3A_193 : memref<640x128xf32, #tpu.memory_space<hbm>>)
        tpu.yield
      }) : () -> ()
    } else {
    }
    %eq3A_182 = arith.constant 1 : i32
    %eq3A_183 = arith.cmpi eq, %arg0, %eq3A_182 : i32
    %convert_element_type3A_184 = arith.extui %eq3A_183 : i1 to i32
    %cond3A_185 = arith.constant 0 : i32
    %cond3A_186 = arith.cmpi ne, %convert_element_type3A_184, %cond3A_185 : i32
    scf.if %cond3A_186 {
      "tpu.region"() ({
        %run_scoped3A_187 = tpu.sem_alloc : memref<!tpu.dma_semaphore, #tpu.memory_space<semaphore_mem>>
        %dma_start3A_188 = arith.constant 0 : i32
        %dma_start3A_189 = tpu.memref_slice %arg6[%mul3A_0, %dma_start3A_188] : memref<10240x128xf32, #tpu.memory_space<hbm>> -> memref<640x128xf32, #tpu.memory_space<hbm>>
        %dma_start3A_190 = arith.constant 0 : i32
        %dma_start3A_191 = tpu.memref_slice %arg9[%mul3A_0, %dma_start3A_190] : memref<10240x128xf32, #tpu.memory_space<vmem_shared>> -> memref<640x128xf32, #tpu.memory_space<vmem_shared>>
        tpu.enqueue_dma source(%dma_start3A_191 : memref<640x128xf32, #tpu.memory_space<vmem_shared>>) target(%dma_start3A_189 : memref<640x128xf32, #tpu.memory_space<hbm>>) target_semaphore(%run_scoped3A_187 : memref<!tpu.dma_semaphore, #tpu.memory_space<semaphore_mem>>)
        %dma_wait3A_192 = arith.constant 0 : i32
        %dma_wait3A_193 = tpu.memref_slice %arg6[%mul3A_0, %dma_wait3A_192] : memref<10240x128xf32, #tpu.memory_space<hbm>> -> memref<640x128xf32, #tpu.memory_space<hbm>>
        %dma_wait3A_194 = arith.constant 0 : i32
        %dma_wait3A_195 = tpu.memref_slice %arg9[%mul3A_0, %dma_wait3A_194] : memref<10240x128xf32, #tpu.memory_space<vmem_shared>> -> memref<640x128xf32, #tpu.memory_space<vmem_shared>>
        tpu.wait_dma2 semaphore(%run_scoped3A_187 : memref<!tpu.dma_semaphore, #tpu.memory_space<semaphore_mem>>) src(%dma_wait3A_195 : memref<640x128xf32, #tpu.memory_space<vmem_shared>>) dst(%dma_wait3A_193 : memref<640x128xf32, #tpu.memory_space<hbm>>)
        tpu.yield
      }) : () -> ()
    } else {
    }
    return
  }
}

module attributes {stable_mosaic.version = 14 : i64} {
  func.func @_edge_mlp_body(%arg0: i32, %arg1: memref<16x6400xf32, #tpu.memory_space<vmem>>, %arg2: memref<16x256xf32, #tpu.memory_space<vmem>>, %arg3: memref<1x256xf32, #tpu.memory_space<vmem>>, %arg4: memref<2x6400xi32, #tpu.memory_space<vmem>>, %arg5: memref<2x6400x128xf32, #tpu.memory_space<vmem>>, %arg6: memref<79x128xf32, #tpu.memory_space<vmem>>, %arg7: memref<1x1x6400xi32, #tpu.memory_space<vmem>>, %arg8: memref<79x128xf32, #tpu.memory_space<vmem>>) attributes {dimension_semantics = [#tpu.dimension_semantics<arbitrary>], iteration_bounds = array<i64: 25>, scalar_prefetch = 0 : i64, scratch_operands = 1 : i64, tpu.core_type = #tpu.core_type<tc>, window_params = [{transform_indices = @transform_0, window_bounds = array<i64: 16, 6400>}, {pipeline_mode = #tpu.pipeline_mode<synchronous>, transform_indices = @transform_1, window_bounds = array<i64: 16, 256>}, {pipeline_mode = #tpu.pipeline_mode<synchronous>, transform_indices = @transform_2, window_bounds = array<i64: 1, 256>}, {transform_indices = @transform_3, window_bounds = array<i64: 2, 6400>}, {transform_indices = @transform_4, window_bounds = array<i64: 2, 6400, 128>}, {pipeline_mode = #tpu.pipeline_mode<synchronous>, transform_indices = @transform_5, window_bounds = array<i64: 79, 128>}, {transform_indices = @transform_6, window_bounds = array<i64: 1, 1, 6400>}]} {
    %get3A = arith.constant 0 : index
    %get3A_0 = arith.constant 0 : index
    %get3A_1 = vector.load %arg1[%get3A, %get3A_0] : memref<16x6400xf32, #tpu.memory_space<vmem>>, vector<16x6400xf32>
    %get3A_2 = arith.constant 0 : index
    %get3A_3 = arith.constant 0 : index
    %get3A_4 = vector.load %arg2[%get3A_2, %get3A_3] : memref<16x256xf32, #tpu.memory_space<vmem>>, vector<16x256xf32>
    %dot_general3A = arith.constant dense<0.000000e+00> : vector<6400x256xf32>
    %dot_general3A_5 = tpu.matmul %get3A_1, %get3A_4, %dot_general3A {dimension_numbers = #tpu.dot_dimension_numbers<[0], [0], [1], [1], [0, 1, 1, 1], [], []>, transpose_lhs_hint = false} : vector<16x6400xf32>, vector<16x256xf32>, vector<6400x256xf32> -> vector<6400x256xf32>
    %get3A_6 = arith.constant 0 : index
    %get3A_7 = arith.constant 0 : index
    %get3A_8 = vector.load %arg3[%get3A_6, %get3A_7] : memref<1x256xf32, #tpu.memory_space<vmem>>, vector<1x256xf32>
    %add3A = vector.broadcast %get3A_8 : vector<1x256xf32> to vector<6400x256xf32>
    %add3A_9 = arith.addf %dot_general3A_5, %add3A : vector<6400x256xf32>
    %ge3A = arith.constant 0.000000e+00 : f32
    %ge3A_10 = vector.broadcast %ge3A : f32 to vector<6400x256xf32>
    %ge3A_11 = arith.cmpf oge, %add3A_9, %ge3A_10 : vector<6400x256xf32>
    %mul3A = arith.constant 1.500000e-01 : f32
    %mul3A_12 = vector.broadcast %mul3A : f32 to vector<6400x256xf32>
    %mul3A_13 = arith.mulf %mul3A_12, %add3A_9 : vector<6400x256xf32>
    %select_n3A = arith.select %ge3A_11, %add3A_9, %mul3A_13 : vector<6400x256xi1>, vector<6400x256xf32>
    %slice3A = vector.extract_strided_slice %select_n3A {offsets = [0, 0], sizes = [6400, 128], strides = [1, 1]} : vector<6400x256xf32> to vector<6400x128xf32>
    %swap3A = arith.constant 0 : index
    %swap3A_14 = arith.constant 0 : index
    %swap3A_15 = arith.constant 0 : index
    %swap3A_16 = vector.load %arg5[%swap3A, %swap3A_14, %swap3A_15] : memref<2x6400x128xf32, #tpu.memory_space<vmem>>, vector<1x6400x128xf32>
    %swap3A_17 = vector.shape_cast %swap3A_16 : vector<1x6400x128xf32> to vector<6400x128xf32>
    %swap3A_18 = vector.shape_cast %slice3A : vector<6400x128xf32> to vector<1x6400x128xf32>
    tpu.vector_store %arg5[%swap3A, %swap3A_14, %swap3A_15], %swap3A_18 {strides = array<i32>} : memref<2x6400x128xf32, #tpu.memory_space<vmem>>, vector<1x6400x128xf32>,
    %slice3A_19 = vector.extract_strided_slice %select_n3A {offsets = [0, 128], sizes = [6400, 128], strides = [1, 1]} : vector<6400x256xf32> to vector<6400x128xf32>
    %swap3A_20 = arith.constant 1 : index
    %swap3A_21 = arith.constant 0 : index
    %swap3A_22 = arith.constant 0 : index
    %swap3A_23 = vector.load %arg5[%swap3A_20, %swap3A_21, %swap3A_22] : memref<2x6400x128xf32, #tpu.memory_space<vmem>>, vector<1x6400x128xf32>
    %swap3A_24 = vector.shape_cast %swap3A_23 : vector<1x6400x128xf32> to vector<6400x128xf32>
    %swap3A_25 = vector.shape_cast %slice3A_19 : vector<6400x128xf32> to vector<1x6400x128xf32>
    tpu.vector_store %arg5[%swap3A_20, %swap3A_21, %swap3A_22], %swap3A_25 {strides = array<i32>} : memref<2x6400x128xf32, #tpu.memory_space<vmem>>, vector<1x6400x128xf32>,
    %get3A_26 = arith.constant 1 : index
    %get3A_27 = arith.constant 0 : index
    %get3A_28 = vector.load %arg4[%get3A_26, %get3A_27] : memref<2x6400xi32, #tpu.memory_space<vmem>>, vector<1x6400xi32>
    %get3A_29 = vector.shape_cast %get3A_28 : vector<1x6400xi32> to vector<6400xi32>
    %swap3A_30 = arith.constant 0 : index
    %swap3A_31 = arith.constant 0 : index
    %swap3A_32 = arith.constant 0 : index
    %swap3A_33 = vector.load %arg7[%swap3A_30, %swap3A_31, %swap3A_32] : memref<1x1x6400xi32, #tpu.memory_space<vmem>>, vector<1x1x6400xi32>
    %swap3A_34 = vector.shape_cast %swap3A_33 : vector<1x1x6400xi32> to vector<6400xi32>
    %swap3A_35 = vector.shape_cast %get3A_29 : vector<6400xi32> to vector<1x1x6400xi32>
    tpu.vector_store %arg7[%swap3A_30, %swap3A_31, %swap3A_32], %swap3A_35 {strides = array<i32>} : memref<1x1x6400xi32, #tpu.memory_space<vmem>>, vector<1x1x6400xi32>,
    %shift_right_arithmetic3A = arith.constant 7 : i32
    %shift_right_arithmetic3A_36 = vector.broadcast %shift_right_arithmetic3A : i32 to vector<6400xi32>
    %shift_right_arithmetic3A_37 = arith.shrsi %get3A_29, %shift_right_arithmetic3A_36 : vector<6400xi32>
    %and3A = arith.constant 127 : i32
    %and3A_38 = vector.broadcast %and3A : i32 to vector<6400xi32>
    %and3A_39 = arith.andi %get3A_29, %and3A_38 : vector<6400xi32>
    %broadcast_in_dim3A = vector.shape_cast %shift_right_arithmetic3A_37 : vector<6400xi32> to vector<6400x1xi32>
    %iota3A = tpu.iota {dimensions = array<i32: 1>} : vector<6400x79xi32>
    %eq3A = vector.broadcast %broadcast_in_dim3A : vector<6400x1xi32> to vector<6400x79xi32>
    %eq3A_40 = arith.cmpi eq, %eq3A, %iota3A : vector<6400x79xi32>
    %convert_element_type3A = arith.extui %eq3A_40 : vector<6400x79xi1> to vector<6400x79xi32>
    %convert_element_type3A_41 = arith.sitofp %convert_element_type3A : vector<6400x79xi32> to vector<6400x79xf32>
    %convert_element_type3A_42 = arith.truncf %convert_element_type3A_41 : vector<6400x79xf32> to vector<6400x79xbf16>
    %broadcast_in_dim3A_43 = vector.shape_cast %and3A_39 : vector<6400xi32> to vector<6400x1xi32>
    %iota3A_44 = tpu.iota {dimensions = array<i32: 1>} : vector<6400x128xi32>
    %eq3A_45 = vector.broadcast %broadcast_in_dim3A_43 : vector<6400x1xi32> to vector<6400x128xi32>
    %eq3A_46 = arith.cmpi eq, %eq3A_45, %iota3A_44 : vector<6400x128xi32>
    %convert_element_type3A_47 = arith.extui %eq3A_46 : vector<6400x128xi1> to vector<6400x128xi32>
    %convert_element_type3A_48 = arith.sitofp %convert_element_type3A_47 : vector<6400x128xi32> to vector<6400x128xf32>
    %convert_element_type3A_49 = arith.truncf %convert_element_type3A_48 : vector<6400x128xf32> to vector<6400x128xbf16>
    %eq3A_50 = arith.constant 0 : i32
    %eq3A_51 = arith.cmpi eq, %arg0, %eq3A_50 : i32
    %convert_element_type3A_52 = arith.extui %eq3A_51 : i1 to i32
    %cond3A = arith.constant 0 : i32
    %cond3A_53 = arith.cmpi ne, %convert_element_type3A_52, %cond3A : i32
    scf.if %cond3A_53 {
      %broadcast_in_dim3A_68 = arith.constant 0.000000e+00 : f32
      %broadcast_in_dim3A_69 = vector.broadcast %broadcast_in_dim3A_68 : f32 to vector<79x128xf32>
      %swap3A_70 = arith.constant 0 : index
      %swap3A_71 = arith.constant 0 : index
      %swap3A_72 = vector.load %arg8[%swap3A_70, %swap3A_71] : memref<79x128xf32, #tpu.memory_space<vmem>>, vector<79x128xf32>
      tpu.vector_store %arg8[%swap3A_70, %swap3A_71], %broadcast_in_dim3A_69 {strides = array<i32>} : memref<79x128xf32, #tpu.memory_space<vmem>>, vector<79x128xf32>,
    } else {
    }
    %get3A_54 = arith.constant 0 : index
    %get3A_55 = arith.constant 0 : index
    %get3A_56 = vector.load %arg8[%get3A_54, %get3A_55] : memref<79x128xf32, #tpu.memory_space<vmem>>, vector<79x128xf32>
    %dot_general3A_57 = arith.constant dense<0.000000e+00> : vector<79x128xf32>
    %dot_general3A_58 = tpu.matmul %convert_element_type3A_42, %convert_element_type3A_49, %dot_general3A_57 {dimension_numbers = #tpu.dot_dimension_numbers<[0], [0], [1], [1], [0, 1, 1, 1], [], []>, transpose_lhs_hint = false} : vector<6400x79xbf16>, vector<6400x128xbf16>, vector<79x128xf32> -> vector<79x128xf32>
    %add3A_59 = arith.addf %get3A_56, %dot_general3A_58 : vector<79x128xf32>
    %swap3A_60 = arith.constant 0 : index
    %swap3A_61 = arith.constant 0 : index
    %swap3A_62 = vector.load %arg8[%swap3A_60, %swap3A_61] : memref<79x128xf32, #tpu.memory_space<vmem>>, vector<79x128xf32>
    tpu.vector_store %arg8[%swap3A_60, %swap3A_61], %add3A_59 {strides = array<i32>} : memref<79x128xf32, #tpu.memory_space<vmem>>, vector<79x128xf32>,
    %eq3A_63 = arith.constant 24 : i32
    %eq3A_64 = arith.cmpi eq, %arg0, %eq3A_63 : i32
    %convert_element_type3A_65 = arith.extui %eq3A_64 : i1 to i32
    %cond3A_66 = arith.constant 0 : i32
    %cond3A_67 = arith.cmpi ne, %convert_element_type3A_65, %cond3A_66 : i32
    scf.if %cond3A_67 {
      %get3A_68 = arith.constant 0 : index
      %get3A_69 = arith.constant 0 : index
      %get3A_70 = vector.load %arg8[%get3A_68, %get3A_69] : memref<79x128xf32, #tpu.memory_space<vmem>>, vector<79x128xf32>
      %swap3A_71 = arith.constant 0 : index
      %swap3A_72 = arith.constant 0 : index
      %swap3A_73 = vector.load %arg6[%swap3A_71, %swap3A_72] : memref<79x128xf32, #tpu.memory_space<vmem>>, vector<79x128xf32>
      tpu.vector_store %arg6[%swap3A_71, %swap3A_72], %get3A_70 {strides = array<i32>} : memref<79x128xf32, #tpu.memory_space<vmem>>, vector<79x128xf32>,
    } else {
    }
    return
  }
  func.func @transform_0(%arg0: i32) -> (i32, i32) {
    %add3A = arith.constant 25 : i32
    %add3A_0 = arith.addi %arg0, %add3A : i32
    %c0_i32 = arith.constant 0 : i32
    %c0_i32_1 = arith.constant 0 : i32
    return %c0_i32, %add3A_0 : i32, i32
  }
  func.func @transform_1(%arg0: i32) -> (i32, i32) {
    %c0_i32 = arith.constant 0 : i32
    %c0_i32_0 = arith.constant 0 : i32
    %c0_i32_1 = arith.constant 0 : i32
    return %c0_i32, %c0_i32_0 : i32, i32
  }
  func.func @transform_2(%arg0: i32) -> (i32, i32) {
    %c0_i32 = arith.constant 0 : i32
    %c0_i32_0 = arith.constant 0 : i32
    %c0_i32_1 = arith.constant 0 : i32
    return %c0_i32, %c0_i32_0 : i32, i32
  }
  func.func @transform_3(%arg0: i32) -> (i32, i32) {
    %add3A = arith.constant 25 : i32
    %add3A_0 = arith.addi %arg0, %add3A : i32
    %c0_i32 = arith.constant 0 : i32
    %c0_i32_1 = arith.constant 0 : i32
    return %c0_i32, %add3A_0 : i32, i32
  }
  func.func @transform_4(%arg0: i32) -> (i32, i32, i32) {
    %c0_i32 = arith.constant 0 : i32
    %c0_i32_0 = arith.constant 0 : i32
    %c0_i32_1 = arith.constant 0 : i32
    return %c0_i32, %arg0, %c0_i32_0 : i32, i32, i32
  }
  func.func @transform_5(%arg0: i32) -> (i32, i32) {
    %c0_i32 = arith.constant 0 : i32
    %c0_i32_0 = arith.constant 0 : i32
    %c0_i32_1 = arith.constant 0 : i32
    return %c0_i32, %c0_i32_0 : i32, i32
  }
  func.func @transform_6(%arg0: i32) -> (i32, i32, i32) {
    %c0_i32 = arith.constant 0 : i32
    %c0_i32_0 = arith.constant 0 : i32
    %c0_i32_1 = arith.constant 0 : i32
    return %arg0, %c0_i32, %c0_i32_0 : i32, i32, i32
  }
}

module attributes {stable_mosaic.version = 14 : i64} {
  func.func @_edge_mlp_body(%arg0: i32, %arg1: memref<16x6400xf32, #tpu.memory_space<vmem>>, %arg2: memref<16x256xf32, #tpu.memory_space<vmem>>, %arg3: memref<1x256xf32, #tpu.memory_space<vmem>>, %arg4: memref<2x6400xi32, #tpu.memory_space<vmem>>, %arg5: memref<2x6400x128xf32, #tpu.memory_space<vmem>>, %arg6: memref<79x128xf32, #tpu.memory_space<vmem>>, %arg7: memref<1x1x6400xi32, #tpu.memory_space<vmem>>, %arg8: memref<79x128xf32, #tpu.memory_space<vmem>>) attributes {dimension_semantics = [#tpu.dimension_semantics<arbitrary>], iteration_bounds = array<i64: 25>, scalar_prefetch = 0 : i64, scratch_operands = 1 : i64, tpu.core_type = #tpu.core_type<tc>, window_params = [{transform_indices = @transform_0, window_bounds = array<i64: 16, 6400>}, {pipeline_mode = #tpu.pipeline_mode<synchronous>, transform_indices = @transform_1, window_bounds = array<i64: 16, 256>}, {pipeline_mode = #tpu.pipeline_mode<synchronous>, transform_indices = @transform_2, window_bounds = array<i64: 1, 256>}, {transform_indices = @transform_3, window_bounds = array<i64: 2, 6400>}, {transform_indices = @transform_4, window_bounds = array<i64: 2, 6400, 128>}, {pipeline_mode = #tpu.pipeline_mode<synchronous>, transform_indices = @transform_5, window_bounds = array<i64: 79, 128>}, {transform_indices = @transform_6, window_bounds = array<i64: 1, 1, 6400>}]} {
    %get3A = arith.constant 0 : index
    %get3A_0 = arith.constant 0 : index
    %get3A_1 = vector.load %arg1[%get3A, %get3A_0] : memref<16x6400xf32, #tpu.memory_space<vmem>>, vector<16x6400xf32>
    %get3A_2 = arith.constant 0 : index
    %get3A_3 = arith.constant 0 : index
    %get3A_4 = vector.load %arg2[%get3A_2, %get3A_3] : memref<16x256xf32, #tpu.memory_space<vmem>>, vector<16x256xf32>
    %dot_general3A = arith.constant dense<0.000000e+00> : vector<6400x256xf32>
    %dot_general3A_5 = tpu.matmul %get3A_1, %get3A_4, %dot_general3A {dimension_numbers = #tpu.dot_dimension_numbers<[0], [0], [1], [1], [0, 1, 1, 1], [], []>, transpose_lhs_hint = false} : vector<16x6400xf32>, vector<16x256xf32>, vector<6400x256xf32> -> vector<6400x256xf32>
    %get3A_6 = arith.constant 0 : index
    %get3A_7 = arith.constant 0 : index
    %get3A_8 = vector.load %arg3[%get3A_6, %get3A_7] : memref<1x256xf32, #tpu.memory_space<vmem>>, vector<1x256xf32>
    %add3A = vector.broadcast %get3A_8 : vector<1x256xf32> to vector<6400x256xf32>
    %add3A_9 = arith.addf %dot_general3A_5, %add3A : vector<6400x256xf32>
    %ge3A = arith.constant 0.000000e+00 : f32
    %ge3A_10 = vector.broadcast %ge3A : f32 to vector<6400x256xf32>
    %ge3A_11 = arith.cmpf oge, %add3A_9, %ge3A_10 : vector<6400x256xf32>
    %mul3A = arith.constant 1.500000e-01 : f32
    %mul3A_12 = vector.broadcast %mul3A : f32 to vector<6400x256xf32>
    %mul3A_13 = arith.mulf %mul3A_12, %add3A_9 : vector<6400x256xf32>
    %select_n3A = arith.select %ge3A_11, %add3A_9, %mul3A_13 : vector<6400x256xi1>, vector<6400x256xf32>
    %slice3A = vector.extract_strided_slice %select_n3A {offsets = [0, 0], sizes = [6400, 128], strides = [1, 1]} : vector<6400x256xf32> to vector<6400x128xf32>
    %swap3A = arith.constant 0 : index
    %swap3A_14 = arith.constant 0 : index
    %swap3A_15 = arith.constant 0 : index
    %swap3A_16 = vector.load %arg5[%swap3A, %swap3A_14, %swap3A_15] : memref<2x6400x128xf32, #tpu.memory_space<vmem>>, vector<1x6400x128xf32>
    %swap3A_17 = vector.shape_cast %swap3A_16 : vector<1x6400x128xf32> to vector<6400x128xf32>
    %swap3A_18 = vector.shape_cast %slice3A : vector<6400x128xf32> to vector<1x6400x128xf32>
    tpu.vector_store %arg5[%swap3A, %swap3A_14, %swap3A_15], %swap3A_18 {strides = array<i32>} : memref<2x6400x128xf32, #tpu.memory_space<vmem>>, vector<1x6400x128xf32>,
    %slice3A_19 = vector.extract_strided_slice %select_n3A {offsets = [0, 128], sizes = [6400, 128], strides = [1, 1]} : vector<6400x256xf32> to vector<6400x128xf32>
    %swap3A_20 = arith.constant 1 : index
    %swap3A_21 = arith.constant 0 : index
    %swap3A_22 = arith.constant 0 : index
    %swap3A_23 = vector.load %arg5[%swap3A_20, %swap3A_21, %swap3A_22] : memref<2x6400x128xf32, #tpu.memory_space<vmem>>, vector<1x6400x128xf32>
    %swap3A_24 = vector.shape_cast %swap3A_23 : vector<1x6400x128xf32> to vector<6400x128xf32>
    %swap3A_25 = vector.shape_cast %slice3A_19 : vector<6400x128xf32> to vector<1x6400x128xf32>
    tpu.vector_store %arg5[%swap3A_20, %swap3A_21, %swap3A_22], %swap3A_25 {strides = array<i32>} : memref<2x6400x128xf32, #tpu.memory_space<vmem>>, vector<1x6400x128xf32>,
    %get3A_26 = arith.constant 1 : index
    %get3A_27 = arith.constant 0 : index
    %get3A_28 = vector.load %arg4[%get3A_26, %get3A_27] : memref<2x6400xi32, #tpu.memory_space<vmem>>, vector<1x6400xi32>
    %get3A_29 = vector.shape_cast %get3A_28 : vector<1x6400xi32> to vector<6400xi32>
    %swap3A_30 = arith.constant 0 : index
    %swap3A_31 = arith.constant 0 : index
    %swap3A_32 = arith.constant 0 : index
    %swap3A_33 = vector.load %arg7[%swap3A_30, %swap3A_31, %swap3A_32] : memref<1x1x6400xi32, #tpu.memory_space<vmem>>, vector<1x1x6400xi32>
    %swap3A_34 = vector.shape_cast %swap3A_33 : vector<1x1x6400xi32> to vector<6400xi32>
    %swap3A_35 = vector.shape_cast %get3A_29 : vector<6400xi32> to vector<1x1x6400xi32>
    tpu.vector_store %arg7[%swap3A_30, %swap3A_31, %swap3A_32], %swap3A_35 {strides = array<i32>} : memref<1x1x6400xi32, #tpu.memory_space<vmem>>, vector<1x1x6400xi32>,
    %shift_right_arithmetic3A = arith.constant 7 : i32
    %shift_right_arithmetic3A_36 = vector.broadcast %shift_right_arithmetic3A : i32 to vector<6400xi32>
    %shift_right_arithmetic3A_37 = arith.shrsi %get3A_29, %shift_right_arithmetic3A_36 : vector<6400xi32>
    %and3A = arith.constant 127 : i32
    %and3A_38 = vector.broadcast %and3A : i32 to vector<6400xi32>
    %and3A_39 = arith.andi %get3A_29, %and3A_38 : vector<6400xi32>
    %broadcast_in_dim3A = vector.shape_cast %shift_right_arithmetic3A_37 : vector<6400xi32> to vector<6400x1xi32>
    %iota3A = tpu.iota {dimensions = array<i32: 1>} : vector<6400x79xi32>
    %eq3A = vector.broadcast %broadcast_in_dim3A : vector<6400x1xi32> to vector<6400x79xi32>
    %eq3A_40 = arith.cmpi eq, %eq3A, %iota3A : vector<6400x79xi32>
    %convert_element_type3A = arith.extui %eq3A_40 : vector<6400x79xi1> to vector<6400x79xi32>
    %convert_element_type3A_41 = arith.sitofp %convert_element_type3A : vector<6400x79xi32> to vector<6400x79xf32>
    %convert_element_type3A_42 = arith.truncf %convert_element_type3A_41 : vector<6400x79xf32> to vector<6400x79xbf16>
    %broadcast_in_dim3A_43 = vector.shape_cast %and3A_39 : vector<6400xi32> to vector<6400x1xi32>
    %iota3A_44 = tpu.iota {dimensions = array<i32: 1>} : vector<6400x128xi32>
    %eq3A_45 = vector.broadcast %broadcast_in_dim3A_43 : vector<6400x1xi32> to vector<6400x128xi32>
    %eq3A_46 = arith.cmpi eq, %eq3A_45, %iota3A_44 : vector<6400x128xi32>
    %convert_element_type3A_47 = arith.extui %eq3A_46 : vector<6400x128xi1> to vector<6400x128xi32>
    %convert_element_type3A_48 = arith.sitofp %convert_element_type3A_47 : vector<6400x128xi32> to vector<6400x128xf32>
    %convert_element_type3A_49 = arith.truncf %convert_element_type3A_48 : vector<6400x128xf32> to vector<6400x128xbf16>
    %eq3A_50 = arith.constant 0 : i32
    %eq3A_51 = arith.cmpi eq, %arg0, %eq3A_50 : i32
    %convert_element_type3A_52 = arith.extui %eq3A_51 : i1 to i32
    %cond3A = arith.constant 0 : i32
    %cond3A_53 = arith.cmpi ne, %convert_element_type3A_52, %cond3A : i32
    scf.if %cond3A_53 {
      %broadcast_in_dim3A_68 = arith.constant 0.000000e+00 : f32
      %broadcast_in_dim3A_69 = vector.broadcast %broadcast_in_dim3A_68 : f32 to vector<79x128xf32>
      %swap3A_70 = arith.constant 0 : index
      %swap3A_71 = arith.constant 0 : index
      %swap3A_72 = vector.load %arg8[%swap3A_70, %swap3A_71] : memref<79x128xf32, #tpu.memory_space<vmem>>, vector<79x128xf32>
      tpu.vector_store %arg8[%swap3A_70, %swap3A_71], %broadcast_in_dim3A_69 {strides = array<i32>} : memref<79x128xf32, #tpu.memory_space<vmem>>, vector<79x128xf32>,
    } else {
    }
    %get3A_54 = arith.constant 0 : index
    %get3A_55 = arith.constant 0 : index
    %get3A_56 = vector.load %arg8[%get3A_54, %get3A_55] : memref<79x128xf32, #tpu.memory_space<vmem>>, vector<79x128xf32>
    %dot_general3A_57 = arith.constant dense<0.000000e+00> : vector<79x128xf32>
    %dot_general3A_58 = tpu.matmul %convert_element_type3A_42, %convert_element_type3A_49, %dot_general3A_57 {dimension_numbers = #tpu.dot_dimension_numbers<[0], [0], [1], [1], [0, 1, 1, 1], [], []>, transpose_lhs_hint = false} : vector<6400x79xbf16>, vector<6400x128xbf16>, vector<79x128xf32> -> vector<79x128xf32>
    %add3A_59 = arith.addf %get3A_56, %dot_general3A_58 : vector<79x128xf32>
    %swap3A_60 = arith.constant 0 : index
    %swap3A_61 = arith.constant 0 : index
    %swap3A_62 = vector.load %arg8[%swap3A_60, %swap3A_61] : memref<79x128xf32, #tpu.memory_space<vmem>>, vector<79x128xf32>
    tpu.vector_store %arg8[%swap3A_60, %swap3A_61], %add3A_59 {strides = array<i32>} : memref<79x128xf32, #tpu.memory_space<vmem>>, vector<79x128xf32>,
    %eq3A_63 = arith.constant 24 : i32
    %eq3A_64 = arith.cmpi eq, %arg0, %eq3A_63 : i32
    %convert_element_type3A_65 = arith.extui %eq3A_64 : i1 to i32
    %cond3A_66 = arith.constant 0 : i32
    %cond3A_67 = arith.cmpi ne, %convert_element_type3A_65, %cond3A_66 : i32
    scf.if %cond3A_67 {
      %get3A_68 = arith.constant 0 : index
      %get3A_69 = arith.constant 0 : index
      %get3A_70 = vector.load %arg8[%get3A_68, %get3A_69] : memref<79x128xf32, #tpu.memory_space<vmem>>, vector<79x128xf32>
      %swap3A_71 = arith.constant 0 : index
      %swap3A_72 = arith.constant 0 : index
      %swap3A_73 = vector.load %arg6[%swap3A_71, %swap3A_72] : memref<79x128xf32, #tpu.memory_space<vmem>>, vector<79x128xf32>
      tpu.vector_store %arg6[%swap3A_71, %swap3A_72], %get3A_70 {strides = array<i32>} : memref<79x128xf32, #tpu.memory_space<vmem>>, vector<79x128xf32>,
    } else {
    }
    return
  }
  func.func @transform_0(%arg0: i32) -> (i32, i32) {
    %add3A = arith.constant 0 : i32
    %add3A_0 = arith.addi %arg0, %add3A : i32
    %c0_i32 = arith.constant 0 : i32
    %c0_i32_1 = arith.constant 0 : i32
    return %c0_i32, %add3A_0 : i32, i32
  }
  func.func @transform_1(%arg0: i32) -> (i32, i32) {
    %c0_i32 = arith.constant 0 : i32
    %c0_i32_0 = arith.constant 0 : i32
    %c0_i32_1 = arith.constant 0 : i32
    return %c0_i32, %c0_i32_0 : i32, i32
  }
  func.func @transform_2(%arg0: i32) -> (i32, i32) {
    %c0_i32 = arith.constant 0 : i32
    %c0_i32_0 = arith.constant 0 : i32
    %c0_i32_1 = arith.constant 0 : i32
    return %c0_i32, %c0_i32_0 : i32, i32
  }
  func.func @transform_3(%arg0: i32) -> (i32, i32) {
    %add3A = arith.constant 0 : i32
    %add3A_0 = arith.addi %arg0, %add3A : i32
    %c0_i32 = arith.constant 0 : i32
    %c0_i32_1 = arith.constant 0 : i32
    return %c0_i32, %add3A_0 : i32, i32
  }
  func.func @transform_4(%arg0: i32) -> (i32, i32, i32) {
    %c0_i32 = arith.constant 0 : i32
    %c0_i32_0 = arith.constant 0 : i32
    %c0_i32_1 = arith.constant 0 : i32
    return %c0_i32, %arg0, %c0_i32_0 : i32, i32, i32
  }
  func.func @transform_5(%arg0: i32) -> (i32, i32) {
    %c0_i32 = arith.constant 0 : i32
    %c0_i32_0 = arith.constant 0 : i32
    %c0_i32_1 = arith.constant 0 : i32
    return %c0_i32, %c0_i32_0 : i32, i32
  }
  func.func @transform_6(%arg0: i32) -> (i32, i32, i32) {
    %c0_i32 = arith.constant 0 : i32
    %c0_i32_0 = arith.constant 0 : i32
    %c0_i32_1 = arith.constant 0 : i32
    return %arg0, %c0_i32, %c0_i32_0 : i32, i32, i32
  }
}

module attributes {stable_mosaic.version = 14 : i64} {
  func.func @wrapped(%arg0: i32, %arg1: memref<2000x128xf32, #tpu.memory_space<vmem>>, %arg2: memref<2000x128xf32, #tpu.memory_space<vmem>>, %arg3: memref<2000x128xf32, #tpu.memory_space<vmem>>, %arg4: memref<2000x128xf32, #tpu.memory_space<vmem>>, %arg5: memref<2000x128xf32, #tpu.memory_space<vmem>>, %arg6: memref<2000x1xf32, #tpu.memory_space<vmem>>, %arg7: memref<2000x1xf32, #tpu.memory_space<vmem>>, %arg8: memref<1x1x2000xi32, #tpu.memory_space<vmem>>, %arg9: memref<256x128xf32, #tpu.memory_space<vmem>>, %arg10: memref<1x128xf32, #tpu.memory_space<vmem>>, %arg11: memref<128x128xf32, #tpu.memory_space<vmem>>, %arg12: memref<1x128xf32, #tpu.memory_space<vmem>>, %arg13: memref<256x128xf32, #tpu.memory_space<vmem>>, %arg14: memref<1x128xf32, #tpu.memory_space<vmem>>, %arg15: memref<128x128xf32, #tpu.memory_space<vmem>>, %arg16: memref<1x128xf32, #tpu.memory_space<vmem>>, %arg17: memref<128x64xf32, #tpu.memory_space<vmem>>, %arg18: memref<1x64xf32, #tpu.memory_space<vmem>>, %arg19: memref<128x64xf32, #tpu.memory_space<vmem>>, %arg20: memref<1x64xf32, #tpu.memory_space<vmem>>, %arg21: memref<64x10xf32, #tpu.memory_space<vmem>>, %arg22: memref<10x1xf32, #tpu.memory_space<vmem>>, %arg23: memref<2000x64xf32, #tpu.memory_space<vmem>>, %arg24: memref<2000x64xf32, #tpu.memory_space<vmem>>, %arg25: memref<2000x64xf32, #tpu.memory_space<vmem>>, %arg26: memref<10x64xf32, #tpu.memory_space<vmem>>, %arg27: memref<64x64xf32, #tpu.memory_space<vmem>>, %arg28: memref<8x64xf32, #tpu.memory_space<vmem>>) attributes {dimension_semantics = [#tpu.dimension_semantics<arbitrary>], iteration_bounds = array<i64: 5>, scalar_prefetch = 0 : i64, scratch_operands = 2 : i64, tpu.core_type = #tpu.core_type<tc>, window_params = [{transform_indices = @transform_0, window_bounds = array<i64: 2000, 128>}, {transform_indices = @transform_1, window_bounds = array<i64: 2000, 128>}, {transform_indices = @transform_2, window_bounds = array<i64: 2000, 128>}, {transform_indices = @transform_3, window_bounds = array<i64: 2000, 128>}, {transform_indices = @transform_4, window_bounds = array<i64: 2000, 128>}, {transform_indices = @transform_5, window_bounds = array<i64: 2000, 1>}, {transform_indices = @transform_6, window_bounds = array<i64: 2000, 1>}, {transform_indices = @transform_7, window_bounds = array<i64: 1, 1, 2000>}, {pipeline_mode = #tpu.pipeline_mode<synchronous>, transform_indices = @transform_8, window_bounds = array<i64: 256, 128>}, {pipeline_mode = #tpu.pipeline_mode<synchronous>, transform_indices = @transform_9, window_bounds = array<i64: 1, 128>}, {pipeline_mode = #tpu.pipeline_mode<synchronous>, transform_indices = @transform_10, window_bounds = array<i64: 128, 128>}, {pipeline_mode = #tpu.pipeline_mode<synchronous>, transform_indices = @transform_11, window_bounds = array<i64: 1, 128>}, {pipeline_mode = #tpu.pipeline_mode<synchronous>, transform_indices = @transform_12, window_bounds = array<i64: 256, 128>}, {pipeline_mode = #tpu.pipeline_mode<synchronous>, transform_indices = @transform_13, window_bounds = array<i64: 1, 128>}, {pipeline_mode = #tpu.pipeline_mode<synchronous>, transform_indices = @transform_14, window_bounds = array<i64: 128, 128>}, {pipeline_mode = #tpu.pipeline_mode<synchronous>, transform_indices = @transform_15, window_bounds = array<i64: 1, 128>}, {pipeline_mode = #tpu.pipeline_mode<synchronous>, transform_indices = @transform_16, window_bounds = array<i64: 128, 64>}, {pipeline_mode = #tpu.pipeline_mode<synchronous>, transform_indices = @transform_17, window_bounds = array<i64: 1, 64>}, {pipeline_mode = #tpu.pipeline_mode<synchronous>, transform_indices = @transform_18, window_bounds = array<i64: 128, 64>}, {pipeline_mode = #tpu.pipeline_mode<synchronous>, transform_indices = @transform_19, window_bounds = array<i64: 1, 64>}, {pipeline_mode = #tpu.pipeline_mode<synchronous>, transform_indices = @transform_20, window_bounds = array<i64: 64, 10>}, {pipeline_mode = #tpu.pipeline_mode<synchronous>, transform_indices = @transform_21, window_bounds = array<i64: 10, 1>}, {transform_indices = @transform_22, window_bounds = array<i64: 2000, 64>}, {transform_indices = @transform_23, window_bounds = array<i64: 2000, 64>}, {transform_indices = @transform_24, window_bounds = array<i64: 2000, 64>}, {pipeline_mode = #tpu.pipeline_mode<synchronous>, transform_indices = @transform_25, window_bounds = array<i64: 10, 64>}]} {
    %get3A = arith.constant 0 : index
    %get3A_0 = arith.constant 0 : index
    %get3A_1 = vector.load %arg1[%get3A, %get3A_0] : memref<2000x128xf32, #tpu.memory_space<vmem>>, vector<2000x128xf32>
    %get3A_2 = arith.constant 0 : index
    %get3A_3 = arith.constant 0 : index
    %get3A_4 = vector.load %arg2[%get3A_2, %get3A_3] : memref<2000x128xf32, #tpu.memory_space<vmem>>, vector<2000x128xf32>
    %get3A_5 = arith.constant 0 : index
    %get3A_6 = arith.constant 0 : index
    %get3A_7 = vector.load %arg3[%get3A_5, %get3A_6] : memref<2000x128xf32, #tpu.memory_space<vmem>>, vector<2000x128xf32>
    %add3A = arith.addf %get3A_4, %get3A_7 : vector<2000x128xf32>
    %get3A_8 = arith.constant 0 : index
    %get3A_9 = arith.constant 0 : index
    %get3A_10 = vector.load %arg4[%get3A_8, %get3A_9] : memref<2000x128xf32, #tpu.memory_space<vmem>>, vector<2000x128xf32>
    %get3A_11 = arith.constant 0 : index
    %get3A_12 = arith.constant 0 : index
    %get3A_13 = vector.load %arg5[%get3A_11, %get3A_12] : memref<2000x128xf32, #tpu.memory_space<vmem>>, vector<2000x128xf32>
    %add3A_14 = arith.addf %get3A_10, %get3A_13 : vector<2000x128xf32>
    %get3A_15 = arith.constant 0 : index
    %get3A_16 = arith.constant 0 : index
    %get3A_17 = vector.load %arg6[%get3A_15, %get3A_16] : memref<2000x1xf32, #tpu.memory_space<vmem>>, vector<2000x1xf32>
    %get3A_18 = arith.constant 0 : index
    %get3A_19 = arith.constant 0 : index
    %get3A_20 = vector.load %arg7[%get3A_18, %get3A_19] : memref<2000x1xf32, #tpu.memory_space<vmem>>, vector<2000x1xf32>
    %add3A_21 = arith.addf %get3A_17, %get3A_20 : vector<2000x1xf32>
    %get3A_22 = arith.constant 0 : index
    %get3A_23 = arith.constant 0 : index
    %get3A_24 = vector.load %arg9[%get3A_22, %get3A_23] : memref<256x128xf32, #tpu.memory_space<vmem>>, vector<256x128xf32>
    %slice3A = vector.extract_strided_slice %get3A_24 {offsets = [0, 0], sizes = [128, 128], strides = [1, 1]} : vector<256x128xf32> to vector<128x128xf32>
    %slice3A_25 = vector.extract_strided_slice %get3A_24 {offsets = [128, 0], sizes = [128, 128], strides = [1, 1]} : vector<256x128xf32> to vector<128x128xf32>
    %get3A_26 = arith.constant 0 : index
    %get3A_27 = arith.constant 0 : index
    %get3A_28 = vector.load %arg11[%get3A_26, %get3A_27] : memref<128x128xf32, #tpu.memory_space<vmem>>, vector<128x128xf32>
    %dot_general3A = arith.constant dense<0.000000e+00> : vector<128x128xf32>
    %dot_general3A_29 = tpu.matmul %get3A_28, %slice3A_25, %dot_general3A {dimension_numbers = #tpu.dot_dimension_numbers<[1], [0], [0], [1], [0, 0, 1, 1], [], []>, transpose_lhs_hint = false} : vector<128x128xf32>, vector<128x128xf32>, vector<128x128xf32> -> vector<128x128xf32>
    %get3A_30 = arith.constant 0 : index
    %get3A_31 = arith.constant 0 : index
    %get3A_32 = vector.load %arg12[%get3A_30, %get3A_31] : memref<1x128xf32, #tpu.memory_space<vmem>>, vector<1x128xf32>
    %dot_general3A_33 = arith.constant dense<0.000000e+00> : vector<1x128xf32>
    %dot_general3A_34 = tpu.matmul %get3A_32, %slice3A_25, %dot_general3A_33 {dimension_numbers = #tpu.dot_dimension_numbers<[1], [0], [0], [1], [0, 0, 1, 1], [], []>, transpose_lhs_hint = false} : vector<1x128xf32>, vector<128x128xf32>, vector<1x128xf32> -> vector<1x128xf32>
    %get3A_35 = arith.constant 0 : index
    %get3A_36 = arith.constant 0 : index
    %get3A_37 = vector.load %arg10[%get3A_35, %get3A_36] : memref<1x128xf32, #tpu.memory_space<vmem>>, vector<1x128xf32>
    %add3A_38 = arith.addf %dot_general3A_34, %get3A_37 : vector<1x128xf32>
    %dot_general3A_39 = arith.constant dense<0.000000e+00> : vector<2000x128xf32>
    %dot_general3A_40 = tpu.matmul %get3A_1, %slice3A, %dot_general3A_39 {dimension_numbers = #tpu.dot_dimension_numbers<[1], [0], [0], [1], [0, 0, 1, 1], [], []>, transpose_lhs_hint = false} : vector<2000x128xf32>, vector<128x128xf32>, vector<2000x128xf32> -> vector<2000x128xf32>
    %add3A_41 = vector.broadcast %add3A_38 : vector<1x128xf32> to vector<2000x128xf32>
    %add3A_42 = arith.addf %dot_general3A_40, %add3A_41 : vector<2000x128xf32>
    %mul3A = vector.broadcast %add3A_21 : vector<2000x1xf32> to vector<2000x128xf32>
    %mul3A_43 = arith.mulf %mul3A, %add3A_42 : vector<2000x128xf32>
    %dot_general3A_44 = arith.constant dense<0.000000e+00> : vector<2000x128xf32>
    %dot_general3A_45 = tpu.matmul %add3A, %dot_general3A_29, %dot_general3A_44 {dimension_numbers = #tpu.dot_dimension_numbers<[1], [0], [0], [1], [0, 0, 1, 1], [], []>, transpose_lhs_hint = false} : vector<2000x128xf32>, vector<128x128xf32>, vector<2000x128xf32> -> vector<2000x128xf32>
    %add3A_46 = arith.addf %mul3A_43, %dot_general3A_45 : vector<2000x128xf32>
    %ge3A = arith.constant 0.000000e+00 : f32
    %ge3A_47 = vector.broadcast %ge3A : f32 to vector<2000x128xf32>
    %ge3A_48 = arith.cmpf oge, %add3A_46, %ge3A_47 : vector<2000x128xf32>
    %mul3A_49 = arith.constant 1.500000e-01 : f32
    %mul3A_50 = vector.broadcast %mul3A_49 : f32 to vector<2000x128xf32>
    %mul3A_51 = arith.mulf %mul3A_50, %add3A_46 : vector<2000x128xf32>
    %select_n3A = arith.select %ge3A_48, %add3A_46, %mul3A_51 : vector<2000x128xi1>, vector<2000x128xf32>
    %get3A_52 = arith.constant 0 : index
    %get3A_53 = arith.constant 0 : index
    %get3A_54 = vector.load %arg13[%get3A_52, %get3A_53] : memref<256x128xf32, #tpu.memory_space<vmem>>, vector<256x128xf32>
    %slice3A_55 = vector.extract_strided_slice %get3A_54 {offsets = [0, 0], sizes = [128, 128], strides = [1, 1]} : vector<256x128xf32> to vector<128x128xf32>
    %slice3A_56 = vector.extract_strided_slice %get3A_54 {offsets = [128, 0], sizes = [128, 128], strides = [1, 1]} : vector<256x128xf32> to vector<128x128xf32>
    %get3A_57 = arith.constant 0 : index
    %get3A_58 = arith.constant 0 : index
    %get3A_59 = vector.load %arg15[%get3A_57, %get3A_58] : memref<128x128xf32, #tpu.memory_space<vmem>>, vector<128x128xf32>
    %dot_general3A_60 = arith.constant dense<0.000000e+00> : vector<128x128xf32>
    %dot_general3A_61 = tpu.matmul %get3A_59, %slice3A_56, %dot_general3A_60 {dimension_numbers = #tpu.dot_dimension_numbers<[1], [0], [0], [1], [0, 0, 1, 1], [], []>, transpose_lhs_hint = false} : vector<128x128xf32>, vector<128x128xf32>, vector<128x128xf32> -> vector<128x128xf32>
    %get3A_62 = arith.constant 0 : index
    %get3A_63 = arith.constant 0 : index
    %get3A_64 = vector.load %arg16[%get3A_62, %get3A_63] : memref<1x128xf32, #tpu.memory_space<vmem>>, vector<1x128xf32>
    %dot_general3A_65 = arith.constant dense<0.000000e+00> : vector<1x128xf32>
    %dot_general3A_66 = tpu.matmul %get3A_64, %slice3A_56, %dot_general3A_65 {dimension_numbers = #tpu.dot_dimension_numbers<[1], [0], [0], [1], [0, 0, 1, 1], [], []>, transpose_lhs_hint = false} : vector<1x128xf32>, vector<128x128xf32>, vector<1x128xf32> -> vector<1x128xf32>
    %get3A_67 = arith.constant 0 : index
    %get3A_68 = arith.constant 0 : index
    %get3A_69 = vector.load %arg14[%get3A_67, %get3A_68] : memref<1x128xf32, #tpu.memory_space<vmem>>, vector<1x128xf32>
    %add3A_70 = arith.addf %dot_general3A_66, %get3A_69 : vector<1x128xf32>
    %dot_general3A_71 = arith.constant dense<0.000000e+00> : vector<2000x128xf32>
    %dot_general3A_72 = tpu.matmul %select_n3A, %slice3A_55, %dot_general3A_71 {dimension_numbers = #tpu.dot_dimension_numbers<[1], [0], [0], [1], [0, 0, 1, 1], [], []>, transpose_lhs_hint = false} : vector<2000x128xf32>, vector<128x128xf32>, vector<2000x128xf32> -> vector<2000x128xf32>
    %add3A_73 = vector.broadcast %add3A_70 : vector<1x128xf32> to vector<2000x128xf32>
    %add3A_74 = arith.addf %dot_general3A_72, %add3A_73 : vector<2000x128xf32>
    %mul3A_75 = vector.broadcast %add3A_21 : vector<2000x1xf32> to vector<2000x128xf32>
    %mul3A_76 = arith.mulf %mul3A_75, %add3A_74 : vector<2000x128xf32>
    %dot_general3A_77 = arith.constant dense<0.000000e+00> : vector<2000x128xf32>
    %dot_general3A_78 = tpu.matmul %add3A_14, %dot_general3A_61, %dot_general3A_77 {dimension_numbers = #tpu.dot_dimension_numbers<[1], [0], [0], [1], [0, 0, 1, 1], [], []>, transpose_lhs_hint = false} : vector<2000x128xf32>, vector<128x128xf32>, vector<2000x128xf32> -> vector<2000x128xf32>
    %add3A_79 = arith.addf %mul3A_76, %dot_general3A_78 : vector<2000x128xf32>
    %ge3A_80 = arith.constant 0.000000e+00 : f32
    %ge3A_81 = vector.broadcast %ge3A_80 : f32 to vector<2000x128xf32>
    %ge3A_82 = arith.cmpf oge, %add3A_79, %ge3A_81 : vector<2000x128xf32>
    %mul3A_83 = arith.constant 1.500000e-01 : f32
    %mul3A_84 = vector.broadcast %mul3A_83 : f32 to vector<2000x128xf32>
    %mul3A_85 = arith.mulf %mul3A_84, %add3A_79 : vector<2000x128xf32>
    %select_n3A_86 = arith.select %ge3A_82, %add3A_79, %mul3A_85 : vector<2000x128xi1>, vector<2000x128xf32>
    %get3A_87 = arith.constant 0 : index
    %get3A_88 = arith.constant 0 : index
    %get3A_89 = vector.load %arg17[%get3A_87, %get3A_88] : memref<128x64xf32, #tpu.memory_space<vmem>>, vector<128x64xf32>
    %dot_general3A_90 = arith.constant dense<0.000000e+00> : vector<2000x64xf32>
    %dot_general3A_91 = tpu.matmul %select_n3A_86, %get3A_89, %dot_general3A_90 {dimension_numbers = #tpu.dot_dimension_numbers<[1], [0], [0], [1], [0, 0, 1, 1], [], []>, transpose_lhs_hint = false} : vector<2000x128xf32>, vector<128x64xf32>, vector<2000x64xf32> -> vector<2000x64xf32>
    %get3A_92 = arith.constant 0 : index
    %get3A_93 = arith.constant 0 : index
    %get3A_94 = vector.load %arg18[%get3A_92, %get3A_93] : memref<1x64xf32, #tpu.memory_space<vmem>>, vector<1x64xf32>
    %add3A_95 = vector.broadcast %get3A_94 : vector<1x64xf32> to vector<2000x64xf32>
    %add3A_96 = arith.addf %dot_general3A_91, %add3A_95 : vector<2000x64xf32>
    %get3A_97 = arith.constant 0 : index
    %get3A_98 = arith.constant 0 : index
    %get3A_99 = vector.load %arg19[%get3A_97, %get3A_98] : memref<128x64xf32, #tpu.memory_space<vmem>>, vector<128x64xf32>
    %dot_general3A_100 = arith.constant dense<0.000000e+00> : vector<2000x64xf32>
    %dot_general3A_101 = tpu.matmul %select_n3A_86, %get3A_99, %dot_general3A_100 {dimension_numbers = #tpu.dot_dimension_numbers<[1], [0], [0], [1], [0, 0, 1, 1], [], []>, transpose_lhs_hint = false} : vector<2000x128xf32>, vector<128x64xf32>, vector<2000x64xf32> -> vector<2000x64xf32>
    %get3A_102 = arith.constant 0 : index
    %get3A_103 = arith.constant 0 : index
    %get3A_104 = vector.load %arg20[%get3A_102, %get3A_103] : memref<1x64xf32, #tpu.memory_space<vmem>>, vector<1x64xf32>
    %add3A_105 = vector.broadcast %get3A_104 : vector<1x64xf32> to vector<2000x64xf32>
    %add3A_106 = arith.addf %dot_general3A_101, %add3A_105 : vector<2000x64xf32>
    %swap3A = arith.constant 0 : index
    %swap3A_107 = arith.constant 0 : index
    %swap3A_108 = vector.load %arg23[%swap3A, %swap3A_107] : memref<2000x64xf32, #tpu.memory_space<vmem>>, vector<2000x64xf32>
    tpu.vector_store %arg23[%swap3A, %swap3A_107], %add3A_96 {strides = array<i32>} : memref<2000x64xf32, #tpu.memory_space<vmem>>, vector<2000x64xf32>,
    %swap3A_109 = arith.constant 0 : index
    %swap3A_110 = arith.constant 0 : index
    %swap3A_111 = vector.load %arg24[%swap3A_109, %swap3A_110] : memref<2000x64xf32, #tpu.memory_space<vmem>>, vector<2000x64xf32>
    tpu.vector_store %arg24[%swap3A_109, %swap3A_110], %add3A_96 {strides = array<i32>} : memref<2000x64xf32, #tpu.memory_space<vmem>>, vector<2000x64xf32>,
    %swap3A_112 = arith.constant 0 : index
    %swap3A_113 = arith.constant 0 : index
    %swap3A_114 = vector.load %arg25[%swap3A_112, %swap3A_113] : memref<2000x64xf32, #tpu.memory_space<vmem>>, vector<2000x64xf32>
    tpu.vector_store %arg25[%swap3A_112, %swap3A_113], %add3A_106 {strides = array<i32>} : memref<2000x64xf32, #tpu.memory_space<vmem>>, vector<2000x64xf32>,
    %get3A_115 = arith.constant 0 : index
    %get3A_116 = arith.constant 0 : index
    %get3A_117 = arith.constant 0 : index
    %get3A_118 = vector.load %arg8[%get3A_115, %get3A_116, %get3A_117] : memref<1x1x2000xi32, #tpu.memory_space<vmem>>, vector<1x1x2000xi32>
    %get3A_119 = vector.shape_cast %get3A_118 : vector<1x1x2000xi32> to vector<2000xi32>
    %iota3A = tpu.iota {dimensions = array<i32: 1>} : vector<2000x64xi32>
    %broadcast_in_dim3A = vector.shape_cast %get3A_119 : vector<2000xi32> to vector<2000x1xi32>
    %eq3A = vector.broadcast %broadcast_in_dim3A : vector<2000x1xi32> to vector<2000x64xi32>
    %eq3A_120 = arith.cmpi eq, %eq3A, %iota3A : vector<2000x64xi32>
    %convert_element_type3A = arith.extui %eq3A_120 : vector<2000x64xi1> to vector<2000x64xi32>
    %convert_element_type3A_121 = arith.sitofp %convert_element_type3A : vector<2000x64xi32> to vector<2000x64xf32>
    %eq3A_122 = arith.constant 0 : i32
    %eq3A_123 = arith.cmpi eq, %arg0, %eq3A_122 : i32
    %convert_element_type3A_124 = arith.extui %eq3A_123 : i1 to i32
    %cond3A = arith.constant 0 : i32
    %cond3A_125 = arith.cmpi ne, %convert_element_type3A_124, %cond3A : i32
    scf.if %cond3A_125 {
      %broadcast_in_dim3A_151 = arith.constant 0.000000e+00 : f32
      %broadcast_in_dim3A_152 = vector.broadcast %broadcast_in_dim3A_151 : f32 to vector<64x64xf32>
      %swap3A_153 = arith.constant 0 : index
      %swap3A_154 = arith.constant 0 : index
      %swap3A_155 = vector.load %arg27[%swap3A_153, %swap3A_154] : memref<64x64xf32, #tpu.memory_space<vmem>>, vector<64x64xf32>
      tpu.vector_store %arg27[%swap3A_153, %swap3A_154], %broadcast_in_dim3A_152 {strides = array<i32>} : memref<64x64xf32, #tpu.memory_space<vmem>>, vector<64x64xf32>,
      %broadcast_in_dim3A_156 = arith.constant 0.000000e+00 : f32
      %broadcast_in_dim3A_157 = vector.broadcast %broadcast_in_dim3A_156 : f32 to vector<8x64xf32>
      %swap3A_158 = arith.constant 0 : index
      %swap3A_159 = arith.constant 0 : index
      %swap3A_160 = vector.load %arg28[%swap3A_158, %swap3A_159] : memref<8x64xf32, #tpu.memory_space<vmem>>, vector<8x64xf32>
      tpu.vector_store %arg28[%swap3A_158, %swap3A_159], %broadcast_in_dim3A_157 {strides = array<i32>} : memref<8x64xf32, #tpu.memory_space<vmem>>, vector<8x64xf32>,
    } else {
    }
    %get3A_126 = arith.constant 0 : index
    %get3A_127 = arith.constant 0 : index
    %get3A_128 = vector.load %arg27[%get3A_126, %get3A_127] : memref<64x64xf32, #tpu.memory_space<vmem>>, vector<64x64xf32>
    %dot_general3A_129 = arith.constant dense<0.000000e+00> : vector<64x64xf32>
    %dot_general3A_130 = tpu.matmul %add3A_96, %convert_element_type3A_121, %dot_general3A_129 {dimension_numbers = #tpu.dot_dimension_numbers<[0], [0], [1], [1], [0, 1, 1, 1], [], []>, transpose_lhs_hint = false} : vector<2000x64xf32>, vector<2000x64xf32>, vector<64x64xf32> -> vector<64x64xf32>
    %add3A_131 = arith.addf %get3A_128, %dot_general3A_130 : vector<64x64xf32>
    %swap3A_132 = arith.constant 0 : index
    %swap3A_133 = arith.constant 0 : index
    %swap3A_134 = vector.load %arg27[%swap3A_132, %swap3A_133] : memref<64x64xf32, #tpu.memory_space<vmem>>, vector<64x64xf32>
    tpu.vector_store %arg27[%swap3A_132, %swap3A_133], %add3A_131 {strides = array<i32>} : memref<64x64xf32, #tpu.memory_space<vmem>>, vector<64x64xf32>,
    %get3A_135 = arith.constant 0 : index
    %get3A_136 = arith.constant 0 : index
    %get3A_137 = vector.load %arg28[%get3A_135, %get3A_136] : memref<8x64xf32, #tpu.memory_space<vmem>>, vector<8x64xf32>
    %broadcast_in_dim3A_138 = arith.constant 1.000000e+00 : f32
    %broadcast_in_dim3A_139 = vector.broadcast %broadcast_in_dim3A_138 : f32 to vector<2000x8xf32>
    %dot_general3A_140 = arith.constant dense<0.000000e+00> : vector<8x64xf32>
    %dot_general3A_141 = tpu.matmul %broadcast_in_dim3A_139, %convert_element_type3A_121, %dot_general3A_140 {dimension_numbers = #tpu.dot_dimension_numbers<[0], [0], [1], [1], [0, 1, 1, 1], [], []>, transpose_lhs_hint = false} : vector<2000x8xf32>, vector<2000x64xf32>, vector<8x64xf32> -> vector<8x64xf32>
    %add3A_142 = arith.addf %get3A_137, %dot_general3A_141 : vector<8x64xf32>
    %swap3A_143 = arith.constant 0 : index
    %swap3A_144 = arith.constant 0 : index
    %swap3A_145 = vector.load %arg28[%swap3A_143, %swap3A_144] : memref<8x64xf32, #tpu.memory_space<vmem>>, vector<8x64xf32>
    tpu.vector_store %arg28[%swap3A_143, %swap3A_144], %add3A_142 {strides = array<i32>} : memref<8x64xf32, #tpu.memory_space<vmem>>, vector<8x64xf32>,
    %eq3A_146 = arith.constant 4 : i32
    %eq3A_147 = arith.cmpi eq, %arg0, %eq3A_146 : i32
    %convert_element_type3A_148 = arith.extui %eq3A_147 : i1 to i32
    %cond3A_149 = arith.constant 0 : i32
    %cond3A_150 = arith.cmpi ne, %convert_element_type3A_148, %cond3A_149 : i32
    scf.if %cond3A_150 {
      %get3A_151 = arith.constant 0 : index
      %get3A_152 = arith.constant 0 : index
      %get3A_153 = vector.load %arg28[%get3A_151, %get3A_152] : memref<8x64xf32, #tpu.memory_space<vmem>>, vector<1x64xf32>
      %max3A = arith.constant 1.000000e+00 : f32
      %max3A_154 = vector.broadcast %max3A : f32 to vector<1x64xf32>
      %max3A_155 = arith.maximumf %get3A_153, %max3A_154 : vector<1x64xf32>
      %get3A_156 = arith.constant 0 : index
      %get3A_157 = arith.constant 0 : index
      %get3A_158 = vector.load %arg27[%get3A_156, %get3A_157] : memref<64x64xf32, #tpu.memory_space<vmem>>, vector<64x64xf32>
      %div3A = vector.broadcast %max3A_155 : vector<1x64xf32> to vector<64x64xf32>
      %div3A_159 = arith.divf %get3A_158, %div3A : vector<64x64xf32>
      %get3A_160 = arith.constant 0 : index
      %get3A_161 = arith.constant 0 : index
      %get3A_162 = vector.load %arg21[%get3A_160, %get3A_161] : memref<64x10xf32, #tpu.memory_space<vmem>>, vector<64x10xf32>
      %dot_general3A_163 = arith.constant dense<0.000000e+00> : vector<10x64xf32>
      %dot_general3A_164 = tpu.matmul %get3A_162, %div3A_159, %dot_general3A_163 {dimension_numbers = #tpu.dot_dimension_numbers<[0], [0], [1], [1], [0, 1, 1, 1], [], []>, transpose_lhs_hint = false} : vector<64x10xf32>, vector<64x64xf32>, vector<10x64xf32> -> vector<10x64xf32>
      %get3A_165 = arith.constant 0 : index
      %get3A_166 = arith.constant 0 : index
      %get3A_167 = vector.load %arg22[%get3A_165, %get3A_166] : memref<10x1xf32, #tpu.memory_space<vmem>>, vector<10x1xf32>
      %add3A_168 = vector.broadcast %get3A_167 : vector<10x1xf32> to vector<10x64xf32>
      %add3A_169 = arith.addf %dot_general3A_164, %add3A_168 : vector<10x64xf32>
      %swap3A_170 = arith.constant 0 : index
      %swap3A_171 = arith.constant 0 : index
      %swap3A_172 = vector.load %arg26[%swap3A_170, %swap3A_171] : memref<10x64xf32, #tpu.memory_space<vmem>>, vector<10x64xf32>
      tpu.vector_store %arg26[%swap3A_170, %swap3A_171], %add3A_169 {strides = array<i32>} : memref<10x64xf32, #tpu.memory_space<vmem>>, vector<10x64xf32>,
    } else {
    }
    return
  }
  func.func @transform_0(%arg0: i32) -> (i32, i32) {
    %c0_i32 = arith.constant 0 : i32
    %c0_i32_0 = arith.constant 0 : i32
    return %arg0, %c0_i32 : i32, i32
  }
  func.func @transform_1(%arg0: i32) -> (i32, i32) {
    %c0_i32 = arith.constant 0 : i32
    %c0_i32_0 = arith.constant 0 : i32
    return %arg0, %c0_i32 : i32, i32
  }
  func.func @transform_2(%arg0: i32) -> (i32, i32) {
    %c0_i32 = arith.constant 0 : i32
    %c0_i32_0 = arith.constant 0 : i32
    return %arg0, %c0_i32 : i32, i32
  }
  func.func @transform_3(%arg0: i32) -> (i32, i32) {
    %c0_i32 = arith.constant 0 : i32
    %c0_i32_0 = arith.constant 0 : i32
    return %arg0, %c0_i32 : i32, i32
  }
  func.func @transform_4(%arg0: i32) -> (i32, i32) {
    %c0_i32 = arith.constant 0 : i32
    %c0_i32_0 = arith.constant 0 : i32
    return %arg0, %c0_i32 : i32, i32
  }
  func.func @transform_5(%arg0: i32) -> (i32, i32) {
    %c0_i32 = arith.constant 0 : i32
    %c0_i32_0 = arith.constant 0 : i32
    return %arg0, %c0_i32 : i32, i32
  }
  func.func @transform_6(%arg0: i32) -> (i32, i32) {
    %c0_i32 = arith.constant 0 : i32
    %c0_i32_0 = arith.constant 0 : i32
    return %arg0, %c0_i32 : i32, i32
  }
  func.func @transform_7(%arg0: i32) -> (i32, i32, i32) {
    %c0_i32 = arith.constant 0 : i32
    %c0_i32_0 = arith.constant 0 : i32
    %c0_i32_1 = arith.constant 0 : i32
    return %arg0, %c0_i32, %c0_i32_0 : i32, i32, i32
  }
  func.func @transform_8(%arg0: i32) -> (i32, i32) {
    %c0_i32 = arith.constant 0 : i32
    %c0_i32_0 = arith.constant 0 : i32
    %c0_i32_1 = arith.constant 0 : i32
    return %c0_i32, %c0_i32_0 : i32, i32
  }
  func.func @transform_9(%arg0: i32) -> (i32, i32) {
    %c0_i32 = arith.constant 0 : i32
    %c0_i32_0 = arith.constant 0 : i32
    %c0_i32_1 = arith.constant 0 : i32
    return %c0_i32, %c0_i32_0 : i32, i32
  }
  func.func @transform_10(%arg0: i32) -> (i32, i32) {
    %c0_i32 = arith.constant 0 : i32
    %c0_i32_0 = arith.constant 0 : i32
    %c0_i32_1 = arith.constant 0 : i32
    return %c0_i32, %c0_i32_0 : i32, i32
  }
  func.func @transform_11(%arg0: i32) -> (i32, i32) {
    %c0_i32 = arith.constant 0 : i32
    %c0_i32_0 = arith.constant 0 : i32
    %c0_i32_1 = arith.constant 0 : i32
    return %c0_i32, %c0_i32_0 : i32, i32
  }
  func.func @transform_12(%arg0: i32) -> (i32, i32) {
    %c0_i32 = arith.constant 0 : i32
    %c0_i32_0 = arith.constant 0 : i32
    %c0_i32_1 = arith.constant 0 : i32
    return %c0_i32, %c0_i32_0 : i32, i32
  }
  func.func @transform_13(%arg0: i32) -> (i32, i32) {
    %c0_i32 = arith.constant 0 : i32
    %c0_i32_0 = arith.constant 0 : i32
    %c0_i32_1 = arith.constant 0 : i32
    return %c0_i32, %c0_i32_0 : i32, i32
  }
  func.func @transform_14(%arg0: i32) -> (i32, i32) {
    %c0_i32 = arith.constant 0 : i32
    %c0_i32_0 = arith.constant 0 : i32
    %c0_i32_1 = arith.constant 0 : i32
    return %c0_i32, %c0_i32_0 : i32, i32
  }
  func.func @transform_15(%arg0: i32) -> (i32, i32) {
    %c0_i32 = arith.constant 0 : i32
    %c0_i32_0 = arith.constant 0 : i32
    %c0_i32_1 = arith.constant 0 : i32
    return %c0_i32, %c0_i32_0 : i32, i32
  }
  func.func @transform_16(%arg0: i32) -> (i32, i32) {
    %c0_i32 = arith.constant 0 : i32
    %c0_i32_0 = arith.constant 0 : i32
    %c0_i32_1 = arith.constant 0 : i32
    return %c0_i32, %c0_i32_0 : i32, i32
  }
  func.func @transform_17(%arg0: i32) -> (i32, i32) {
    %c0_i32 = arith.constant 0 : i32
    %c0_i32_0 = arith.constant 0 : i32
    %c0_i32_1 = arith.constant 0 : i32
    return %c0_i32, %c0_i32_0 : i32, i32
  }
  func.func @transform_18(%arg0: i32) -> (i32, i32) {
    %c0_i32 = arith.constant 0 : i32
    %c0_i32_0 = arith.constant 0 : i32
    %c0_i32_1 = arith.constant 0 : i32
    return %c0_i32, %c0_i32_0 : i32, i32
  }
  func.func @transform_19(%arg0: i32) -> (i32, i32) {
    %c0_i32 = arith.constant 0 : i32
    %c0_i32_0 = arith.constant 0 : i32
    %c0_i32_1 = arith.constant 0 : i32
    return %c0_i32, %c0_i32_0 : i32, i32
  }
  func.func @transform_20(%arg0: i32) -> (i32, i32) {
    %c0_i32 = arith.constant 0 : i32
    %c0_i32_0 = arith.constant 0 : i32
    %c0_i32_1 = arith.constant 0 : i32
    return %c0_i32, %c0_i32_0 : i32, i32
  }
  func.func @transform_21(%arg0: i32) -> (i32, i32) {
    %c0_i32 = arith.constant 0 : i32
    %c0_i32_0 = arith.constant 0 : i32
    %c0_i32_1 = arith.constant 0 : i32
    return %c0_i32, %c0_i32_0 : i32, i32
  }
  func.func @transform_22(%arg0: i32) -> (i32, i32) {
    %c0_i32 = arith.constant 0 : i32
    %c0_i32_0 = arith.constant 0 : i32
    return %arg0, %c0_i32 : i32, i32
  }
  func.func @transform_23(%arg0: i32) -> (i32, i32) {
    %c0_i32 = arith.constant 0 : i32
    %c0_i32_0 = arith.constant 0 : i32
    return %arg0, %c0_i32 : i32, i32
  }
  func.func @transform_24(%arg0: i32) -> (i32, i32) {
    %c0_i32 = arith.constant 0 : i32
    %c0_i32_0 = arith.constant 0 : i32
    return %arg0, %c0_i32 : i32, i32
  }
  func.func @transform_25(%arg0: i32) -> (i32, i32) {
    %c0_i32 = arith.constant 0 : i32
    %c0_i32_0 = arith.constant 0 : i32
    %c0_i32_1 = arith.constant 0 : i32
    return %c0_i32, %c0_i32_0 : i32, i32
  }
}

</mosaic_0001>

<sc_bundles>
// kernel: kernel.10.cloned.1.call-start
scs
__scs_entry_jumppad:
0x0: {  	(pc) =	sbr.rel $0x88, $3  }
0x1: {  	(tag) =	ssettag $0x0;
	lr =	simm.s32 $0x1  }
0x2: {  	[smem:$0x3F8B] =	sst lr;
	_ =	strace $0xD0000000  }
0x3: {  	_ = 	snop  }
0x4: {  	_ = 	snop  }
0x5: {  	_ = 	snop  }
0x6: {  	_ = 	snop  }
0x7: {  	_ = 	snop  }
__scs_overlays_trampoline_lowered:
0x8: {  	[smem:$0x3F9A] =	sst s0  }
0x9: {  	[smem:$0x3F9B] =	sst s1  }
0xa: {  	[smem:$0x3F9C] =	sst s2  }
0xb: {  	[smem:$0x3F9D] =	sst s3  }
0xc: {  	[smem:$0x3F9E] =	sst s4  }
0xd: {  	[smem:$0x3F9F] =	sst s5  }
0xe: {  	[smem:$0x3FA0] =	sst s6  }
0xf: {  	[smem:$0x3FA1] =	sst s7  }
0x10: {  	[smem:$0x3FA2] =	sst s8  }
0x11: {  	[smem:$0x3FA3] =	sst s9;
	s0 =	simm.s32 @!p0 $0x0  }
0x12: {  	s1 =	sld [smem:$0x3F89];
	s0 =	simm.s32 @p0 $0x1  }
0x13: {  	[smem:$0x3FA4] =	sst s0;
	s0 =	simm.s32 @!p1 $0x0  }
0x14: {  	s2 =	sld [smem:$0x3F88];
	s0 =	simm.s32 @p1 $0x1  }
0x15: {  	[smem:$0x3FA5] =	sst s0;
	s0 =	simm.s32 @!p2 $0x0  }
0x16: {  	s3 =	sld [smem:$0x3FDB];
	s0 =	simm.s32 @p2 $0x1  }
0x17: {  	s4 =	simm.s32 $0x1BF5;
	[smem:$0x3FA7] =	sst s0  }
0x18: {  	s0 =	sld [smem:$0x3F8A];
	_ =	swait.ge [sflag:s4], $0x0  }
0x19: {  	s7 =	sld [smem:$0x3F8B]  }
0x1a: {  	s8 =	sadd.s32 $0xFFFFE003, lr  }
0x1b: {  	s9 =	sadd.s32 $0xFFFFFEF7, lr;
	s5 =	simm.s32 $0xFFFFFFFF;
	p2 =	slt.u32 s8, $0xFFFFF086  }
0x1c: {  	p1 =	slt.u32 s9, $0xF7A;
	s5 =	simm.s32 @!p2 $0x0  }
0x1d: {  	s5 =	simm.s32 @p1 $0x1;
	p0 =	seq.s32 s7, s2  }
0x1e: {  	s7 =	smul.u32 @!p0 $0xF7A, s2;
	p2 =	seq.s32 @!p0 s5, $0x0  }
0x1f: {  	s9 =	smul.u32 $0xF7A, s1;
	s8 =	simm.s32 @!p0 $0x1BF5;
	p2 =	por !p2, p0  }
0x20: {  	[sflag:s8] =	ssyncset.s32 @!p0 $0xFFFFF086;
	s6 =	sadd.s32 @!p0 s3, s7;
	s7 =	simm.s32 @!p0 $0x108  }
0x21: {  	s3 =	sadd.s32 s3, s9;
	s6 =	sadd.s32 @!p0 $0x88, s6;
	s7 =	simm.s32 @p2 $0x1082  }
0x22: {  	[simem:s7], [sflag:s8] =	dma.local @!p0 [hbm:s6], $0xF7A  }
0x23: {  	s9 =	sor.u32 $0xD0000000, s2;
	s6 =	simm.s32 $0x108;
	_ =	swait.ge @!p0 [sflag:s8], $0x0  }
0x24: {  	s3 =	sadd.s32 $0x88, s3;
	s6 =	simm.s32 @!p1 $0x1082;
	[sflag:s4] =	ssyncset.s32 $0xFFFFF086  }
0x25: {  	[simem:s6], [sflag:s4] =	dma.local [hbm:s3], $0xF7A  }
0x26: {  	[smem:$0x3F8B] =	sst s1;
	(tag) =	ssettag s2;
	_ =	strace s9  }
0x27: {  	s1 =	sld [smem:$0x3F9B]  }
0x28: {  	s2 =	sld [smem:$0x3F9C]  }
0x29: {  	s4 =	sld [smem:$0x3F9E]  }
0x2a: {  	p0 =	seq.s32 s5, $0x0;
	s5 =	sld [smem:$0x3F9F]  }
0x2b: {  	s6 =	sld [smem:$0x3FA0]  }
0x2c: {  	s7 =	sld [smem:$0x3FA1]  }
0x2d: {  	s3 =	simm.s32 $0x108;
	s8 =	sld [smem:$0x3FA2]  }
0x2e: {  	s3 =	simm.s32 @!p0 $0x1082;
	s9 =	sld [smem:$0x3FA3]  }
0x2f: {  	lr =	sadd.s32 s0, s3;
	s0 =	sld [smem:$0x3F9A]  }
0x30: {  	s3 =	sld [smem:$0x3F9D]  }
0x31: {  	[smem:$0x3FA6] =	sst s10  }
0x32: {  	s10 =	sld [smem:$0x3FA4];
	_ =	sdelay $0x3  }
0x33: {  	p0 =	seq.s32 s10, $0x1;
	s10 =	sld [smem:$0x3FA6];
	_ =	sdelay $0x3  }
0x34: {  	[smem:$0x3FA6] =	sst s10  }
0x35: {  	s10 =	sld [smem:$0x3FA5];
	_ =	sdelay $0x3  }
0x36: {  	p1 =	seq.s32 s10, $0x1;
	s10 =	sld [smem:$0x3FA6];
	_ =	sdelay $0x3  }
0x37: {  	[smem:$0x3FA6] =	sst s10  }
0x38: {  	s10 =	sld [smem:$0x3FA7]  }
0x39: {  	_ = 	snop;
	(pc) =	sbr.ind lr, $3  }
0x3a: {  	_ = 	snop  }
0x3b: {  	_ = 	snop  }
0x3c: {  	p2 =	seq.s32 s10, $0x1;
	s10 =	sld [smem:$0x3FA6]  }
0x3d: {  	_ =	shalt  }
0x3e: {  	_ =	shalt  }
0x3f: {  	_ =	shalt  }
0x40: {  	_ =	shalt  }
0x41: {  	_ =	shalt  }
0x42: {  	_ =	shalt  }
0x43: {  	_ =	shalt  }
0x44: {  	_ =	shalt  }
0x45: {  	_ =	shalt  }
0x46: {  	_ =	shalt  }
0x47: {  	_ =	shalt  }
0x48: {  	_ =	shalt  }
0x49: {  	_ =	shalt  }
0x4a: {  	_ =	shalt  }
0x4b: {  	_ =	shalt  }
0x4c: {  	_ =	shalt  }
0x4d: {  	_ =	shalt  }
0x4e: {  	_ =	shalt  }
0x4f: {  	_ =	shalt  }
0x50: {  	_ =	shalt  }
0x51: {  	_ =	shalt  }
0x52: {  	_ =	shalt  }
0x53: {  	_ =	shalt  }
0x54: {  	_ =	shalt  }
0x55: {  	_ =	shalt  }
0x56: {  	_ =	shalt  }
0x57: {  	_ =	shalt  }
0x58: {  	_ =	shalt  }
0x59: {  	_ =	shalt  }
0x5a: {  	_ =	shalt  }
0x5b: {  	_ =	shalt  }
0x5c: {  	_ =	shalt  }
0x5d: {  	_ =	shalt  }
0x5e: {  	_ =	shalt  }
0x5f: {  	_ =	shalt  }
0x60: {  	_ =	shalt  }
0x61: {  	_ =	shalt  }
0x62: {  	_ =	shalt  }
0x63: {  	_ =	shalt  }
0x64: {  	_ =	shalt  }
0x65: {  	_ =	shalt  }
0x66: {  	_ =	shalt  }
0x67: {  	_ =	shalt  }
0x68: {  	_ =	shalt  }
0x69: {  	_ =	shalt  }
0x6a: {  	_ =	shalt  }
0x6b: {  	_ =	shalt  }
0x6c: {  	_ =	shalt  }
0x6d: {  	_ =	shalt  }
0x6e: {  	_ =	shalt  }
0x6f: {  	_ =	shalt  }
0x70: {  	_ =	shalt  }
0x71: {  	_ =	shalt  }
0x72: {  	_ =	shalt  }
0x73: {  	_ =	shalt  }
0x74: {  	_ =	shalt  }
0x75: {  	_ =	shalt  }
0x76: {  	_ =	shalt  }
0x77: {  	_ =	shalt  }
0x78: {  	_ =	shalt  }
0x79: {  	_ =	shalt  }
0x7a: {  	_ =	shalt  }
0x7b: {  	_ =	shalt  }
0x7c: {  	_ =	shalt  }
0x7d: {  	_ =	shalt  }
0x7e: {  	_ =	shalt  }
0x7f: {  	_ =	shalt  }
0x80: {  	_ =	shalt  }
0x81: {  	_ =	shalt  }
0x82: {  	_ =	shalt  }
0x83: {  	_ =	shalt  }
0x84: {  	_ =	shalt  }
0x85: {  	_ =	shalt  }
0x86: {  	_ =	shalt  }
0x87: {  	_ =	shalt  }
.Lfunc_end0:
.L_simem_size_0:
called_computation.1_lowered:
.L_overlay_start_0:
0x88: {  	s2 =	sld [smem:$0x3FD9]  }
0x89: {  	s3 =	sld [smem:$0x3FFE];
	_ =	sdelay $0x1  }
0x8a: {  	s1 =	srdreg.scid  }
0x8b: {  	s0 =	sand.u32 $0x1, s1  }
0x8c: {  	s14 =	sshll.u32 s0, $0xA;
	s2 =	sadd.s32 s3, s2  }
0x8d: {  	s2 =	sadd.s32 s2, s14  }
0x8e: {  	[smem:$0x3FB2] =	sst s2  }
0x8f: {  	_ = 	snop  }
0x90: {  	s2 =	sld [smem:$0x3FD0];
	_ =	sdelay $0x2  }
0x91: {  	s15 =	simm.s32 $0xB;
	s4 =	simm.s32 $0x10  }
0x92: {  	[smem:s4], [sflag:s15] =	dma.local [hbm:s2], $0x1  }
0x93: {  	_ =	swait.eq [sflag:s15], $0x1  }
0x94: {  	[sflag:s15] =	ssyncset.done $0x0  }
0x95: {  	[sflag:s15] =	ssyncadd.s32 $0xFFFFFFFF  }
0x96: {  	s16 =	sld [smem:$0x11];
	(tm) =	ssettm $0x1  }
0x97: {  	s17 =	sld [smem:$0x3FFB];
	_ =	sdelay $0x3  }
0x98: {  	_ =	strace s17  }
0x99: {  	s3 =	sld [smem:$0x3FFC];
	_ =	sdelay $0x3  }
0x9a: {  	_ =	strace s3  }
0x9b: {  	s3 =	sld [smem:$0x3FFD];
	_ =	sdelay $0x3  }
0x9c: {  	_ =	strace s3  }
0x9d: {  	_ =	strace $0x8FFFFFFF  }
0x9e: {  	s18 =	sld [smem:$0x3FDB];
	_ =	sdelay $0x1  }
0x9f: {  	s19 =	simm.s32 $_scs_section_size  }
0xa0: {  	s5 =	simm.s32 $_size__tile_overlayer_lowered;
	s6 =	simm.s32 $_tile_overlayer_lowered  }
0xa1: {  	s22 =	simm.s32 $0x1BFF;
	s21 =	sshll.u32 s6, $0x1;
	s3 =	sadd.s32 s19, s18  }
0xa2: {  	s7 =	simm.s32 $0x0;
	s20 =	sshll.u32 s5, $0x1;
	s5 =	sadd.s32 s21, s3  }
0xa3: {  	[timem:s7], [sflag:s22] =	dma.local [hbm:s5], s20  }
0xa4: {  	_ =	swait.ge [sflag:s22], s20  }
0xa5: {  	s4 =	ssub.s32 $0x0, s20;
	[sflag:s22] =	ssyncset.done $0x0  }
0xa6: {  	[sflag:s22] =	ssyncadd.s32 s4;
	_ =	sdelay $0x1  }
0xa7: {  	s23 =	simm.s32 $0x1B8B  }
0xa8: {  	_ =	swait.ge [sflag:s23], $0x1  }
0xa9: {  	[sflag:s23] =	ssyncset.done $0x0  }
0xaa: {  	s25 =	simm.s32 $0x1B8E;
	s24 =	sld [smem:$0x3FFE];
	[sflag:s23] =	ssyncadd.s32 $0xFFFFFFFF  }
0xab: {  	s26 =	simm.s32 $execute0_lowered;
	[smem:$0x3FD2] =	sst s25  }
0xac: {  	s5 =	sshll.u32 s26, $0x1;
	_ =	strace $0x80000046;
	[dreg:$0x1] =	wrdreg $0xFFFFFFFF  }
0xad: {  	s28 =	simm.s32 $_size_execute0_lowered;
	s3 =	sadd.s32 s3, s5;
	[dreg:$0x0] =	wrdreg $0x0  }
0xae: {  	s5 =	sshll.u32 s28, $0x1;
	[dreg:$0x2] =	wrdreg s3  }
0xaf: {  	[dreg:$0x3] =	wrdreg s5  }
0xb0: {  	[dreg:$0x4] =	wrdreg $0xC0  }
0xb1: {  	_ =	task [dreg:s7], $0x5FFFF  }
0xb2: {  	[dreg:$0x1] =	wrdreg $0xFFFFFFFF  }
0xb3: {  	[dreg:$0x0] =	wrdreg $0x60  }
0xb4: {  	[dreg:$0x2] =	wrdreg s24  }
0xb5: {  	[dreg:$0x3] =	wrdreg s16  }
0xb6: {  	[dreg:$0x4] =	wrdreg $0xA2000  }
0xb7: {  	[dreg:$0x5] =	wrdreg $0xA  }
0xb8: {  	_ =	task.clear_ibuf [dreg:s7], $0x6FFFF;
	_ =	strace $0x90000046  }
0xb9: {  	s29 =	simm.s32 $0xA;
	_ =	strace $0x80000048  }
0xba: {  	_ =	swait.ge [sflag:s29], $0x1  }
0xbb: {  	[sflag:s29] =	ssyncadd.s32 $0xFFFFFFFF  }
0xbc: {  	_ =	strace $0x90000048  }
0xbd: {  	_ =	sfence  }
0xbe: {  	s30 =	sld [smem:$0x0];
	_ =	sdelay $0x2  }
0xbf: {  	s31 =	sshll.u32 s1, $0xD;
	s1 =	sshrl.u32 s1, $0x2  }
0xc0: {  	s3 =	sand.u32 $0x4000, s31;
	s1 =	sadd.s32 s1, s30  }
0xc1: {  	s0 =	sor.u32 s3, s0;
	s1 =	sshll.u32 s1, $0x11  }
0xc2: {  	s0 =	sor.u32 s1, s0  }
0xc3: {  	s0 =	sadd.s32 $0x8F2B, s0  }
0xc4: {  	[sflag:s0] =	ssyncadd.remote.s32 $0x1  }
0xc5: {  	_ =	sfence.sel $0xFFFF  }
0xc6: {  	[dreg:$0x0] =	wrdreg $0xFFFFFFFF;
	(pc) =	sbr.abs _section_cstart, $3  }
0xc7: {  	[dreg:$0x1] =	wrdreg $0xFFFFFFFF  }
0xc8: {  	_ =	task.clear_ibuf [dreg:s7], $0x2FFFF;
	_ =	strace $0x9FFFFFFF  }
0xc9: {  	(tm) =	ssettm $0x7FFFFFFF  }
tec
execute0_lowered:
.L_overlay_start_1:
0x0: {  	(tag) =	ssettag $0x1  }
0x1: {  	s0 =	rddreg [dreg:$0x0]  }
0x2: {  	s1 =	rddreg [dreg:$0x1]  }
0x3: {  	s2 =	rddreg [dreg:$0x2];
	s3 =	simm.s32 $0x0;
	s15 =	stileid.u32  }
0x4: {  	s4 =	srdreg.scid;
	s30 =	simm.s32 $0x180;
	s5 =	smul.u32 $0x2800, s15  }
0x5: {  	s31 =	simm.s32 $0x7A00;
	s28 =	simm.s32 $0x50;
	s7 =	smul.u32 $0x50000, s15  }
0x6: {  	s29 =	simm.s32 $0x2;
	[smem:$0x7FF] =	sst s3;
	s9 =	smul.u32 $0x2710, s15  }
0x7: {  	s6 =	sand.u32 $0x1, s4;
	s4 =	sadd.s32 $0x3200, s0;
	s21 =	smul.u32 $0x138800, s15  }
0x8: {  	s23 =	sshll.u32 s15, $0x6;
	_ =	strace $0x80000047;
	s8 =	ssub.s32 $0x2, s6  }
0x9: {  	s10 =	smul.u32 $0x1388000, s6;
	p0 =	seq.s32 s6, $0x1;
	s6 =	simm.s32 $0x535200  }
0xa: {  	s0 =	sadd.s32 s5, s0;
	s20 =	sshrl.u32 s8, $0x1;
	s7 =	sshrl.u32 s7, $0x2  }
0xb: {  	s11 =	sadd.s32 $0x50, s9;
	s12 =	sshrl.u32 s9, $0x3;
	s26 =	sadd.s32 $0xA0, s9  }
0xc: {  	s9 =	sadd.s32 $0xF0, s9;
	s6 =	simm.s32 @!p0 $0x50D200;
	s5 =	ssub.s32 s8, s20  }
0xd: {  	s7 =	sadd.s32 s7, s2;
	s22 =	sadd.s32 $0x4E5200, s0;
	s8 =	sadd.s32 s21, s10  }
0xe: {  	s14 =	sshll.u32 s11, $0x7;
	s12 =	sadd.s32 s1, s12;
	s11 =	sshrl.u32 s11, $0x3  }
0xf: {  	s16 =	sshll.u32 s26, $0x7;
	s17 =	sshrl.u32 s26, $0x3;
	s18 =	sshll.u32 s9, $0x7  }
0x10: {  	s9 =	sshrl.u32 s9, $0x3;
	s0 =	sadd.s32 s6, s0;
	[dreg:$0x4] =	wrdreg s7  }
0x11: {  	s21 =	smul.u32 $0x4E2, s15;
	s6 =	simm.s32 $0x4;
	[dreg:$0x5] =	wrdreg s22  }
0x12: {  	s7 =	sor.u32 $0x1C09, s23;
	s13 =	sshrl.u32 s8, $0x3;
	[dreg:$0x6] =	wrdreg s12  }
0x13: {  	s25 =	sadd.s32 s10, s14;
	s11 =	sadd.s32 s1, s11;
	s9 =	sadd.s32 s1, s9  }
0x14: {  	s5 =	smax.u32 s5, $0x1;
	[dreg:$0xf] =	wrdreg s0;
	s20 =	sadd.s32 $0x11800, s8  }
0x15: {  	s22 =	sadd.s32 $0xF000, s8;
	s26 =	sadd.s32 $0xA000, s8;
	[dreg:$0x8] =	wrdreg s11  }
0x16: {  	s24 =	sadd.s32 s4, s13;
	s12 =	sshrl.u32 s25, $0x3;
	[dreg:$0xc] =	wrdreg s9  }
0x17: {  	s11 =	sadd.s32 s10, s16;
	s10 =	sadd.s32 s10, s18;
	[dreg:$0xe] =	wrdreg s5  }
0x18: {  	s0 =	sshrl.u32 s20, $0x3;
	s23 =	sshrl.u32 s22, $0x3;
	[dreg:$0x13] =	wrdreg s26  }
0x19: {  	s26 =	simm.s32 $0x2A00;
	s5 =	simm.s32 $0x6;
	s9 =	simm.s32 $0x0  }
0x1a: {  	[dreg:$0x7] =	wrdreg s24;
	s14 =	sadd.s32 s4, s12;
	s12 =	sadd.s32 s1, s17  }
0x1b: {  	s11 =	sshrl.u32 s11, $0x3;
	s10 =	sshrl.u32 s10, $0x3;
	s0 =	sadd.s32 s0, s4  }
0x1c: {  	s24 =	sadd.s32 $0xC800, s8;
	s8 =	simm.s32 $0x8;
	[dreg:$0x9] =	wrdreg s14  }
0x1d: {  	[dreg:$0xa] =	wrdreg s12;
	s11 =	sadd.s32 s4, s11;
	s19 =	sadd.s32 s4, s10  }
.Ltmp0:
0x1e: {  	[dreg:$0x10] =	wrdreg s0;
	s0 =	sadd.s32 s23, s4;
	(pc) =	sbr.rel .LBB2_1-.Ltmp0, $4  }
0x1f: {  	s25 =	sshrl.u32 s24, $0x3;
	s23 =	simm.s32 $0x9;
	[dreg:$0xb] =	wrdreg s11  }
0x20: {  	s24 =	simm.s32 $0x200;
	[dreg:$0xd] =	wrdreg s19;
	s19 =	sadd.s32 s21, s1  }
0x21: {  	[dreg:$0x11] =	wrdreg s0;
	s0 =	sadd.s32 s25, s4;
	s25 =	simm.s32 $0x80  }
0x22: {  	s1 =	simm.s32 $0x5;
	[dreg:$0x12] =	wrdreg s0;
	s0 =	simm.s32 $0x1  }
.LBB2_4:
0x23: {  	_ =	swait.ge [sflag:s0], $0x50  }
0x24: {  	[sflag:s0] =	ssyncset.done $0x0  }
0x25: {  	[sflag:s0] =	ssyncadd.s32 $0xFFFFFFB0  }
0x26: {  	_ =	swait.ge [sflag:s1], $0x2800  }
0x27: {  	[sflag:s1] =	ssyncset.done $0x0  }
0x28: {  	[sflag:s1] =	ssyncadd.s32 $0xFFFFD800  }
0x29: {  	[spmem:s2] =	stream.indirect.scatter.add.f32 [tilespmem:s24], [sflag:$0x9], $0x80, s3, s28, $0xb8;
	[tilespmem:$0x1E200] =	vst v63  }
0x2a: {  	_ =	swait.ge [sflag:s23], $0x2800  }
0x2b: {  	[sflag:s23] =	ssyncset.done $0x0  }
0x2c: {  	[sflag:s23] =	ssyncadd.s32 $0xFFFFD800  }
0x2d: {  	[bflag:$0x0] =	sbarrier.arrive $0xFFFF  }
0x2e: {  	s11 =	rddreg [dreg:$0xf]  }
0x2f: {  	[hbm:s11], [sflag:s7] =	dma.local [spmem:s10], $0x2800  }
0x30: {  	_ =	swait.ge [sflag:s23], $0x2800  }
0x31: {  	s9 =	sadd.s32 $0x1, s9;
	s22 =	rddreg [dreg:$0xe]  }
0x32: {  	p0 =	sne.s32 s9, s22  }
.Ltmp1:
0x33: {  	_ = 	snop;
	(pc) =	sbr.rel @!p0 .LBB2_5-.Ltmp1, $3  }
0x34: {  	_ =	sdelay $0x1  }
0x35: {  	[sflag:s23] =	ssyncset.done $0x0  }
0x36: {  	[sflag:s23] =	ssyncadd.s32 $0xFFFFD800  }
.LBB2_1:
0x37: {  	s10 =	rddreg [dreg:$0x4]  }
0x38: {  	s11 =	rddreg [dreg:$0x5];
	s10 =	sshrl.u32 s10, $0x3  }
0x39: {  	[spmem:s10], [sflag:s7] =	dma.local [hbm:s11], $0x2800  }
0x3a: {  	_ =	swait.ge [sflag:s23], $0x2800  }
0x3b: {  	[sflag:s23] =	ssyncset.done $0x0  }
0x3c: {  	[sflag:s23] =	ssyncadd.s32 $0xFFFFD800  }
0x3d: {  	[bflag:$0x0] =	sbarrier.arrive $0xFFFF  }
0x3e: {  	s13 =	rddreg [dreg:$0x6]  }
0x3f: {  	s14 =	rddreg [dreg:$0x7]  }
0x40: {  	s15 =	rddreg [dreg:$0x8]  }
0x41: {  	[tilespmem:s3], [sflag:$0x1] =	stream.linear.gather [hbm4b:s13+s3], $0x50, $0x38;
	[tilespmem:$0x1E200] =	vst v63  }
0x42: {  	s16 =	rddreg [dreg:$0x9]  }
0x43: {  	[tilespmem:s24], [sflag:$0x5] =	stream.linear.gather [hbm4b:s14+s3], $0x2800, $0x38;
	[tilespmem:$0x1E200] =	vst v63  }
0x44: {  	s17 =	rddreg [dreg:$0xa]  }
0x45: {  	[tilespmem:s25], [sflag:$0x2] =	stream.linear.gather [hbm4b:s15+s3], $0x50, $0x38;
	[tilespmem:$0x1E200] =	vst v63  }
0x46: {  	s18 =	rddreg [dreg:$0xb]  }
0x47: {  	[tilespmem:s26], [sflag:$0x6] =	stream.linear.gather [hbm4b:s16+s3], $0x2800, $0x38;
	[tilespmem:$0x1E200] =	vst v63  }
0x48: {  	s12 =	simm.s32 $0x100;
	s21 =	rddreg [dreg:$0xc]  }
0x49: {  	[tilespmem:s12], [sflag:$0x3] =	stream.linear.gather [hbm4b:s17+s3], $0x50, $0x38;
	[tilespmem:$0x1E200] =	vst v63  }
0x4a: {  	s20 =	simm.s32 $0x5200;
	s22 =	rddreg [dreg:$0xd]  }
0x4b: {  	[tilespmem:s20], [sflag:$0x7] =	stream.linear.gather [hbm4b:s18+s3], $0x2800, $0x38;
	[tilespmem:$0x1E200] =	vst v63  }
0x4c: {  	s20 =	rddreg [dreg:$0x11]  }
0x4d: {  	s18 =	rddreg [dreg:$0x10]  }
0x4e: {  	[tilespmem:s30], [sflag:$0x4] =	stream.linear.gather [hbm4b:s21+s3], $0x50, $0x38;
	[tilespmem:$0x1E200] =	vst v63  }
0x4f: {  	s21 =	rddreg [dreg:$0x12]  }
0x50: {  	[tilespmem:s31], [sflag:$0x8] =	stream.linear.gather [hbm4b:s22+s3], $0x2800, $0x38;
	[tilespmem:$0x1E200] =	vst v63  }
0x51: {  	s14 =	simm.s32 $0x0;
	s22 =	rddreg [dreg:$0x13]  }
.LBB2_2:
0x52: {  	_ =	swait.ge [sflag:s0], $0x50  }
0x53: {  	[sflag:s0] =	ssyncset.done $0x0  }
0x54: {  	[sflag:s0] =	ssyncadd.s32 $0xFFFFFFB0  }
0x55: {  	_ =	swait.ge [sflag:s1], $0x2800  }
0x56: {  	[sflag:s1] =	ssyncset.done $0x0  }
0x57: {  	[sflag:s1] =	ssyncadd.s32 $0xFFFFD800  }
0x58: {  	[spmem:s2] =	stream.indirect.scatter.add.f32 [tilespmem:s24], [sflag:$0x9], $0x80, s3, s28, $0xb8;
	[tilespmem:$0x1E200] =	vst v63  }
0x59: {  	_ =	swait.ge [sflag:s23], $0x2800  }
0x5a: {  	s16 =	sadd.s32 s14, s19;
	[sflag:s23] =	ssyncset.done $0x0  }
0x5b: {  	s15 =	sshrl.u32 s22, $0x3;
	s17 =	sadd.s32 $0x28, s16;
	[sflag:s23] =	ssyncadd.s32 $0xFFFFD800  }
0x5c: {  	[tilespmem:s3], [sflag:$0x1] =	stream.linear.gather [hbm4b:s17+s3], $0x50, $0x38;
	[tilespmem:$0x1E200] =	vst v63  }
0x5d: {  	s17 =	sadd.s32 s4, s15  }
0x5e: {  	[tilespmem:s24], [sflag:$0x5] =	stream.linear.gather [hbm4b:s17+s3], $0x2800, $0x38;
	[tilespmem:$0x1E200] =	vst v63  }
0x5f: {  	_ =	swait.ge [sflag:s29], $0x50  }
0x60: {  	[sflag:s29] =	ssyncset.done $0x0  }
0x61: {  	[sflag:s29] =	ssyncadd.s32 $0xFFFFFFB0  }
0x62: {  	_ =	swait.ge [sflag:s5], $0x2800  }
0x63: {  	[sflag:s5] =	ssyncset.done $0x0  }
0x64: {  	[sflag:s5] =	ssyncadd.s32 $0xFFFFD800  }
0x65: {  	[spmem:s2] =	stream.indirect.scatter.add.f32 [tilespmem:s26], [sflag:$0x9], $0x80, s25, s28, $0xb8;
	[tilespmem:$0x1E200] =	vst v63  }
0x66: {  	_ =	swait.ge [sflag:s23], $0x2800  }
0x67: {  	p0 =	seq.s32 s14, $0x4B0;
	[sflag:s23] =	ssyncset.done $0x0  }
0x68: {  	s17 =	simm.s32 @p0 $0x3;
	[sflag:s23] =	ssyncadd.s32 $0xFFFFD800  }
0x69: {  	_ =	swait.ge @p0 [sflag:s17], $0x50  }
0x6a: {  	[sflag:s17] =	ssyncset.done @p0 $0x0  }
0x6b: {  	[sflag:s17] =	ssyncadd.s32 @p0 $0xFFFFFFB0;
	s17 =	simm.s32 @p0 $0x7  }
0x6c: {  	_ =	swait.ge @p0 [sflag:s17], $0x2800  }
0x6d: {  	s13 =	simm.s32 @p0 $0x5200;
	[sflag:s17] =	ssyncset.done @p0 $0x0  }
0x6e: {  	s15 =	simm.s32 @p0 $0x100;
	[sflag:s17] =	ssyncadd.s32 @p0 $0xFFFFD800;
	s17 =	simm.s32 @p0 $0x50  }
0x6f: {  	[spmem:s2] =	stream.indirect.scatter.add.f32 @p0 [tilespmem:s13], [sflag:$0x9], $0x80, s15, s17, $0xb8;
	[tilespmem:$0x1E200] =	vst v63  }
0x70: {  	s13 =	simm.s32 @p0 $0x9  }
0x71: {  	_ =	swait.ge @p0 [sflag:s13], $0x2800  }
0x72: {  	[sflag:s13] =	ssyncset.done @p0 $0x0  }
0x73: {  	[sflag:s13] =	ssyncadd.s32 @p0 $0xFFFFD800;
	s13 =	sadd.s32 @!p0 s14, s19  }
0x74: {  	s12 =	simm.s32 @!p0 $0x80;
	s17 =	simm.s32 @!p0 $0x0;
	s15 =	sadd.s32 @!p0 $0x32, s13  }
0x75: {  	[tilespmem:s12], [sflag:$0x2] =	stream.linear.gather @!p0 [hbm4b:s15+s17], $0x50, $0x38;
	[tilespmem:$0x1E200] =	vst v63  }
0x76: {  	s12 =	simm.s32 @!p0 $0x2A00  }
0x77: {  	[tilespmem:s12], [sflag:$0x6] =	stream.linear.gather @!p0 [hbm4b:s21+s17], $0x2800, $0x38;
	[tilespmem:$0x1E200] =	vst v63  }
0x78: {  	s12 =	simm.s32 @!p0 $0x3  }
0x79: {  	_ =	swait.ge @!p0 [sflag:s12], $0x50  }
0x7a: {  	[sflag:s12] =	ssyncset.done @!p0 $0x0  }
0x7b: {  	[sflag:s12] =	ssyncadd.s32 @!p0 $0xFFFFFFB0;
	s12 =	simm.s32 @!p0 $0x7  }
0x7c: {  	_ =	swait.ge @!p0 [sflag:s12], $0x2800  }
0x7d: {  	s11 =	simm.s32 @!p0 $0x5200;
	[sflag:s12] =	ssyncset.done @!p0 $0x0  }
0x7e: {  	s15 =	simm.s32 @!p0 $0x100;
	[sflag:s12] =	ssyncadd.s32 @!p0 $0xFFFFD800;
	s12 =	simm.s32 @!p0 $0x50  }
0x7f: {  	[spmem:s2] =	stream.indirect.scatter.add.f32 @!p0 [tilespmem:s11], [sflag:$0x9], $0x80, s15, s12, $0xb8;
	[tilespmem:$0x1E200] =	vst v63  }
0x80: {  	s12 =	simm.s32 @!p0 $0x9  }
0x81: {  	_ =	swait.ge @!p0 [sflag:s12], $0x2800  }
0x82: {  	[sflag:s12] =	ssyncset.done @!p0 $0x0  }
0x83: {  	[sflag:s12] =	ssyncadd.s32 @!p0 $0xFFFFD800;
	s12 =	sadd.s32 @!p0 $0x3C, s13  }
0x84: {  	[tilespmem:s15], [sflag:$0x3] =	stream.linear.gather @!p0 [hbm4b:s12+s17], $0x50, $0x38;
	[tilespmem:$0x1E200] =	vst v63  }
0x85: {  	_ = 	snop  }
0x86: {  	[tilespmem:s11], [sflag:$0x7] =	stream.linear.gather @!p0 [hbm4b:s20+s17], $0x2800, $0x38;
	[tilespmem:$0x1E200] =	vst v63  }
0x87: {  	_ =	swait.ge [sflag:s6], $0x50  }
0x88: {  	[sflag:s6] =	ssyncset.done $0x0  }
0x89: {  	[sflag:s6] =	ssyncadd.s32 $0xFFFFFFB0  }
0x8a: {  	_ =	swait.ge [sflag:s8], $0x2800  }
0x8b: {  	[sflag:s8] =	ssyncset.done $0x0  }
.Ltmp2:
0x8c: {  	[sflag:s8] =	ssyncadd.s32 $0xFFFFD800;
	(pc) =	sbr.rel @p0 .LBB2_4-.Ltmp2, $4  }
0x8d: {  	[spmem:s2] =	stream.indirect.scatter.add.f32 [tilespmem:s31], [sflag:$0x9], $0x80, s30, s28, $0xb8;
	[tilespmem:$0x1E200] =	vst v63  }
0x8e: {  	_ =	swait.ge [sflag:s23], $0x2800  }
0x8f: {  	[sflag:s23] =	ssyncset.done $0x0  }
0x90: {  	[sflag:s23] =	ssyncadd.s32 $0xFFFFD800  }
.Ltmp3:
0x91: {  	s11 =	sadd.s32 $0x46, s16;
	(pc) =	sbr.rel .LBB2_2-.Ltmp3, $4  }
0x92: {  	[tilespmem:s30], [sflag:$0x4] =	stream.linear.gather [hbm4b:s11+s3], $0x50, $0x38;
	[tilespmem:$0x1E200] =	vst v63  }
0x93: {  	s14 =	sadd.s32 $0x28, s14;
	s20 =	sadd.s32 $0x1400, s20  }
0x94: {  	[tilespmem:s31], [sflag:$0x8] =	stream.linear.gather [hbm4b:s18+s3], $0x2800, $0x38;
	[tilespmem:$0x1E200] =	vst v63  }
0x95: {  	s21 =	sadd.s32 $0x1400, s21;
	s22 =	sadd.s32 $0xA000, s22;
	s18 =	sadd.s32 $0x1400, s18  }
.LBB2_5:
0x96: {  	_ =	sfence.sel $0x180000  }
0x97: {  	[bflag:$0x0] =	sbarrier.arrive $0xFFFF  }
0x98: {  	_ =	strace $0x90000047  }
0x99: {  	s0 =	stileid.u32;
	[bflag:$0x2] =	sbarrier.arrive $0xFFFF  }
0x9a: {  	p0 =	sne.s32 s0, $0x0;
	s0 =	rddreg [dreg:$0x3]  }
0x9b: {  	s0 =	sadd.s32 @!p0 $0x100000, s0  }
0x9c: {  	[sflag:s0] =	ssyncadd.tile.s32 @!p0 $0x1;
	_ =	shalt  }
.Lfunc_end2:
_tile_overlayer_lowered:
.L_overlay_start_2:
0x9d: {  	(tag) =	ssettag $0x2  }
0x9e: {  	s0 =	rddreg [dreg:$0x0];
	s2 =	stileid.u32  }
0x9f: {  	s1 =	rddreg [dreg:$0x1];
	p0 =	sne.s32 s2, $0x0  }
0xa0: {  	s3 =	rddreg [dreg:$0x2];
	[bflag:$0x3] =	sbarrier.arrive $0xFFFF;
	s2 =	simm.s32 @!p0 $0x1C09  }
0xa1: {  	[timem:s3], [sflag:s2] =	dma.local @!p0 [hbm:s0], s1  }
0xa2: {  	s0 =	simm.s32 @!p0 $0x9  }
0xa3: {  	_ =	swait.ge @!p0 [sflag:s0], s1  }
0xa4: {  	s1 =	ssub.s32 @!p0 $0x0, s1;
	[sflag:s0] =	ssyncset.done @!p0 $0x0  }
0xa5: {  	[sflag:s0] =	ssyncadd.s32 @!p0 s1  }
0xa6: {  	[bflag:$0x3] =	sbarrier.arrive $0xFFFF  }
0xa7: {  	_ =	shalt  }

// kernel: kernel.7.cloned.1.call-start
scs
__scs_entry_jumppad:
0x0: {  	(pc) =	sbr.rel $0x88, $3  }
0x1: {  	(tag) =	ssettag $0x0;
	lr =	simm.s32 $0x1  }
0x2: {  	[smem:$0x3F8B] =	sst lr;
	_ =	strace $0xD0000000  }
0x3: {  	_ = 	snop  }
0x4: {  	_ = 	snop  }
0x5: {  	_ = 	snop  }
0x6: {  	_ = 	snop  }
0x7: {  	_ = 	snop  }
__scs_overlays_trampoline_lowered:
0x8: {  	[smem:$0x3F9A] =	sst s0  }
0x9: {  	[smem:$0x3F9B] =	sst s1  }
0xa: {  	[smem:$0x3F9C] =	sst s2  }
0xb: {  	[smem:$0x3F9D] =	sst s3  }
0xc: {  	[smem:$0x3F9E] =	sst s4  }
0xd: {  	[smem:$0x3F9F] =	sst s5  }
0xe: {  	[smem:$0x3FA0] =	sst s6  }
0xf: {  	[smem:$0x3FA1] =	sst s7  }
0x10: {  	[smem:$0x3FA2] =	sst s8  }
0x11: {  	[smem:$0x3FA3] =	sst s9;
	s0 =	simm.s32 @!p0 $0x0  }
0x12: {  	s1 =	sld [smem:$0x3F89];
	s0 =	simm.s32 @p0 $0x1  }
0x13: {  	[smem:$0x3FA4] =	sst s0;
	s0 =	simm.s32 @!p1 $0x0  }
0x14: {  	s2 =	sld [smem:$0x3F88];
	s0 =	simm.s32 @p1 $0x1  }
0x15: {  	[smem:$0x3FA5] =	sst s0;
	s0 =	simm.s32 @!p2 $0x0  }
0x16: {  	s3 =	sld [smem:$0x3FDB];
	s0 =	simm.s32 @p2 $0x1  }
0x17: {  	s4 =	simm.s32 $0x1BF5;
	[smem:$0x3FA7] =	sst s0  }
0x18: {  	s0 =	sld [smem:$0x3F8A];
	_ =	swait.ge [sflag:s4], $0x0  }
0x19: {  	s7 =	sld [smem:$0x3F8B]  }
0x1a: {  	s8 =	sadd.s32 $0xFFFFE003, lr  }
0x1b: {  	s9 =	sadd.s32 $0xFFFFFEF7, lr;
	s5 =	simm.s32 $0xFFFFFFFF;
	p2 =	slt.u32 s8, $0xFFFFF086  }
0x1c: {  	p1 =	slt.u32 s9, $0xF7A;
	s5 =	simm.s32 @!p2 $0x0  }
0x1d: {  	s5 =	simm.s32 @p1 $0x1;
	p0 =	seq.s32 s7, s2  }
0x1e: {  	s7 =	smul.u32 @!p0 $0xF7A, s2;
	p2 =	seq.s32 @!p0 s5, $0x0  }
0x1f: {  	s9 =	smul.u32 $0xF7A, s1;
	s8 =	simm.s32 @!p0 $0x1BF5;
	p2 =	por !p2, p0  }
0x20: {  	[sflag:s8] =	ssyncset.s32 @!p0 $0xFFFFF086;
	s6 =	sadd.s32 @!p0 s3, s7;
	s7 =	simm.s32 @!p0 $0x108  }
0x21: {  	s3 =	sadd.s32 s3, s9;
	s6 =	sadd.s32 @!p0 $0x88, s6;
	s7 =	simm.s32 @p2 $0x1082  }
0x22: {  	[simem:s7], [sflag:s8] =	dma.local @!p0 [hbm:s6], $0xF7A  }
0x23: {  	s9 =	sor.u32 $0xD0000000, s2;
	s6 =	simm.s32 $0x108;
	_ =	swait.ge @!p0 [sflag:s8], $0x0  }
0x24: {  	s3 =	sadd.s32 $0x88, s3;
	s6 =	simm.s32 @!p1 $0x1082;
	[sflag:s4] =	ssyncset.s32 $0xFFFFF086  }
0x25: {  	[simem:s6], [sflag:s4] =	dma.local [hbm:s3], $0xF7A  }
0x26: {  	[smem:$0x3F8B] =	sst s1;
	(tag) =	ssettag s2;
	_ =	strace s9  }
0x27: {  	s1 =	sld [smem:$0x3F9B]  }
0x28: {  	s2 =	sld [smem:$0x3F9C]  }
0x29: {  	s4 =	sld [smem:$0x3F9E]  }
0x2a: {  	p0 =	seq.s32 s5, $0x0;
	s5 =	sld [smem:$0x3F9F]  }
0x2b: {  	s6 =	sld [smem:$0x3FA0]  }
0x2c: {  	s7 =	sld [smem:$0x3FA1]  }
0x2d: {  	s3 =	simm.s32 $0x108;
	s8 =	sld [smem:$0x3FA2]  }
0x2e: {  	s3 =	simm.s32 @!p0 $0x1082;
	s9 =	sld [smem:$0x3FA3]  }
0x2f: {  	lr =	sadd.s32 s0, s3;
	s0 =	sld [smem:$0x3F9A]  }
0x30: {  	s3 =	sld [smem:$0x3F9D]  }
0x31: {  	[smem:$0x3FA6] =	sst s10  }
0x32: {  	s10 =	sld [smem:$0x3FA4];
	_ =	sdelay $0x3  }
0x33: {  	p0 =	seq.s32 s10, $0x1;
	s10 =	sld [smem:$0x3FA6];
	_ =	sdelay $0x3  }
0x34: {  	[smem:$0x3FA6] =	sst s10  }
0x35: {  	s10 =	sld [smem:$0x3FA5];
	_ =	sdelay $0x3  }
0x36: {  	p1 =	seq.s32 s10, $0x1;
	s10 =	sld [smem:$0x3FA6];
	_ =	sdelay $0x3  }
0x37: {  	[smem:$0x3FA6] =	sst s10  }
0x38: {  	s10 =	sld [smem:$0x3FA7]  }
0x39: {  	_ = 	snop;
	(pc) =	sbr.ind lr, $3  }
0x3a: {  	_ = 	snop  }
0x3b: {  	_ = 	snop  }
0x3c: {  	p2 =	seq.s32 s10, $0x1;
	s10 =	sld [smem:$0x3FA6]  }
0x3d: {  	_ =	shalt  }
0x3e: {  	_ =	shalt  }
0x3f: {  	_ =	shalt  }
0x40: {  	_ =	shalt  }
0x41: {  	_ =	shalt  }
0x42: {  	_ =	shalt  }
0x43: {  	_ =	shalt  }
0x44: {  	_ =	shalt  }
0x45: {  	_ =	shalt  }
0x46: {  	_ =	shalt  }
0x47: {  	_ =	shalt  }
0x48: {  	_ =	shalt  }
0x49: {  	_ =	shalt  }
0x4a: {  	_ =	shalt  }
0x4b: {  	_ =	shalt  }
0x4c: {  	_ =	shalt  }
0x4d: {  	_ =	shalt  }
0x4e: {  	_ =	shalt  }
0x4f: {  	_ =	shalt  }
0x50: {  	_ =	shalt  }
0x51: {  	_ =	shalt  }
0x52: {  	_ =	shalt  }
0x53: {  	_ =	shalt  }
0x54: {  	_ =	shalt  }
0x55: {  	_ =	shalt  }
0x56: {  	_ =	shalt  }
0x57: {  	_ =	shalt  }
0x58: {  	_ =	shalt  }
0x59: {  	_ =	shalt  }
0x5a: {  	_ =	shalt  }
0x5b: {  	_ =	shalt  }
0x5c: {  	_ =	shalt  }
0x5d: {  	_ =	shalt  }
0x5e: {  	_ =	shalt  }
0x5f: {  	_ =	shalt  }
0x60: {  	_ =	shalt  }
0x61: {  	_ =	shalt  }
0x62: {  	_ =	shalt  }
0x63: {  	_ =	shalt  }
0x64: {  	_ =	shalt  }
0x65: {  	_ =	shalt  }
0x66: {  	_ =	shalt  }
0x67: {  	_ =	shalt  }
0x68: {  	_ =	shalt  }
0x69: {  	_ =	shalt  }
0x6a: {  	_ =	shalt  }
0x6b: {  	_ =	shalt  }
0x6c: {  	_ =	shalt  }
0x6d: {  	_ =	shalt  }
0x6e: {  	_ =	shalt  }
0x6f: {  	_ =	shalt  }
0x70: {  	_ =	shalt  }
0x71: {  	_ =	shalt  }
0x72: {  	_ =	shalt  }
0x73: {  	_ =	shalt  }
0x74: {  	_ =	shalt  }
0x75: {  	_ =	shalt  }
0x76: {  	_ =	shalt  }
0x77: {  	_ =	shalt  }
0x78: {  	_ =	shalt  }
0x79: {  	_ =	shalt  }
0x7a: {  	_ =	shalt  }
0x7b: {  	_ =	shalt  }
0x7c: {  	_ =	shalt  }
0x7d: {  	_ =	shalt  }
0x7e: {  	_ =	shalt  }
0x7f: {  	_ =	shalt  }
0x80: {  	_ =	shalt  }
0x81: {  	_ =	shalt  }
0x82: {  	_ =	shalt  }
0x83: {  	_ =	shalt  }
0x84: {  	_ =	shalt  }
0x85: {  	_ =	shalt  }
0x86: {  	_ =	shalt  }
0x87: {  	_ =	shalt  }
.Lfunc_end0:
.L_simem_size_0:
called_computation_lowered:
.L_overlay_start_0:
0x88: {  	s2 =	sld [smem:$0x3FD9]  }
0x89: {  	s3 =	sld [smem:$0x3FFE];
	_ =	sdelay $0x1  }
0x8a: {  	s1 =	srdreg.scid  }
0x8b: {  	s0 =	sand.u32 $0x1, s1  }
0x8c: {  	s15 =	sshll.u32 s0, $0xA;
	s2 =	sadd.s32 s3, s2  }
0x8d: {  	s2 =	sadd.s32 s2, s15  }
0x8e: {  	[smem:$0x3FB2] =	sst s2  }
0x8f: {  	_ = 	snop  }
0x90: {  	s2 =	sld [smem:$0x3FD0];
	_ =	sdelay $0x2  }
0x91: {  	s16 =	simm.s32 $0xB;
	s4 =	simm.s32 $0x10  }
0x92: {  	[smem:s4], [sflag:s16] =	dma.local [hbm:s2], $0x1  }
0x93: {  	_ =	swait.eq [sflag:s16], $0x1  }
0x94: {  	[sflag:s16] =	ssyncset.done $0x0  }
0x95: {  	[sflag:s16] =	ssyncadd.s32 $0xFFFFFFFF  }
0x96: {  	s17 =	sld [smem:$0x12];
	(tm) =	ssettm $0x1  }
0x97: {  	s18 =	sld [smem:$0x3FFB];
	_ =	sdelay $0x3  }
0x98: {  	_ =	strace s18  }
0x99: {  	s2 =	sld [smem:$0x3FFC];
	_ =	sdelay $0x3  }
0x9a: {  	_ =	strace s2  }
0x9b: {  	s2 =	sld [smem:$0x3FFD];
	_ =	sdelay $0x3  }
0x9c: {  	_ =	strace s2  }
0x9d: {  	_ =	strace $0x8FFFFFFF  }
0x9e: {  	s19 =	sld [smem:$0x3FDB];
	_ =	sdelay $0x1  }
0x9f: {  	s20 =	simm.s32 $_scs_section_size  }
0xa0: {  	s5 =	simm.s32 $_size__tile_overlayer_lowered;
	s6 =	simm.s32 $_tile_overlayer_lowered  }
0xa1: {  	s7 =	simm.s32 $0x1BFF;
	s21 =	sshll.u32 s6, $0x1;
	s4 =	sadd.s32 s20, s19  }
0xa2: {  	s22 =	simm.s32 $0x0;
	s5 =	sshll.u32 s5, $0x1;
	s6 =	sadd.s32 s21, s4  }
0xa3: {  	[timem:s22], [sflag:s7] =	dma.local [hbm:s6], s5  }
0xa4: {  	_ =	swait.ge [sflag:s7], s5  }
0xa5: {  	s5 =	ssub.s32 $0x0, s5;
	[sflag:s7] =	ssyncset.done $0x0  }
0xa6: {  	[sflag:s7] =	ssyncadd.s32 s5;
	_ =	sdelay $0x1  }
0xa7: {  	s23 =	simm.s32 $0x1B8B  }
0xa8: {  	_ =	swait.ge [sflag:s23], $0x1  }
0xa9: {  	[sflag:s23] =	ssyncset.done $0x0  }
0xaa: {  	[sflag:s23] =	ssyncadd.s32 $0xFFFFFFFF  }
0xab: {  	s5 =	sld [smem:$0x0]  }
0xac: {  	s6 =	sand.u32 $0xFFFFFFFE, s1  }
0xad: {  	p0 =	sne.s32 s1, s6  }
0xae: {  	s6 =	sshll.u32 @p0 s6, $0xE  }
0xaf: {  	s6 =	sadd.s32 @p0 $0x11B8D, s6;
	s7 =	sshll.u32 @p0 s5, $0x11  }
0xb0: {  	s6 =	sor.u32 @p0 s7, s6  }
0xb1: {  	[sflag:s6] =	ssyncadd.remote.s32 @p0 $0x1;
	_ =	sdelay $0x1  }
0xb2: {  	s6 =	simm.s32 @p0 $0x1B8D  }
0xb3: {  	_ =	swait.eq @p0 [sflag:s6], $0x1  }
0xb4: {  	[sflag:s6] =	ssyncadd.s32 @p0 $0xFFFFFFFF  }
0xb5: {  	s7 =	sshll.u32 @!p0 s1, $0xE  }
0xb6: {  	s7 =	sor.u32 @!p0 $0x4000, s7;
	s6 =	simm.s32 @!p0 $0x1B8D  }
0xb7: {  	s5 =	sshll.u32 @!p0 s5, $0x11;
	s7 =	sadd.s32 @!p0 $0x11B8D, s7;
	_ =	swait.eq @!p0 [sflag:s6], $0x1  }
0xb8: {  	s5 =	sor.u32 @!p0 s5, s7;
	[sflag:s6] =	ssyncadd.s32 @!p0 $0xFFFFFFFF  }
0xb9: {  	s25 =	simm.s32 $0x1B8E;
	s24 =	sld [smem:$0x3FFE];
	[sflag:s5] =	ssyncadd.remote.s32 @!p0 $0x1  }
0xba: {  	s26 =	simm.s32 $execute0_lowered;
	[smem:$0x3FD2] =	sst s25  }
0xbb: {  	s6 =	sshll.u32 s26, $0x1;
	_ =	strace $0x80000049;
	[dreg:$0x1] =	wrdreg $0xFFFFFFFF  }
0xbc: {  	s28 =	simm.s32 $_size_execute0_lowered;
	s4 =	sadd.s32 s4, s6;
	[dreg:$0x0] =	wrdreg $0x0  }
0xbd: {  	s6 =	sshll.u32 s28, $0x1;
	[dreg:$0x2] =	wrdreg s4  }
0xbe: {  	[dreg:$0x3] =	wrdreg s6  }
0xbf: {  	[dreg:$0x4] =	wrdreg $0xC0  }
0xc0: {  	_ =	task [dreg:s22], $0x5FFFF  }
0xc1: {  	[dreg:$0x1] =	wrdreg $0xFFFFFFFF  }
0xc2: {  	[dreg:$0x0] =	wrdreg $0x60  }
0xc3: {  	[dreg:$0x2] =	wrdreg s24  }
0xc4: {  	[dreg:$0x3] =	wrdreg s17  }
0xc5: {  	[dreg:$0x4] =	wrdreg $0xA2000  }
0xc6: {  	[dreg:$0x5] =	wrdreg $0x9  }
0xc7: {  	_ =	task.clear_ibuf [dreg:s22], $0x6FFFF;
	_ =	strace $0x90000049  }
0xc8: {  	s29 =	simm.s32 $0x9;
	_ =	strace $0x8000004B  }
0xc9: {  	_ =	swait.ge [sflag:s29], $0x1  }
0xca: {  	[sflag:s29] =	ssyncadd.s32 $0xFFFFFFFF  }
0xcb: {  	_ =	strace $0x9000004B  }
0xcc: {  	_ =	sfence  }
0xcd: {  	s30 =	sld [smem:$0x0];
	_ =	sdelay $0x2  }
0xce: {  	s31 =	sshll.u32 s1, $0xD;
	s1 =	sshrl.u32 s1, $0x2  }
0xcf: {  	s4 =	sand.u32 $0x4000, s31;
	s1 =	sadd.s32 s1, s30  }
0xd0: {  	s0 =	sor.u32 s4, s0;
	s1 =	sshll.u32 s1, $0x11  }
0xd1: {  	s0 =	sor.u32 s1, s0  }
0xd2: {  	s0 =	sadd.s32 $0x8F2B, s0  }
0xd3: {  	[sflag:s0] =	ssyncadd.remote.s32 $0x1  }
0xd4: {  	_ =	sfence.sel $0xFFFF  }
0xd5: {  	[dreg:$0x0] =	wrdreg $0xFFFFFFFF;
	(pc) =	sbr.abs _section_cstart, $3  }
0xd6: {  	[dreg:$0x1] =	wrdreg $0xFFFFFFFF  }
0xd7: {  	_ =	task.clear_ibuf [dreg:s22], $0x2FFFF;
	_ =	strace $0x9FFFFFFF  }
0xd8: {  	(tm) =	ssettm $0x7FFFFFFF  }
0xd9: {  	_ =	shalt  }
tec
execute0_lowered:
.L_overlay_start_1:
0x0: {  	(tag) =	ssettag $0x1  }
0x1: {  	s0 =	rddreg [dreg:$0x0]  }
0x2: {  	s1 =	rddreg [dreg:$0x1]  }
0x3: {  	s2 =	rddreg [dreg:$0x2];
	s3 =	simm.s32 $0x0;
	s15 =	stileid.u32  }
0x4: {  	s4 =	srdreg.scid;
	s30 =	simm.s32 $0x180;
	s5 =	smul.u32 $0x2800, s15  }
0x5: {  	s31 =	simm.s32 $0x7A00;
	s28 =	simm.s32 $0x50;
	s7 =	smul.u32 $0x50000, s15  }
0x6: {  	s29 =	simm.s32 $0x2;
	[smem:$0x7FF] =	sst s3;
	s9 =	smul.u32 $0x2710, s15  }
0x7: {  	s6 =	sand.u32 $0x1, s4;
	s4 =	sadd.s32 $0x55D200, s0;
	s21 =	smul.u32 $0x138800, s15  }
0x8: {  	s23 =	sshll.u32 s15, $0x6;
	_ =	strace $0x8000004A;
	s8 =	ssub.s32 $0x2, s6  }
0x9: {  	s10 =	smul.u32 $0x1388000, s6;
	p0 =	seq.s32 s6, $0x1;
	s6 =	simm.s32 $0xA67200  }
0xa: {  	s0 =	sadd.s32 s5, s0;
	s20 =	sshrl.u32 s8, $0x1;
	s7 =	sshrl.u32 s7, $0x2  }
0xb: {  	s11 =	sadd.s32 $0x50, s9;
	s12 =	sshrl.u32 s9, $0x3;
	s26 =	sadd.s32 $0xA0, s9  }
0xc: {  	s9 =	sadd.s32 $0xF0, s9;
	s6 =	simm.s32 @!p0 $0xA3F200;
	s5 =	ssub.s32 s8, s20  }
0xd: {  	s7 =	sadd.s32 s7, s2;
	s22 =	sadd.s32 $0x4E5200, s0;
	s8 =	sadd.s32 s21, s10  }
0xe: {  	s14 =	sshll.u32 s11, $0x7;
	s12 =	sadd.s32 s1, s12;
	s11 =	sshrl.u32 s11, $0x3  }
0xf: {  	s16 =	sshll.u32 s26, $0x7;
	s17 =	sshrl.u32 s26, $0x3;
	s18 =	sshll.u32 s9, $0x7  }
0x10: {  	s9 =	sshrl.u32 s9, $0x3;
	s0 =	sadd.s32 s6, s0;
	[dreg:$0x4] =	wrdreg s7  }
0x11: {  	s21 =	smul.u32 $0x4E2, s15;
	s6 =	simm.s32 $0x4;
	[dreg:$0x5] =	wrdreg s22  }
0x12: {  	s7 =	sor.u32 $0x1C09, s23;
	s13 =	sshrl.u32 s8, $0x3;
	[dreg:$0x6] =	wrdreg s12  }
0x13: {  	s25 =	sadd.s32 s10, s14;
	s11 =	sadd.s32 s1, s11;
	s9 =	sadd.s32 s1, s9  }
0x14: {  	s5 =	smax.u32 s5, $0x1;
	[dreg:$0xf] =	wrdreg s0;
	s20 =	sadd.s32 $0x11800, s8  }
0x15: {  	s22 =	sadd.s32 $0xF000, s8;
	s26 =	sadd.s32 $0xA000, s8;
	[dreg:$0x8] =	wrdreg s11  }
0x16: {  	s24 =	sadd.s32 s4, s13;
	s12 =	sshrl.u32 s25, $0x3;
	[dreg:$0xc] =	wrdreg s9  }
0x17: {  	s11 =	sadd.s32 s10, s16;
	s10 =	sadd.s32 s10, s18;
	[dreg:$0xe] =	wrdreg s5  }
0x18: {  	s0 =	sshrl.u32 s20, $0x3;
	s23 =	sshrl.u32 s22, $0x3;
	[dreg:$0x13] =	wrdreg s26  }
0x19: {  	s26 =	simm.s32 $0x2A00;
	s5 =	simm.s32 $0x6;
	s9 =	simm.s32 $0x0  }
0x1a: {  	[dreg:$0x7] =	wrdreg s24;
	s14 =	sadd.s32 s4, s12;
	s12 =	sadd.s32 s1, s17  }
0x1b: {  	s11 =	sshrl.u32 s11, $0x3;
	s10 =	sshrl.u32 s10, $0x3;
	s0 =	sadd.s32 s0, s4  }
0x1c: {  	s24 =	sadd.s32 $0xC800, s8;
	s8 =	simm.s32 $0x8;
	[dreg:$0x9] =	wrdreg s14  }
0x1d: {  	[dreg:$0xa] =	wrdreg s12;
	s11 =	sadd.s32 s4, s11;
	s19 =	sadd.s32 s4, s10  }
.Ltmp0:
0x1e: {  	[dreg:$0x10] =	wrdreg s0;
	s0 =	sadd.s32 s23, s4;
	(pc) =	sbr.rel .LBB2_1-.Ltmp0, $4  }
0x1f: {  	s25 =	sshrl.u32 s24, $0x3;
	s23 =	simm.s32 $0x9;
	[dreg:$0xb] =	wrdreg s11  }
0x20: {  	s24 =	simm.s32 $0x200;
	[dreg:$0xd] =	wrdreg s19;
	s19 =	sadd.s32 s21, s1  }
0x21: {  	[dreg:$0x11] =	wrdreg s0;
	s0 =	sadd.s32 s25, s4;
	s25 =	simm.s32 $0x80  }
0x22: {  	s1 =	simm.s32 $0x5;
	[dreg:$0x12] =	wrdreg s0;
	s0 =	simm.s32 $0x1  }
.LBB2_4:
0x23: {  	_ =	swait.ge [sflag:s0], $0x50  }
0x24: {  	[sflag:s0] =	ssyncset.done $0x0  }
0x25: {  	[sflag:s0] =	ssyncadd.s32 $0xFFFFFFB0  }
0x26: {  	_ =	swait.ge [sflag:s1], $0x2800  }
0x27: {  	[sflag:s1] =	ssyncset.done $0x0  }
0x28: {  	[sflag:s1] =	ssyncadd.s32 $0xFFFFD800  }
0x29: {  	[spmem:s2] =	stream.indirect.scatter.add.f32 [tilespmem:s24], [sflag:$0x9], $0x80, s3, s28, $0xb8;
	[tilespmem:$0x1E200] =	vst v63  }
0x2a: {  	_ =	swait.ge [sflag:s23], $0x2800  }
0x2b: {  	[sflag:s23] =	ssyncset.done $0x0  }
0x2c: {  	[sflag:s23] =	ssyncadd.s32 $0xFFFFD800  }
0x2d: {  	[bflag:$0x0] =	sbarrier.arrive $0xFFFF  }
0x2e: {  	s11 =	rddreg [dreg:$0xf]  }
0x2f: {  	[hbm:s11], [sflag:s7] =	dma.local [spmem:s10], $0x2800  }
0x30: {  	_ =	swait.ge [sflag:s23], $0x2800  }
0x31: {  	s9 =	sadd.s32 $0x1, s9;
	s22 =	rddreg [dreg:$0xe]  }
0x32: {  	p0 =	sne.s32 s9, s22  }
.Ltmp1:
0x33: {  	_ = 	snop;
	(pc) =	sbr.rel @!p0 .LBB2_5-.Ltmp1, $3  }
0x34: {  	_ =	sdelay $0x1  }
0x35: {  	[sflag:s23] =	ssyncset.done $0x0  }
0x36: {  	[sflag:s23] =	ssyncadd.s32 $0xFFFFD800  }
.LBB2_1:
0x37: {  	s10 =	rddreg [dreg:$0x4]  }
0x38: {  	s11 =	rddreg [dreg:$0x5];
	s10 =	sshrl.u32 s10, $0x3  }
0x39: {  	[spmem:s10], [sflag:s7] =	dma.local [hbm:s11], $0x2800  }
0x3a: {  	_ =	swait.ge [sflag:s23], $0x2800  }
0x3b: {  	[sflag:s23] =	ssyncset.done $0x0  }
0x3c: {  	[sflag:s23] =	ssyncadd.s32 $0xFFFFD800  }
0x3d: {  	[bflag:$0x0] =	sbarrier.arrive $0xFFFF  }
0x3e: {  	s13 =	rddreg [dreg:$0x6]  }
0x3f: {  	s14 =	rddreg [dreg:$0x7]  }
0x40: {  	s15 =	rddreg [dreg:$0x8]  }
0x41: {  	[tilespmem:s3], [sflag:$0x1] =	stream.linear.gather [hbm4b:s13+s3], $0x50, $0x38;
	[tilespmem:$0x1E200] =	vst v63  }
0x42: {  	s16 =	rddreg [dreg:$0x9]  }
0x43: {  	[tilespmem:s24], [sflag:$0x5] =	stream.linear.gather [hbm4b:s14+s3], $0x2800, $0x38;
	[tilespmem:$0x1E200] =	vst v63  }
0x44: {  	s17 =	rddreg [dreg:$0xa]  }
0x45: {  	[tilespmem:s25], [sflag:$0x2] =	stream.linear.gather [hbm4b:s15+s3], $0x50, $0x38;
	[tilespmem:$0x1E200] =	vst v63  }
0x46: {  	s18 =	rddreg [dreg:$0xb]  }
0x47: {  	[tilespmem:s26], [sflag:$0x6] =	stream.linear.gather [hbm4b:s16+s3], $0x2800, $0x38;
	[tilespmem:$0x1E200] =	vst v63  }
0x48: {  	s12 =	simm.s32 $0x100;
	s21 =	rddreg [dreg:$0xc]  }
0x49: {  	[tilespmem:s12], [sflag:$0x3] =	stream.linear.gather [hbm4b:s17+s3], $0x50, $0x38;
	[tilespmem:$0x1E200] =	vst v63  }
0x4a: {  	s20 =	simm.s32 $0x5200;
	s22 =	rddreg [dreg:$0xd]  }
0x4b: {  	[tilespmem:s20], [sflag:$0x7] =	stream.linear.gather [hbm4b:s18+s3], $0x2800, $0x38;
	[tilespmem:$0x1E200] =	vst v63  }
0x4c: {  	s20 =	rddreg [dreg:$0x11]  }
0x4d: {  	s18 =	rddreg [dreg:$0x10]  }
0x4e: {  	[tilespmem:s30], [sflag:$0x4] =	stream.linear.gather [hbm4b:s21+s3], $0x50, $0x38;
	[tilespmem:$0x1E200] =	vst v63  }
0x4f: {  	s21 =	rddreg [dreg:$0x12]  }
0x50: {  	[tilespmem:s31], [sflag:$0x8] =	stream.linear.gather [hbm4b:s22+s3], $0x2800, $0x38;
	[tilespmem:$0x1E200] =	vst v63  }
0x51: {  	s14 =	simm.s32 $0x0;
	s22 =	rddreg [dreg:$0x13]  }
.LBB2_2:
0x52: {  	_ =	swait.ge [sflag:s0], $0x50  }
0x53: {  	[sflag:s0] =	ssyncset.done $0x0  }
0x54: {  	[sflag:s0] =	ssyncadd.s32 $0xFFFFFFB0  }
0x55: {  	_ =	swait.ge [sflag:s1], $0x2800  }
0x56: {  	[sflag:s1] =	ssyncset.done $0x0  }
0x57: {  	[sflag:s1] =	ssyncadd.s32 $0xFFFFD800  }
0x58: {  	[spmem:s2] =	stream.indirect.scatter.add.f32 [tilespmem:s24], [sflag:$0x9], $0x80, s3, s28, $0xb8;
	[tilespmem:$0x1E200] =	vst v63  }
0x59: {  	_ =	swait.ge [sflag:s23], $0x2800  }
0x5a: {  	s16 =	sadd.s32 s14, s19;
	[sflag:s23] =	ssyncset.done $0x0  }
0x5b: {  	s15 =	sshrl.u32 s22, $0x3;
	s17 =	sadd.s32 $0x28, s16;
	[sflag:s23] =	ssyncadd.s32 $0xFFFFD800  }
0x5c: {  	[tilespmem:s3], [sflag:$0x1] =	stream.linear.gather [hbm4b:s17+s3], $0x50, $0x38;
	[tilespmem:$0x1E200] =	vst v63  }
0x5d: {  	s17 =	sadd.s32 s4, s15  }
0x5e: {  	[tilespmem:s24], [sflag:$0x5] =	stream.linear.gather [hbm4b:s17+s3], $0x2800, $0x38;
	[tilespmem:$0x1E200] =	vst v63  }
0x5f: {  	_ =	swait.ge [sflag:s29], $0x50  }
0x60: {  	[sflag:s29] =	ssyncset.done $0x0  }
0x61: {  	[sflag:s29] =	ssyncadd.s32 $0xFFFFFFB0  }
0x62: {  	_ =	swait.ge [sflag:s5], $0x2800  }
0x63: {  	[sflag:s5] =	ssyncset.done $0x0  }
0x64: {  	[sflag:s5] =	ssyncadd.s32 $0xFFFFD800  }
0x65: {  	[spmem:s2] =	stream.indirect.scatter.add.f32 [tilespmem:s26], [sflag:$0x9], $0x80, s25, s28, $0xb8;
	[tilespmem:$0x1E200] =	vst v63  }
0x66: {  	_ =	swait.ge [sflag:s23], $0x2800  }
0x67: {  	p0 =	seq.s32 s14, $0x4B0;
	[sflag:s23] =	ssyncset.done $0x0  }
0x68: {  	s17 =	simm.s32 @p0 $0x3;
	[sflag:s23] =	ssyncadd.s32 $0xFFFFD800  }
0x69: {  	_ =	swait.ge @p0 [sflag:s17], $0x50  }
0x6a: {  	[sflag:s17] =	ssyncset.done @p0 $0x0  }
0x6b: {  	[sflag:s17] =	ssyncadd.s32 @p0 $0xFFFFFFB0;
	s17 =	simm.s32 @p0 $0x7  }
0x6c: {  	_ =	swait.ge @p0 [sflag:s17], $0x2800  }
0x6d: {  	s13 =	simm.s32 @p0 $0x5200;
	[sflag:s17] =	ssyncset.done @p0 $0x0  }
0x6e: {  	s15 =	simm.s32 @p0 $0x100;
	[sflag:s17] =	ssyncadd.s32 @p0 $0xFFFFD800;
	s17 =	simm.s32 @p0 $0x50  }
0x6f: {  	[spmem:s2] =	stream.indirect.scatter.add.f32 @p0 [tilespmem:s13], [sflag:$0x9], $0x80, s15, s17, $0xb8;
	[tilespmem:$0x1E200] =	vst v63  }
0x70: {  	s13 =	simm.s32 @p0 $0x9  }
0x71: {  	_ =	swait.ge @p0 [sflag:s13], $0x2800  }
0x72: {  	[sflag:s13] =	ssyncset.done @p0 $0x0  }
0x73: {  	[sflag:s13] =	ssyncadd.s32 @p0 $0xFFFFD800;
	s13 =	sadd.s32 @!p0 s14, s19  }
0x74: {  	s12 =	simm.s32 @!p0 $0x80;
	s17 =	simm.s32 @!p0 $0x0;
	s15 =	sadd.s32 @!p0 $0x32, s13  }
0x75: {  	[tilespmem:s12], [sflag:$0x2] =	stream.linear.gather @!p0 [hbm4b:s15+s17], $0x50, $0x38;
	[tilespmem:$0x1E200] =	vst v63  }
0x76: {  	s12 =	simm.s32 @!p0 $0x2A00  }
0x77: {  	[tilespmem:s12], [sflag:$0x6] =	stream.linear.gather @!p0 [hbm4b:s21+s17], $0x2800, $0x38;
	[tilespmem:$0x1E200] =	vst v63  }
0x78: {  	s12 =	simm.s32 @!p0 $0x3  }
0x79: {  	_ =	swait.ge @!p0 [sflag:s12], $0x50  }
0x7a: {  	[sflag:s12] =	ssyncset.done @!p0 $0x0  }
0x7b: {  	[sflag:s12] =	ssyncadd.s32 @!p0 $0xFFFFFFB0;
	s12 =	simm.s32 @!p0 $0x7  }
0x7c: {  	_ =	swait.ge @!p0 [sflag:s12], $0x2800  }
0x7d: {  	s11 =	simm.s32 @!p0 $0x5200;
	[sflag:s12] =	ssyncset.done @!p0 $0x0  }
0x7e: {  	s15 =	simm.s32 @!p0 $0x100;
	[sflag:s12] =	ssyncadd.s32 @!p0 $0xFFFFD800;
	s12 =	simm.s32 @!p0 $0x50  }
0x7f: {  	[spmem:s2] =	stream.indirect.scatter.add.f32 @!p0 [tilespmem:s11], [sflag:$0x9], $0x80, s15, s12, $0xb8;
	[tilespmem:$0x1E200] =	vst v63  }
0x80: {  	s12 =	simm.s32 @!p0 $0x9  }
0x81: {  	_ =	swait.ge @!p0 [sflag:s12], $0x2800  }
0x82: {  	[sflag:s12] =	ssyncset.done @!p0 $0x0  }
0x83: {  	[sflag:s12] =	ssyncadd.s32 @!p0 $0xFFFFD800;
	s12 =	sadd.s32 @!p0 $0x3C, s13  }
0x84: {  	[tilespmem:s15], [sflag:$0x3] =	stream.linear.gather @!p0 [hbm4b:s12+s17], $0x50, $0x38;
	[tilespmem:$0x1E200] =	vst v63  }
0x85: {  	_ = 	snop  }
0x86: {  	[tilespmem:s11], [sflag:$0x7] =	stream.linear.gather @!p0 [hbm4b:s20+s17], $0x2800, $0x38;
	[tilespmem:$0x1E200] =	vst v63  }
0x87: {  	_ =	swait.ge [sflag:s6], $0x50  }
0x88: {  	[sflag:s6] =	ssyncset.done $0x0  }
0x89: {  	[sflag:s6] =	ssyncadd.s32 $0xFFFFFFB0  }
0x8a: {  	_ =	swait.ge [sflag:s8], $0x2800  }
0x8b: {  	[sflag:s8] =	ssyncset.done $0x0  }
.Ltmp2:
0x8c: {  	[sflag:s8] =	ssyncadd.s32 $0xFFFFD800;
	(pc) =	sbr.rel @p0 .LBB2_4-.Ltmp2, $4  }
0x8d: {  	[spmem:s2] =	stream.indirect.scatter.add.f32 [tilespmem:s31], [sflag:$0x9], $0x80, s30, s28, $0xb8;
	[tilespmem:$0x1E200] =	vst v63  }
0x8e: {  	_ =	swait.ge [sflag:s23], $0x2800  }
0x8f: {  	[sflag:s23] =	ssyncset.done $0x0  }
0x90: {  	[sflag:s23] =	ssyncadd.s32 $0xFFFFD800  }
.Ltmp3:
0x91: {  	s11 =	sadd.s32 $0x46, s16;
	(pc) =	sbr.rel .LBB2_2-.Ltmp3, $4  }
0x92: {  	[tilespmem:s30], [sflag:$0x4] =	stream.linear.gather [hbm4b:s11+s3], $0x50, $0x38;
	[tilespmem:$0x1E200] =	vst v63  }
0x93: {  	s14 =	sadd.s32 $0x28, s14;
	s20 =	sadd.s32 $0x1400, s20  }
0x94: {  	[tilespmem:s31], [sflag:$0x8] =	stream.linear.gather [hbm4b:s18+s3], $0x2800, $0x38;
	[tilespmem:$0x1E200] =	vst v63  }
0x95: {  	s21 =	sadd.s32 $0x1400, s21;
	s22 =	sadd.s32 $0xA000, s22;
	s18 =	sadd.s32 $0x1400, s18  }
.LBB2_5:
0x96: {  	_ =	sfence.sel $0x180000  }
0x97: {  	[bflag:$0x0] =	sbarrier.arrive $0xFFFF  }
0x98: {  	_ =	strace $0x9000004A  }
0x99: {  	s0 =	stileid.u32;
	[bflag:$0x2] =	sbarrier.arrive $0xFFFF  }
0x9a: {  	p0 =	sne.s32 s0, $0x0;
	s0 =	rddreg [dreg:$0x3]  }
0x9b: {  	s0 =	sadd.s32 @!p0 $0x100000, s0  }
0x9c: {  	[sflag:s0] =	ssyncadd.tile.s32 @!p0 $0x1;
	_ =	shalt  }
.Lfunc_end2:
_tile_overlayer_lowered:
.L_overlay_start_2:
0x9d: {  	(tag) =	ssettag $0x2  }
0x9e: {  	s0 =	rddreg [dreg:$0x0];
	s2 =	stileid.u32  }
0x9f: {  	s1 =	rddreg [dreg:$0x1];
	p0 =	sne.s32 s2, $0x0  }
0xa0: {  	s3 =	rddreg [dreg:$0x2];
	[bflag:$0x3] =	sbarrier.arrive $0xFFFF;
	s2 =	simm.s32 @!p0 $0x1C09  }
0xa1: {  	[timem:s3], [sflag:s2] =	dma.local @!p0 [hbm:s0], s1  }
0xa2: {  	s0 =	simm.s32 @!p0 $0x9  }
0xa3: {  	_ =	swait.ge @!p0 [sflag:s0], s1  }
0xa4: {  	s1 =	ssub.s32 @!p0 $0x0, s1;
	[sflag:s0] =	ssyncset.done @!p0 $0x0  }
0xa5: {  	[sflag:s0] =	ssyncadd.s32 @!p0 s1  }
0xa6: {  	[bflag:$0x3] =	sbarrier.arrive $0xFFFF  }
0xa7: {  	_ =	shalt  }

</sc_bundles>
